<compile_context>
chip_gen: v7x
topology: tpu7x:2x2x1
jax: 0.10.2.dev20260603
libtpu: 0.0.44.dev20260713+nightly
codegen_flags: <defaults>
</compile_context>

<pallas_src>
import jax
import jax.numpy as jnp
from jax import lax
from jax.experimental import pallas as pl
from jax.experimental.pallas import tpu as pltpu
from jax.experimental.pallas import tpu_sc as plsc

N = 10000
E = 320000
D = 128
HD = D // 2
N_CLS = 7

NC = 2
NS = 16
CH = 128
RTOT = E // CH
RBASE = RTOT // NS
REXTRA = RTOT % NS
RMAX = RBASE + 1
N_PAD = 10240
STRIPE = N_PAD // NS

NBUF = 4
NGRP = RBASE // NBUF

_MESH = plsc.VectorSubcoreMesh(core_axis_name="c", subcore_axis_name="s")
_UNTILED = pltpu.CompilerParams(use_tc_tiling_on_sc=False)


def _row_split(sid):
    base = RBASE * sid + jnp.minimum(sid, REXTRA)
    cnt = jnp.where(sid < REXTRA, RBASE + 1, RBASE)
    return base, cnt


def _deg_body(edges_hbm, ones_hbm, zeros_hbm, out_hbm, dst_v, ones_v, acc_sh):
    cid = lax.axis_index("c")
    sid = lax.axis_index("s")
    base, cnt = _row_split(sid)
    half0 = (cnt + 1) // 2
    lo = base + cid * half0
    cnt_c = jnp.where(cid == 0, half0, cnt - half0)
    pltpu.sync_copy(edges_hbm.at[1, pl.ds(lo, RBASE // 2)],
                    dst_v.at[pl.ds(0, RBASE // 2)])
    pltpu.sync_copy(ones_hbm, ones_v)
    pltpu.sync_copy(zeros_hbm, acc_sh.at[pl.ds(sid * STRIPE, STRIPE)])

    @pl.when(cnt_c > RBASE // 2)
    def _():
        pltpu.sync_copy(edges_hbm.at[1, pl.ds(lo + RBASE // 2, 1)],
                        dst_v.at[pl.ds(RBASE // 2, 1)])

    plsc.subcore_barrier()

    def step(t, carry):
        pltpu.sync_copy(ones_v, acc_sh.at[dst_v.at[t]], add=True)
        return carry

    lax.fori_loop(0, cnt_c, step, 0)
    plsc.subcore_barrier()
    pltpu.sync_copy(acc_sh.at[pl.ds(sid * STRIPE, STRIPE)],
                    out_hbm.at[cid, pl.ds(sid * STRIPE, STRIPE)])


_deg_call = pl.kernel(
    _deg_body,
    out_type=jax.ShapeDtypeStruct((NC, N_PAD, 16), jnp.float32),
    mesh=_MESH,
    compiler_params=_UNTILED,
    scratch_types=[
        pltpu.VMEM((RBASE // 2 + 1, CH), jnp.int32),
        pltpu.VMEM((CH, 16), jnp.float32),
        pltpu.VMEM_SHARED((N_PAD, 16), jnp.float32),
    ],
)


def _agg_body(y0_hbm, y1_hbm, edges_hbm, zeros_hbm, out_hbm,
              src_v, dst_v, rows0, rows1, rows2, rows3,
              g0, g1, g2, g3, acc_sh):
    bufs = (rows0, rows1, rows2, rows3)
    gsems = (g0, g1, g2, g3)
    cid = lax.axis_index("c")
    sid = lax.axis_index("s")
    base, cnt = _row_split(sid)
    pltpu.sync_copy(edges_hbm.at[0, pl.ds(base, RBASE)],
                    src_v.at[pl.ds(0, RBASE)])
    pltpu.sync_copy(edges_hbm.at[1, pl.ds(base, RBASE)],
                    dst_v.at[pl.ds(0, RBASE)])
    pltpu.sync_copy(zeros_hbm, acc_sh.at[pl.ds(sid * STRIPE, STRIPE)])

    @pl.when(cnt > RBASE)
    def _():
        pltpu.sync_copy(edges_hbm.at[0, pl.ds(base + RBASE, 1)],
                        src_v.at[pl.ds(RBASE, 1)])
        pltpu.sync_copy(edges_hbm.at[1, pl.ds(base + RBASE, 1)],
                        dst_v.at[pl.ds(RBASE, 1)])

    plsc.subcore_barrier()

    def pipeline(tbl):
        def gstart(j, b):
            pltpu.async_copy(tbl.at[src_v.at[j]], bufs[b], gsems[b])

        def gwait(j, b):
            pltpu.make_async_copy(tbl.at[src_v.at[j]], bufs[b],
                                  gsems[b]).wait()

        def scat(j, b):
            pltpu.sync_copy(bufs[b], acc_sh.at[dst_v.at[j]], add=True)

        for b in range(NBUF):
            gstart(b, b)

        def group(i, carry):
            j0 = NBUF * i
            for b in range(NBUF):
                gwait(j0 + b, b)
                scat(j0 + b, b)

                @pl.when(j0 + NBUF + b < cnt)
                def _(b=b):
                    gstart(j0 + NBUF + b, b)

            return carry

        lax.fori_loop(0, NGRP, group, 0)
        for jj in range(NGRP * NBUF, RBASE + 1):
            @pl.when(jj < cnt)
            def _(jj=jj):
                gwait(jj, jj % NBUF)
                scat(jj, jj % NBUF)

    @pl.when(cid == 0)
    def _():
        pipeline(y0_hbm)

    @pl.when(cid == 1)
    def _():
        pipeline(y1_hbm)

    plsc.subcore_barrier()
    pltpu.sync_copy(acc_sh.at[pl.ds(sid * STRIPE, STRIPE)],
                    out_hbm.at[cid, pl.ds(sid * STRIPE, STRIPE)])


_agg_call = pl.kernel(
    _agg_body,
    out_type=jax.ShapeDtypeStruct((NC, N_PAD, HD), jnp.float32),
    mesh=_MESH,
    compiler_params=_UNTILED,
    scratch_types=[
        pltpu.VMEM((RMAX, CH), jnp.int32),
        pltpu.VMEM((RMAX, CH), jnp.int32),
        pltpu.VMEM((CH, HD), jnp.float32),
        pltpu.VMEM((CH, HD), jnp.float32),
        pltpu.VMEM((CH, HD), jnp.float32),
        pltpu.VMEM((CH, HD), jnp.float32),
        pltpu.SemaphoreType.DMA,
        pltpu.SemaphoreType.DMA,
        pltpu.SemaphoreType.DMA,
        pltpu.SemaphoreType.DMA,
        pltpu.VMEM_SHARED((N_PAD, HD), jnp.float32),
    ],
)


BR = 2000


def _r_block(degp_ref):
    deg = 1.0 + degp_ref[0, :, 0] + degp_ref[1, :, 0]
    return lax.rsqrt(deg)[:, None]


def _tc_mm_body(x_ref, w_ref, xw_ref):
    xw_ref[...] = jnp.dot(x_ref[...], w_ref[...],
                          preferred_element_type=jnp.float32)


def _tc_a_body(xw_ref, degp_ref, y0_ref, y1_ref):
    y = xw_ref[...] * _r_block(degp_ref)
    y0_ref[...] = y[:, :HD]
    y1_ref[...] = y[:, HD:]


def _tc_mid_body(degp_ref, q_ref, y0_ref, y1_ref, b_ref, w_ref,
                 z0_ref, z1_ref):
    r = _r_block(degp_ref)
    agg = jnp.concatenate([q_ref[0] + y0_ref[...], q_ref[1] + y1_ref[...]],
                          axis=1)
    h = jnp.maximum(agg * r + b_ref[...], 0.0)
    z = jnp.dot(h, w_ref[...], preferred_element_type=jnp.float32) * r
    z0_ref[...] = z[:, :HD]
    z1_ref[...] = z[:, HD:]


def _tc_out_body(degp_ref, q_ref, y0_ref, y1_ref, b_ref, wc_ref, bc_ref,
                 o_ref):
    r = _r_block(degp_ref)
    agg = jnp.concatenate([q_ref[0] + y0_ref[...], q_ref[1] + y1_ref[...]],
                          axis=1)
    h = jnp.maximum(agg * r + b_ref[...], 0.0)
    o_ref[...] = jnp.dot(h, wc_ref[...],
                         preferred_element_type=jnp.float32) + bc_ref[...]


_degp_spec = pl.BlockSpec((2, BR, 16), lambda i: (0, i, 0))
_part_spec = pl.BlockSpec((2, BR, HD), lambda i: (0, i, 0))
_row_spec = pl.BlockSpec((BR, D), lambda i: (i, 0))
_half_spec = pl.BlockSpec((BR, HD), lambda i: (i, 0))
_full_spec = pl.BlockSpec((D, D), lambda i: (0, 0))
_bias_spec = pl.BlockSpec((1, D), lambda i: (0, 0))

_half_out = jax.ShapeDtypeStruct((N, HD), jnp.float32)

_tc_mm = pl.pallas_call(
    _tc_mm_body,
    grid=(N // BR,),
    in_specs=[_row_spec, _full_spec],
    out_specs=_row_spec,
    out_shape=jax.ShapeDtypeStruct((N, D), jnp.float32),
)

_tc_a = pl.pallas_call(
    _tc_a_body,
    grid=(N // BR,),
    in_specs=[_row_spec, _degp_spec],
    out_specs=[_half_spec, _half_spec],
    out_shape=[_half_out, _half_out],
)

_tc_mid = pl.pallas_call(
    _tc_mid_body,
    grid=(N // BR,),
    in_specs=[_degp_spec, _part_spec, _half_spec, _half_spec, _bias_spec,
              _full_spec],
    out_specs=[_half_spec, _half_spec],
    out_shape=[_half_out, _half_out],
)

_tc_out = pl.pallas_call(
    _tc_out_body,
    grid=(N // BR,),
    in_specs=[_degp_spec, _part_spec, _half_spec, _half_spec, _bias_spec,
              pl.BlockSpec((D, N_CLS), lambda i: (0, 0)),
              pl.BlockSpec((1, N_CLS), lambda i: (0, 0))],
    out_specs=pl.BlockSpec((BR, N_CLS), lambda i: (i, 0)),
    out_shape=jax.ShapeDtypeStruct((N, N_CLS), jnp.float32),
)


def kernel(x, edge_index, W1, b1, W2, b2, Wc, bc):
    edges = edge_index.reshape(2, RTOT, CH)
    zeros_h = jnp.zeros((STRIPE, HD), jnp.float32)
    zeros_16 = jnp.zeros((STRIPE, 16), jnp.float32)
    ones_16 = jnp.ones((CH, 16), jnp.float32)
    b1r = b1.reshape(1, D)
    b2r = b2.reshape(1, D)
    bcr = bc.reshape(1, N_CLS)

    degp = _deg_call(edges, ones_16, zeros_16)
    xw = _tc_mm(x, W1)
    y0, y1 = _tc_a(xw, degp)
    p = _agg_call(y0, y1, edges, zeros_h)
    z0, z1 = _tc_mid(degp, p, y0, y1, b1r, W2)
    q = _agg_call(z0, z1, edges, zeros_h)
    return _tc_out(degp, q, z0, z1, b2r, Wc, bcr)

# --- scband reference (transcript-rebuilt; emitter-appended) ---
"""Pipeline reference for scband-sentence-gnn-32976758899203 (READ-ONLY COPY).

The authoritative reference and input builder live on the scoring server;
editing this copy changes nothing except your own understanding.
"""

import jax, jax.numpy as jnp
import numpy as np

N = 10000
E = 320000
D_IN = 128
D_H = 128
N_CLS = 7


def setup_inputs(seed: int = 0) -> dict:
    key = jax.random.key(seed)
    ks = jax.random.split(key, 8)
    x = jax.random.normal(ks[0], (N, D_IN), dtype=jnp.float32)
    edge_index = jax.random.randint(ks[1], (2, E), 0, N, dtype=jnp.int32)
    W1 = jax.random.normal(ks[2], (D_IN, D_H), dtype=jnp.float32) * (1.0 / np.sqrt(D_IN))
    b1 = jnp.zeros((D_H,), dtype=jnp.float32)
    W2 = jax.random.normal(ks[3], (D_H, D_H), dtype=jnp.float32) * (1.0 / np.sqrt(D_H))
    b2 = jnp.zeros((D_H,), dtype=jnp.float32)
    Wc = jax.random.normal(ks[4], (D_H, N_CLS), dtype=jnp.float32) * (1.0 / np.sqrt(D_H))
    bc = jnp.zeros((N_CLS,), dtype=jnp.float32)
    return {"x": x, "edge_index": edge_index, "W1": W1, "b1": b1, "W2": W2, "b2": b2, "Wc": Wc, "bc": bc}


def _gcn_conv(x, edge_index, W, b):
    # PyG GCNConv: linear transform, add self-loops, symmetric normalization,
    # scatter-add aggregation from src -> dst, then bias.
    xw = x @ W
    n = xw.shape[0]
    loop = jnp.arange(n, dtype=edge_index.dtype)
    src = jnp.concatenate([edge_index[0], loop])
    dst = jnp.concatenate([edge_index[1], loop])
    ones = jnp.ones(src.shape[0], dtype=xw.dtype)
    deg = jax.ops.segment_sum(ones, dst, num_segments=n)
    deg_inv_sqrt = jnp.where(deg > 0, jax.lax.rsqrt(jnp.maximum(deg, 1e-12)), 0.0)
    norm = deg_inv_sqrt[src] * deg_inv_sqrt[dst]
    msg = xw[src] * norm[:, None]
    out = jax.ops.segment_sum(msg, dst, num_segments=n)
    return out + b


def reference(x, edge_index, W1, b1, W2, b2, Wc, bc):
    h = _gcn_conv(x, edge_index, W1, b1)
    h = jax.nn.relu(h)
    h = _gcn_conv(h, edge_index, W2, b2)
    h = jax.nn.relu(h)
    logits = h @ Wc + bc
    return logits

if __name__ == "__main__":
    import jax
    _d = setup_inputs()
    print(jax.jit(kernel)(*tuple(_d.values())))

</pallas_src>

<mosaic_0001>
#map = affine_map<(d0, d1) -> (0, 0)>
#map1 = affine_map<(d0, d1) -> (0, 0, 0)>
module attributes {stable_mosaic.version = 14 : i64} {
  func.func @_agg_body(%arg0: i32, %arg1: i32, %arg2: memref<10000x64xf32, #tpu.memory_space<hbm>>, %arg3: memref<10000x64xf32, #tpu.memory_space<hbm>>, %arg4: memref<2x2500x128xi32, #tpu.memory_space<hbm>>, %arg5: memref<640x64xf32, #tpu.memory_space<hbm>>, %arg6: memref<2x10240x64xf32, #tpu.memory_space<hbm>>, %arg7: memref<157x128xi32, #tpu.memory_space<vmem>>, %arg8: memref<157x128xi32, #tpu.memory_space<vmem>>, %arg9: memref<128x64xf32, #tpu.memory_space<vmem>>, %arg10: memref<128x64xf32, #tpu.memory_space<vmem>>, %arg11: memref<128x64xf32, #tpu.memory_space<vmem>>, %arg12: memref<128x64xf32, #tpu.memory_space<vmem>>, %arg13: memref<!tpu.dma_semaphore, #tpu.memory_space<semaphore_mem>>, %arg14: memref<!tpu.dma_semaphore, #tpu.memory_space<semaphore_mem>>, %arg15: memref<!tpu.dma_semaphore, #tpu.memory_space<semaphore_mem>>, %arg16: memref<!tpu.dma_semaphore, #tpu.memory_space<semaphore_mem>>, %arg17: memref<10240x64xf32, #tpu.memory_space<vmem_shared>>) attributes {dimension_semantics = [#tpu.dimension_semantics<core_parallel>, #tpu.dimension_semantics<subcore_parallel>], iteration_bounds = array<i64: 2, 16>, scalar_prefetch = 0 : i64, scratch_operands = 11 : i64, tpu.core_type = #tpu.core_type<sc_vector_subcore>, window_params = [{transform_indices = #map}, {transform_indices = #map}, {transform_indices = #map1}, {transform_indices = #map}, {transform_indices = #map1}]} {
    %mul3A = arith.constant 156 : i32
    %mul3A_0 = arith.muli %mul3A, %arg1 : i32
    %min3A = arith.constant 4 : i32
    %min3A_1 = arith.minsi %arg1, %min3A : i32
    %add3A = arith.addi %mul3A_0, %min3A_1 : i32
    %lt3A = arith.constant 4 : i32
    %lt3A_2 = arith.cmpi slt, %arg1, %lt3A : i32
    %jit3A = arith.constant 157 : i32
    %jit3A_3 = arith.constant 156 : i32
    %select_n3A = arith.select %lt3A_2, %jit3A, %jit3A_3 : i32
    %run_scoped3A = arith.constant 0 : i32
    "tpu.region"() ({
      %run_scoped3A_23 = tpu.sem_alloc : memref<!tpu.dma_semaphore, #tpu.memory_space<semaphore_mem>>
      %dma_start3A = arith.constant 0 : i32
      %dma_start3A_24 = arith.constant 0 : i32
      %dma_start3A_25 = tpu.memref_slice %arg7[%dma_start3A, %dma_start3A_24] : memref<157x128xi32, #tpu.memory_space<vmem>> -> memref<156x128xi32, #tpu.memory_space<vmem>>
      %dma_start3A_26 = arith.constant 0 : i32
      %dma_start3A_27 = tpu.memref_slice %arg4[%run_scoped3A, %add3A, %dma_start3A_26] : memref<2x2500x128xi32, #tpu.memory_space<hbm>> -> memref<1x156x128xi32, #tpu.memory_space<hbm>>
      %dma_start3A_28 = tpu.memref_squeeze %dma_start3A_27 : memref<1x156x128xi32, #tpu.memory_space<hbm>> -> memref<156x128xi32, #tpu.memory_space<hbm>>
      %dma_start3A_29 = arith.constant 0 : i32
      %dma_start3A_30 = arith.constant 0 : i32
      %dma_start3A_31 = tpu.memref_slice %arg7[%dma_start3A_29, %dma_start3A_30] : memref<157x128xi32, #tpu.memory_space<vmem>> -> memref<156x128xi32, #tpu.memory_space<vmem>>
      %dma_start3A_32 = arith.constant 0 : i32
      %dma_start3A_33 = tpu.memref_slice %arg4[%run_scoped3A, %add3A, %dma_start3A_32] : memref<2x2500x128xi32, #tpu.memory_space<hbm>> -> memref<1x156x128xi32, #tpu.memory_space<hbm>>
      %dma_start3A_34 = tpu.memref_squeeze %dma_start3A_33 : memref<1x156x128xi32, #tpu.memory_space<hbm>> -> memref<156x128xi32, #tpu.memory_space<hbm>>
      tpu.enqueue_dma source(%dma_start3A_34 : memref<156x128xi32, #tpu.memory_space<hbm>>) target(%dma_start3A_31 : memref<156x128xi32, #tpu.memory_space<vmem>>) target_semaphore(%run_scoped3A_23 : memref<!tpu.dma_semaphore, #tpu.memory_space<semaphore_mem>>)
      %dma_wait3A = arith.constant 0 : i32
      %dma_wait3A_35 = arith.constant 0 : i32
      %dma_wait3A_36 = tpu.memref_slice %arg7[%dma_wait3A, %dma_wait3A_35] : memref<157x128xi32, #tpu.memory_space<vmem>> -> memref<156x128xi32, #tpu.memory_space<vmem>>
      %dma_wait3A_37 = arith.constant 0 : i32
      %dma_wait3A_38 = tpu.memref_slice %arg4[%run_scoped3A, %add3A, %dma_wait3A_37] : memref<2x2500x128xi32, #tpu.memory_space<hbm>> -> memref<1x156x128xi32, #tpu.memory_space<hbm>>
      %dma_wait3A_39 = tpu.memref_squeeze %dma_wait3A_38 : memref<1x156x128xi32, #tpu.memory_space<hbm>> -> memref<156x128xi32, #tpu.memory_space<hbm>>
      %dma_wait3A_40 = arith.constant 0 : i32
      %dma_wait3A_41 = arith.constant 0 : i32
      %dma_wait3A_42 = tpu.memref_slice %arg7[%dma_wait3A_40, %dma_wait3A_41] : memref<157x128xi32, #tpu.memory_space<vmem>> -> memref<156x128xi32, #tpu.memory_space<vmem>>
      %dma_wait3A_43 = arith.constant 0 : i32
      %dma_wait3A_44 = tpu.memref_slice %arg4[%run_scoped3A, %add3A, %dma_wait3A_43] : memref<2x2500x128xi32, #tpu.memory_space<hbm>> -> memref<1x156x128xi32, #tpu.memory_space<hbm>>
      %dma_wait3A_45 = tpu.memref_squeeze %dma_wait3A_44 : memref<1x156x128xi32, #tpu.memory_space<hbm>> -> memref<156x128xi32, #tpu.memory_space<hbm>>
      tpu.wait_dma2 semaphore(%run_scoped3A_23 : memref<!tpu.dma_semaphore, #tpu.memory_space<semaphore_mem>>) src(%dma_wait3A_45 : memref<156x128xi32, #tpu.memory_space<hbm>>) dst(%dma_wait3A_42 : memref<156x128xi32, #tpu.memory_space<vmem>>)
      tpu.yield
    }) : () -> ()
    %run_scoped3A_4 = arith.constant 1 : i32
    "tpu.region"() ({
      %run_scoped3A_23 = tpu.sem_alloc : memref<!tpu.dma_semaphore, #tpu.memory_space<semaphore_mem>>
      %dma_start3A = arith.constant 0 : i32
      %dma_start3A_24 = arith.constant 0 : i32
      %dma_start3A_25 = tpu.memref_slice %arg8[%dma_start3A, %dma_start3A_24] : memref<157x128xi32, #tpu.memory_space<vmem>> -> memref<156x128xi32, #tpu.memory_space<vmem>>
      %dma_start3A_26 = arith.constant 0 : i32
      %dma_start3A_27 = tpu.memref_slice %arg4[%run_scoped3A_4, %add3A, %dma_start3A_26] : memref<2x2500x128xi32, #tpu.memory_space<hbm>> -> memref<1x156x128xi32, #tpu.memory_space<hbm>>
      %dma_start3A_28 = tpu.memref_squeeze %dma_start3A_27 : memref<1x156x128xi32, #tpu.memory_space<hbm>> -> memref<156x128xi32, #tpu.memory_space<hbm>>
      %dma_start3A_29 = arith.constant 0 : i32
      %dma_start3A_30 = arith.constant 0 : i32
      %dma_start3A_31 = tpu.memref_slice %arg8[%dma_start3A_29, %dma_start3A_30] : memref<157x128xi32, #tpu.memory_space<vmem>> -> memref<156x128xi32, #tpu.memory_space<vmem>>
      %dma_start3A_32 = arith.constant 0 : i32
      %dma_start3A_33 = tpu.memref_slice %arg4[%run_scoped3A_4, %add3A, %dma_start3A_32] : memref<2x2500x128xi32, #tpu.memory_space<hbm>> -> memref<1x156x128xi32, #tpu.memory_space<hbm>>
      %dma_start3A_34 = tpu.memref_squeeze %dma_start3A_33 : memref<1x156x128xi32, #tpu.memory_space<hbm>> -> memref<156x128xi32, #tpu.memory_space<hbm>>
      tpu.enqueue_dma source(%dma_start3A_34 : memref<156x128xi32, #tpu.memory_space<hbm>>) target(%dma_start3A_31 : memref<156x128xi32, #tpu.memory_space<vmem>>) target_semaphore(%run_scoped3A_23 : memref<!tpu.dma_semaphore, #tpu.memory_space<semaphore_mem>>)
      %dma_wait3A = arith.constant 0 : i32
      %dma_wait3A_35 = arith.constant 0 : i32
      %dma_wait3A_36 = tpu.memref_slice %arg8[%dma_wait3A, %dma_wait3A_35] : memref<157x128xi32, #tpu.memory_space<vmem>> -> memref<156x128xi32, #tpu.memory_space<vmem>>
      %dma_wait3A_37 = arith.constant 0 : i32
      %dma_wait3A_38 = tpu.memref_slice %arg4[%run_scoped3A_4, %add3A, %dma_wait3A_37] : memref<2x2500x128xi32, #tpu.memory_space<hbm>> -> memref<1x156x128xi32, #tpu.memory_space<hbm>>
      %dma_wait3A_39 = tpu.memref_squeeze %dma_wait3A_38 : memref<1x156x128xi32, #tpu.memory_space<hbm>> -> memref<156x128xi32, #tpu.memory_space<hbm>>
      %dma_wait3A_40 = arith.constant 0 : i32
      %dma_wait3A_41 = arith.constant 0 : i32
      %dma_wait3A_42 = tpu.memref_slice %arg8[%dma_wait3A_40, %dma_wait3A_41] : memref<157x128xi32, #tpu.memory_space<vmem>> -> memref<156x128xi32, #tpu.memory_space<vmem>>
      %dma_wait3A_43 = arith.constant 0 : i32
      %dma_wait3A_44 = tpu.memref_slice %arg4[%run_scoped3A_4, %add3A, %dma_wait3A_43] : memref<2x2500x128xi32, #tpu.memory_space<hbm>> -> memref<1x156x128xi32, #tpu.memory_space<hbm>>
      %dma_wait3A_45 = tpu.memref_squeeze %dma_wait3A_44 : memref<1x156x128xi32, #tpu.memory_space<hbm>> -> memref<156x128xi32, #tpu.memory_space<hbm>>
      tpu.wait_dma2 semaphore(%run_scoped3A_23 : memref<!tpu.dma_semaphore, #tpu.memory_space<semaphore_mem>>) src(%dma_wait3A_45 : memref<156x128xi32, #tpu.memory_space<hbm>>) dst(%dma_wait3A_42 : memref<156x128xi32, #tpu.memory_space<vmem>>)
      tpu.yield
    }) : () -> ()
    %mul3A_5 = arith.constant 640 : i32
    %mul3A_6 = arith.muli %arg1, %mul3A_5 : i32
    "tpu.region"() ({
      %run_scoped3A_23 = tpu.sem_alloc : memref<!tpu.dma_semaphore, #tpu.memory_space<semaphore_mem>>
      %dma_start3A = arith.constant 0 : i32
      %dma_start3A_24 = tpu.memref_slice %arg17[%mul3A_6, %dma_start3A] : memref<10240x64xf32, #tpu.memory_space<vmem_shared>> -> memref<640x64xf32, #tpu.memory_space<vmem_shared>>
      tpu.enqueue_dma source(%arg5 : memref<640x64xf32, #tpu.memory_space<hbm>>) target(%dma_start3A_24 : memref<640x64xf32, #tpu.memory_space<vmem_shared>>) target_semaphore(%run_scoped3A_23 : memref<!tpu.dma_semaphore, #tpu.memory_space<semaphore_mem>>)
      %dma_wait3A = arith.constant 0 : i32
      %dma_wait3A_25 = tpu.memref_slice %arg17[%mul3A_6, %dma_wait3A] : memref<10240x64xf32, #tpu.memory_space<vmem_shared>> -> memref<640x64xf32, #tpu.memory_space<vmem_shared>>
      tpu.wait_dma2 semaphore(%run_scoped3A_23 : memref<!tpu.dma_semaphore, #tpu.memory_space<semaphore_mem>>) src(%arg5 : memref<640x64xf32, #tpu.memory_space<hbm>>) dst(%dma_wait3A_25 : memref<640x64xf32, #tpu.memory_space<vmem_shared>>)
      tpu.yield
    }) : () -> ()
    %gt3A = arith.constant 156 : i32
    %gt3A_7 = arith.cmpi sgt, %select_n3A, %gt3A : i32
    %convert_element_type3A = arith.extui %gt3A_7 : i1 to i32
    %cond3A = arith.constant 0 : i32
    %cond3A_8 = arith.cmpi ne, %convert_element_type3A, %cond3A : i32
    scf.if %cond3A_8 {
      %add3A_23 = arith.constant 156 : i32
      %add3A_24 = arith.addi %add3A, %add3A_23 : i32
      %run_scoped3A_25 = arith.constant 0 : i32
      "tpu.region"() ({
        %run_scoped3A_29 = tpu.sem_alloc : memref<!tpu.dma_semaphore, #tpu.memory_space<semaphore_mem>>
        %dma_start3A = arith.constant 156 : i32
        %dma_start3A_30 = arith.constant 0 : i32
        %dma_start3A_31 = tpu.memref_slice %arg7[%dma_start3A, %dma_start3A_30] : memref<157x128xi32, #tpu.memory_space<vmem>> -> memref<1x128xi32, #tpu.memory_space<vmem>>
        %dma_start3A_32 = arith.constant 0 : i32
        %dma_start3A_33 = tpu.memref_slice %arg4[%run_scoped3A_25, %add3A_24, %dma_start3A_32] : memref<2x2500x128xi32, #tpu.memory_space<hbm>> -> memref<1x1x128xi32, #tpu.memory_space<hbm>>
        %dma_start3A_34 = tpu.memref_squeeze %dma_start3A_33 : memref<1x1x128xi32, #tpu.memory_space<hbm>> -> memref<1x128xi32, #tpu.memory_space<hbm>>
        %dma_start3A_35 = arith.constant 156 : i32
        %dma_start3A_36 = arith.constant 0 : i32
        %dma_start3A_37 = tpu.memref_slice %arg7[%dma_start3A_35, %dma_start3A_36] : memref<157x128xi32, #tpu.memory_space<vmem>> -> memref<1x128xi32, #tpu.memory_space<vmem>>
        %dma_start3A_38 = arith.constant 0 : i32
        %dma_start3A_39 = tpu.memref_slice %arg4[%run_scoped3A_25, %add3A_24, %dma_start3A_38] : memref<2x2500x128xi32, #tpu.memory_space<hbm>> -> memref<1x1x128xi32, #tpu.memory_space<hbm>>
        %dma_start3A_40 = tpu.memref_squeeze %dma_start3A_39 : memref<1x1x128xi32, #tpu.memory_space<hbm>> -> memref<1x128xi32, #tpu.memory_space<hbm>>
        tpu.enqueue_dma source(%dma_start3A_40 : memref<1x128xi32, #tpu.memory_space<hbm>>) target(%dma_start3A_37 : memref<1x128xi32, #tpu.memory_space<vmem>>) target_semaphore(%run_scoped3A_29 : memref<!tpu.dma_semaphore, #tpu.memory_space<semaphore_mem>>)
        %dma_wait3A = arith.constant 156 : i32
        %dma_wait3A_41 = arith.constant 0 : i32
        %dma_wait3A_42 = tpu.memref_slice %arg7[%dma_wait3A, %dma_wait3A_41] : memref<157x128xi32, #tpu.memory_space<vmem>> -> memref<1x128xi32, #tpu.memory_space<vmem>>
        %dma_wait3A_43 = arith.constant 0 : i32
        %dma_wait3A_44 = tpu.memref_slice %arg4[%run_scoped3A_25, %add3A_24, %dma_wait3A_43] : memref<2x2500x128xi32, #tpu.memory_space<hbm>> -> memref<1x1x128xi32, #tpu.memory_space<hbm>>
        %dma_wait3A_45 = tpu.memref_squeeze %dma_wait3A_44 : memref<1x1x128xi32, #tpu.memory_space<hbm>> -> memref<1x128xi32, #tpu.memory_space<hbm>>
        %dma_wait3A_46 = arith.constant 156 : i32
        %dma_wait3A_47 = arith.constant 0 : i32
        %dma_wait3A_48 = tpu.memref_slice %arg7[%dma_wait3A_46, %dma_wait3A_47] : memref<157x128xi32, #tpu.memory_space<vmem>> -> memref<1x128xi32, #tpu.memory_space<vmem>>
        %dma_wait3A_49 = arith.constant 0 : i32
        %dma_wait3A_50 = tpu.memref_slice %arg4[%run_scoped3A_25, %add3A_24, %dma_wait3A_49] : memref<2x2500x128xi32, #tpu.memory_space<hbm>> -> memref<1x1x128xi32, #tpu.memory_space<hbm>>
        %dma_wait3A_51 = tpu.memref_squeeze %dma_wait3A_50 : memref<1x1x128xi32, #tpu.memory_space<hbm>> -> memref<1x128xi32, #tpu.memory_space<hbm>>
        tpu.wait_dma2 semaphore(%run_scoped3A_29 : memref<!tpu.dma_semaphore, #tpu.memory_space<semaphore_mem>>) src(%dma_wait3A_51 : memref<1x128xi32, #tpu.memory_space<hbm>>) dst(%dma_wait3A_48 : memref<1x128xi32, #tpu.memory_space<vmem>>)
        tpu.yield
      }) : () -> ()
      %add3A_26 = arith.constant 156 : i32
      %add3A_27 = arith.addi %add3A, %add3A_26 : i32
      %run_scoped3A_28 = arith.constant 1 : i32
      "tpu.region"() ({
        %run_scoped3A_29 = tpu.sem_alloc : memref<!tpu.dma_semaphore, #tpu.memory_space<semaphore_mem>>
        %dma_start3A = arith.constant 156 : i32
        %dma_start3A_30 = arith.constant 0 : i32
        %dma_start3A_31 = tpu.memref_slice %arg8[%dma_start3A, %dma_start3A_30] : memref<157x128xi32, #tpu.memory_space<vmem>> -> memref<1x128xi32, #tpu.memory_space<vmem>>
        %dma_start3A_32 = arith.constant 0 : i32
        %dma_start3A_33 = tpu.memref_slice %arg4[%run_scoped3A_28, %add3A_27, %dma_start3A_32] : memref<2x2500x128xi32, #tpu.memory_space<hbm>> -> memref<1x1x128xi32, #tpu.memory_space<hbm>>
        %dma_start3A_34 = tpu.memref_squeeze %dma_start3A_33 : memref<1x1x128xi32, #tpu.memory_space<hbm>> -> memref<1x128xi32, #tpu.memory_space<hbm>>
        %dma_start3A_35 = arith.constant 156 : i32
        %dma_start3A_36 = arith.constant 0 : i32
        %dma_start3A_37 = tpu.memref_slice %arg8[%dma_start3A_35, %dma_start3A_36] : memref<157x128xi32, #tpu.memory_space<vmem>> -> memref<1x128xi32, #tpu.memory_space<vmem>>
        %dma_start3A_38 = arith.constant 0 : i32
        %dma_start3A_39 = tpu.memref_slice %arg4[%run_scoped3A_28, %add3A_27, %dma_start3A_38] : memref<2x2500x128xi32, #tpu.memory_space<hbm>> -> memref<1x1x128xi32, #tpu.memory_space<hbm>>
        %dma_start3A_40 = tpu.memref_squeeze %dma_start3A_39 : memref<1x1x128xi32, #tpu.memory_space<hbm>> -> memref<1x128xi32, #tpu.memory_space<hbm>>
        tpu.enqueue_dma source(%dma_start3A_40 : memref<1x128xi32, #tpu.memory_space<hbm>>) target(%dma_start3A_37 : memref<1x128xi32, #tpu.memory_space<vmem>>) target_semaphore(%run_scoped3A_29 : memref<!tpu.dma_semaphore, #tpu.memory_space<semaphore_mem>>)
        %dma_wait3A = arith.constant 156 : i32
        %dma_wait3A_41 = arith.constant 0 : i32
        %dma_wait3A_42 = tpu.memref_slice %arg8[%dma_wait3A, %dma_wait3A_41] : memref<157x128xi32, #tpu.memory_space<vmem>> -> memref<1x128xi32, #tpu.memory_space<vmem>>
        %dma_wait3A_43 = arith.constant 0 : i32
        %dma_wait3A_44 = tpu.memref_slice %arg4[%run_scoped3A_28, %add3A_27, %dma_wait3A_43] : memref<2x2500x128xi32, #tpu.memory_space<hbm>> -> memref<1x1x128xi32, #tpu.memory_space<hbm>>
        %dma_wait3A_45 = tpu.memref_squeeze %dma_wait3A_44 : memref<1x1x128xi32, #tpu.memory_space<hbm>> -> memref<1x128xi32, #tpu.memory_space<hbm>>
        %dma_wait3A_46 = arith.constant 156 : i32
        %dma_wait3A_47 = arith.constant 0 : i32
        %dma_wait3A_48 = tpu.memref_slice %arg8[%dma_wait3A_46, %dma_wait3A_47] : memref<157x128xi32, #tpu.memory_space<vmem>> -> memref<1x128xi32, #tpu.memory_space<vmem>>
        %dma_wait3A_49 = arith.constant 0 : i32
        %dma_wait3A_50 = tpu.memref_slice %arg4[%run_scoped3A_28, %add3A_27, %dma_wait3A_49] : memref<2x2500x128xi32, #tpu.memory_space<hbm>> -> memref<1x1x128xi32, #tpu.memory_space<hbm>>
        %dma_wait3A_51 = tpu.memref_squeeze %dma_wait3A_50 : memref<1x1x128xi32, #tpu.memory_space<hbm>> -> memref<1x128xi32, #tpu.memory_space<hbm>>
        tpu.wait_dma2 semaphore(%run_scoped3A_29 : memref<!tpu.dma_semaphore, #tpu.memory_space<semaphore_mem>>) src(%dma_wait3A_51 : memref<1x128xi32, #tpu.memory_space<hbm>>) dst(%dma_wait3A_48 : memref<1x128xi32, #tpu.memory_space<vmem>>)
        tpu.yield
      }) : () -> ()
    } else {
    }
    %barrier3A = arith.constant 0 : index
    tpu.barrier barrier_id(%barrier3A)
    %eq3A = arith.constant 0 : i32
    %eq3A_9 = arith.cmpi eq, %arg0, %eq3A : i32
    %convert_element_type3A_10 = arith.extui %eq3A_9 : i1 to i32
    %cond3A_11 = arith.constant 0 : i32
    %cond3A_12 = arith.cmpi ne, %convert_element_type3A_10, %cond3A_11 : i32
    scf.if %cond3A_12 {
      %dma_start3A = arith.constant 0 : i32
      %dma_start3A_23 = arith.constant 0 : i32
      %dma_start3A_24 = tpu.memref_slice %arg7[%dma_start3A, %dma_start3A_23] : memref<157x128xi32, #tpu.memory_space<vmem>> -> memref<1x128xi32, #tpu.memory_space<vmem>>
      %dma_start3A_25 = tpu.memref_squeeze %dma_start3A_24 : memref<1x128xi32, #tpu.memory_space<vmem>> -> memref<128xi32, #tpu.memory_space<vmem>>
      %dma_start3A_26 = arith.constant 0 : i32
      %dma_start3A_27 = arith.constant 0 : i32
      %dma_start3A_28 = tpu.memref_slice %arg2[%dma_start3A_26, %dma_start3A_27] : memref<10000x64xf32, #tpu.memory_space<hbm>> -> memref<10000x64xf32, #tpu.memory_space<hbm>>
      tpu.enqueue_indirect_dma source(%dma_start3A_28 : memref<10000x64xf32, #tpu.memory_space<hbm>>) target(%arg9 : memref<128x64xf32, #tpu.memory_space<vmem>>) offsets(%dma_start3A_25 : memref<128xi32, #tpu.memory_space<vmem>>) semaphore(%arg13 : memref<!tpu.dma_semaphore, #tpu.memory_space<semaphore_mem>>)
      %dma_start3A_29 = arith.constant 1 : i32
      %dma_start3A_30 = arith.constant 0 : i32
      %dma_start3A_31 = tpu.memref_slice %arg7[%dma_start3A_29, %dma_start3A_30] : memref<157x128xi32, #tpu.memory_space<vmem>> -> memref<1x128xi32, #tpu.memory_space<vmem>>
      %dma_start3A_32 = tpu.memref_squeeze %dma_start3A_31 : memref<1x128xi32, #tpu.memory_space<vmem>> -> memref<128xi32, #tpu.memory_space<vmem>>
      %dma_start3A_33 = arith.constant 0 : i32
      %dma_start3A_34 = arith.constant 0 : i32
      %dma_start3A_35 = tpu.memref_slice %arg2[%dma_start3A_33, %dma_start3A_34] : memref<10000x64xf32, #tpu.memory_space<hbm>> -> memref<10000x64xf32, #tpu.memory_space<hbm>>
      tpu.enqueue_indirect_dma source(%dma_start3A_35 : memref<10000x64xf32, #tpu.memory_space<hbm>>) target(%arg10 : memref<128x64xf32, #tpu.memory_space<vmem>>) offsets(%dma_start3A_32 : memref<128xi32, #tpu.memory_space<vmem>>) semaphore(%arg14 : memref<!tpu.dma_semaphore, #tpu.memory_space<semaphore_mem>>)
      %dma_start3A_36 = arith.constant 2 : i32
      %dma_start3A_37 = arith.constant 0 : i32
      %dma_start3A_38 = tpu.memref_slice %arg7[%dma_start3A_36, %dma_start3A_37] : memref<157x128xi32, #tpu.memory_space<vmem>> -> memref<1x128xi32, #tpu.memory_space<vmem>>
      %dma_start3A_39 = tpu.memref_squeeze %dma_start3A_38 : memref<1x128xi32, #tpu.memory_space<vmem>> -> memref<128xi32, #tpu.memory_space<vmem>>
      %dma_start3A_40 = arith.constant 0 : i32
      %dma_start3A_41 = arith.constant 0 : i32
      %dma_start3A_42 = tpu.memref_slice %arg2[%dma_start3A_40, %dma_start3A_41] : memref<10000x64xf32, #tpu.memory_space<hbm>> -> memref<10000x64xf32, #tpu.memory_space<hbm>>
      tpu.enqueue_indirect_dma source(%dma_start3A_42 : memref<10000x64xf32, #tpu.memory_space<hbm>>) target(%arg11 : memref<128x64xf32, #tpu.memory_space<vmem>>) offsets(%dma_start3A_39 : memref<128xi32, #tpu.memory_space<vmem>>) semaphore(%arg15 : memref<!tpu.dma_semaphore, #tpu.memory_space<semaphore_mem>>)
      %dma_start3A_43 = arith.constant 3 : i32
      %dma_start3A_44 = arith.constant 0 : i32
      %dma_start3A_45 = tpu.memref_slice %arg7[%dma_start3A_43, %dma_start3A_44] : memref<157x128xi32, #tpu.memory_space<vmem>> -> memref<1x128xi32, #tpu.memory_space<vmem>>
      %dma_start3A_46 = tpu.memref_squeeze %dma_start3A_45 : memref<1x128xi32, #tpu.memory_space<vmem>> -> memref<128xi32, #tpu.memory_space<vmem>>
      %dma_start3A_47 = arith.constant 0 : i32
      %dma_start3A_48 = arith.constant 0 : i32
      %dma_start3A_49 = tpu.memref_slice %arg2[%dma_start3A_47, %dma_start3A_48] : memref<10000x64xf32, #tpu.memory_space<hbm>> -> memref<10000x64xf32, #tpu.memory_space<hbm>>
      tpu.enqueue_indirect_dma source(%dma_start3A_49 : memref<10000x64xf32, #tpu.memory_space<hbm>>) target(%arg12 : memref<128x64xf32, #tpu.memory_space<vmem>>) offsets(%dma_start3A_46 : memref<128xi32, #tpu.memory_space<vmem>>) semaphore(%arg16 : memref<!tpu.dma_semaphore, #tpu.memory_space<semaphore_mem>>)
      %scan3A = arith.constant 0 : i32
      %scan3A_50 = arith.constant 0 : i32
      %scan3A_51 = arith.constant 39 : i32
      %scan3A_52 = arith.addi %scan3A_50, %scan3A_51 : i32
      %scan3A_53 = arith.constant 1 : i32
      scf.for %scan3A_60 = %scan3A_50 to %scan3A_52 step %scan3A_53  : i32 {
        %mul3A_61 = arith.constant 4 : i32
        %mul3A_62 = arith.muli %mul3A_61, %scan3A_60 : i32
        %add3A_63 = arith.constant 0 : i32
        %add3A_64 = arith.addi %mul3A_62, %add3A_63 : i32
        %dma_wait3A = arith.constant 0 : i32
        %dma_wait3A_65 = tpu.memref_slice %arg7[%add3A_64, %dma_wait3A] : memref<157x128xi32, #tpu.memory_space<vmem>> -> memref<1x128xi32, #tpu.memory_space<vmem>>
        %dma_wait3A_66 = tpu.memref_squeeze %dma_wait3A_65 : memref<1x128xi32, #tpu.memory_space<vmem>> -> memref<128xi32, #tpu.memory_space<vmem>>
        %dma_wait3A_67 = arith.constant 0 : i32
        %dma_wait3A_68 = arith.constant 0 : i32
        %dma_wait3A_69 = tpu.memref_slice %arg2[%dma_wait3A_67, %dma_wait3A_68] : memref<10000x64xf32, #tpu.memory_space<hbm>> -> memref<10000x64xf32, #tpu.memory_space<hbm>>
        tpu.wait_indirect_dma semaphore(%arg13 : memref<!tpu.dma_semaphore, #tpu.memory_space<semaphore_mem>>) src(%dma_wait3A_69 : memref<10000x64xf32, #tpu.memory_space<hbm>>) dst(%arg9 : memref<128x64xf32, #tpu.memory_space<vmem>>)
        %add3A_70 = arith.constant 0 : i32
        %add3A_71 = arith.addi %mul3A_62, %add3A_70 : i32
        "tpu.region"() ({
          %run_scoped3A_134 = tpu.sem_alloc : memref<!tpu.dma_semaphore, #tpu.memory_space<semaphore_mem>>
          %dma_start3A_135 = arith.constant 0 : i32
          %dma_start3A_136 = tpu.memref_slice %arg8[%add3A_71, %dma_start3A_135] : memref<157x128xi32, #tpu.memory_space<vmem>> -> memref<1x128xi32, #tpu.memory_space<vmem>>
          %dma_start3A_137 = tpu.memref_squeeze %dma_start3A_136 : memref<1x128xi32, #tpu.memory_space<vmem>> -> memref<128xi32, #tpu.memory_space<vmem>>
          %dma_start3A_138 = arith.constant 0 : i32
          %dma_start3A_139 = arith.constant 0 : i32
          %dma_start3A_140 = tpu.memref_slice %arg17[%dma_start3A_138, %dma_start3A_139] : memref<10240x64xf32, #tpu.memory_space<vmem_shared>> -> memref<10240x64xf32, #tpu.memory_space<vmem_shared>>
          tpu.enqueue_indirect_dma source(%arg9 : memref<128x64xf32, #tpu.memory_space<vmem>>) target(%dma_start3A_140 : memref<10240x64xf32, #tpu.memory_space<vmem_shared>>) offsets(%dma_start3A_137 : memref<128xi32, #tpu.memory_space<vmem>>) semaphore(%run_scoped3A_134 : memref<!tpu.dma_semaphore, #tpu.memory_space<semaphore_mem>>) {add = true}
          %dma_wait3A_141 = arith.constant 0 : i32
          %dma_wait3A_142 = tpu.memref_slice %arg8[%add3A_71, %dma_wait3A_141] : memref<157x128xi32, #tpu.memory_space<vmem>> -> memref<1x128xi32, #tpu.memory_space<vmem>>
          %dma_wait3A_143 = tpu.memref_squeeze %dma_wait3A_142 : memref<1x128xi32, #tpu.memory_space<vmem>> -> memref<128xi32, #tpu.memory_space<vmem>>
          %dma_wait3A_144 = arith.constant 0 : i32
          %dma_wait3A_145 = arith.constant 0 : i32
          %dma_wait3A_146 = tpu.memref_slice %arg17[%dma_wait3A_144, %dma_wait3A_145] : memref<10240x64xf32, #tpu.memory_space<vmem_shared>> -> memref<10240x64xf32, #tpu.memory_space<vmem_shared>>
          tpu.wait_indirect_dma semaphore(%run_scoped3A_134 : memref<!tpu.dma_semaphore, #tpu.memory_space<semaphore_mem>>) src(%arg9 : memref<128x64xf32, #tpu.memory_space<vmem>>) dst(%dma_wait3A_146 : memref<10240x64xf32, #tpu.memory_space<vmem_shared>>)
          tpu.yield
        }) : () -> ()
        %add3A_72 = arith.constant 4 : i32
        %add3A_73 = arith.addi %mul3A_62, %add3A_72 : i32
        %add3A_74 = arith.constant 0 : i32
        %add3A_75 = arith.addi %add3A_73, %add3A_74 : i32
        %lt3A_76 = arith.cmpi slt, %add3A_75, %select_n3A : i32
        %convert_element_type3A_77 = arith.extui %lt3A_76 : i1 to i32
        %cond3A_78 = arith.constant 0 : i32
        %cond3A_79 = arith.cmpi ne, %convert_element_type3A_77, %cond3A_78 : i32
        scf.if %cond3A_79 {
          %add3A_134 = arith.constant 4 : i32
          %add3A_135 = arith.addi %mul3A_62, %add3A_134 : i32
          %add3A_136 = arith.constant 0 : i32
          %add3A_137 = arith.addi %add3A_135, %add3A_136 : i32
          %dma_start3A_138 = arith.constant 0 : i32
          %dma_start3A_139 = tpu.memref_slice %arg7[%add3A_137, %dma_start3A_138] : memref<157x128xi32, #tpu.memory_space<vmem>> -> memref<1x128xi32, #tpu.memory_space<vmem>>
          %dma_start3A_140 = tpu.memref_squeeze %dma_start3A_139 : memref<1x128xi32, #tpu.memory_space<vmem>> -> memref<128xi32, #tpu.memory_space<vmem>>
          %dma_start3A_141 = arith.constant 0 : i32
          %dma_start3A_142 = arith.constant 0 : i32
          %dma_start3A_143 = tpu.memref_slice %arg2[%dma_start3A_141, %dma_start3A_142] : memref<10000x64xf32, #tpu.memory_space<hbm>> -> memref<10000x64xf32, #tpu.memory_space<hbm>>
          tpu.enqueue_indirect_dma source(%dma_start3A_143 : memref<10000x64xf32, #tpu.memory_space<hbm>>) target(%arg9 : memref<128x64xf32, #tpu.memory_space<vmem>>) offsets(%dma_start3A_140 : memref<128xi32, #tpu.memory_space<vmem>>) semaphore(%arg13 : memref<!tpu.dma_semaphore, #tpu.memory_space<semaphore_mem>>)
        } else {
        }
        %add3A_80 = arith.constant 1 : i32
        %add3A_81 = arith.addi %mul3A_62, %add3A_80 : i32
        %dma_wait3A_82 = arith.constant 0 : i32
        %dma_wait3A_83 = tpu.memref_slice %arg7[%add3A_81, %dma_wait3A_82] : memref<157x128xi32, #tpu.memory_space<vmem>> -> memref<1x128xi32, #tpu.memory_space<vmem>>
        %dma_wait3A_84 = tpu.memref_squeeze %dma_wait3A_83 : memref<1x128xi32, #tpu.memory_space<vmem>> -> memref<128xi32, #tpu.memory_space<vmem>>
        %dma_wait3A_85 = arith.constant 0 : i32
        %dma_wait3A_86 = arith.constant 0 : i32
        %dma_wait3A_87 = tpu.memref_slice %arg2[%dma_wait3A_85, %dma_wait3A_86] : memref<10000x64xf32, #tpu.memory_space<hbm>> -> memref<10000x64xf32, #tpu.memory_space<hbm>>
        tpu.wait_indirect_dma semaphore(%arg14 : memref<!tpu.dma_semaphore, #tpu.memory_space<semaphore_mem>>) src(%dma_wait3A_87 : memref<10000x64xf32, #tpu.memory_space<hbm>>) dst(%arg10 : memref<128x64xf32, #tpu.memory_space<vmem>>)
        %add3A_88 = arith.constant 1 : i32
        %add3A_89 = arith.addi %mul3A_62, %add3A_88 : i32
        "tpu.region"() ({
          %run_scoped3A_134 = tpu.sem_alloc : memref<!tpu.dma_semaphore, #tpu.memory_space<semaphore_mem>>
          %dma_start3A_135 = arith.constant 0 : i32
          %dma_start3A_136 = tpu.memref_slice %arg8[%add3A_89, %dma_start3A_135] : memref<157x128xi32, #tpu.memory_space<vmem>> -> memref<1x128xi32, #tpu.memory_space<vmem>>
          %dma_start3A_137 = tpu.memref_squeeze %dma_start3A_136 : memref<1x128xi32, #tpu.memory_space<vmem>> -> memref<128xi32, #tpu.memory_space<vmem>>
          %dma_start3A_138 = arith.constant 0 : i32
          %dma_start3A_139 = arith.constant 0 : i32
          %dma_start3A_140 = tpu.memref_slice %arg17[%dma_start3A_138, %dma_start3A_139] : memref<10240x64xf32, #tpu.memory_space<vmem_shared>> -> memref<10240x64xf32, #tpu.memory_space<vmem_shared>>
          tpu.enqueue_indirect_dma source(%arg10 : memref<128x64xf32, #tpu.memory_space<vmem>>) target(%dma_start3A_140 : memref<10240x64xf32, #tpu.memory_space<vmem_shared>>) offsets(%dma_start3A_137 : memref<128xi32, #tpu.memory_space<vmem>>) semaphore(%run_scoped3A_134 : memref<!tpu.dma_semaphore, #tpu.memory_space<semaphore_mem>>) {add = true}
          %dma_wait3A_141 = arith.constant 0 : i32
          %dma_wait3A_142 = tpu.memref_slice %arg8[%add3A_89, %dma_wait3A_141] : memref<157x128xi32, #tpu.memory_space<vmem>> -> memref<1x128xi32, #tpu.memory_space<vmem>>
          %dma_wait3A_143 = tpu.memref_squeeze %dma_wait3A_142 : memref<1x128xi32, #tpu.memory_space<vmem>> -> memref<128xi32, #tpu.memory_space<vmem>>
          %dma_wait3A_144 = arith.constant 0 : i32
          %dma_wait3A_145 = arith.constant 0 : i32
          %dma_wait3A_146 = tpu.memref_slice %arg17[%dma_wait3A_144, %dma_wait3A_145] : memref<10240x64xf32, #tpu.memory_space<vmem_shared>> -> memref<10240x64xf32, #tpu.memory_space<vmem_shared>>
          tpu.wait_indirect_dma semaphore(%run_scoped3A_134 : memref<!tpu.dma_semaphore, #tpu.memory_space<semaphore_mem>>) src(%arg10 : memref<128x64xf32, #tpu.memory_space<vmem>>) dst(%dma_wait3A_146 : memref<10240x64xf32, #tpu.memory_space<vmem_shared>>)
          tpu.yield
        }) : () -> ()
        %add3A_90 = arith.constant 4 : i32
        %add3A_91 = arith.addi %mul3A_62, %add3A_90 : i32
        %add3A_92 = arith.constant 1 : i32
        %add3A_93 = arith.addi %add3A_91, %add3A_92 : i32
        %lt3A_94 = arith.cmpi slt, %add3A_93, %select_n3A : i32
        %convert_element_type3A_95 = arith.extui %lt3A_94 : i1 to i32
        %cond3A_96 = arith.constant 0 : i32
        %cond3A_97 = arith.cmpi ne, %convert_element_type3A_95, %cond3A_96 : i32
        scf.if %cond3A_97 {
          %add3A_134 = arith.constant 4 : i32
          %add3A_135 = arith.addi %mul3A_62, %add3A_134 : i32
          %add3A_136 = arith.constant 1 : i32
          %add3A_137 = arith.addi %add3A_135, %add3A_136 : i32
          %dma_start3A_138 = arith.constant 0 : i32
          %dma_start3A_139 = tpu.memref_slice %arg7[%add3A_137, %dma_start3A_138] : memref<157x128xi32, #tpu.memory_space<vmem>> -> memref<1x128xi32, #tpu.memory_space<vmem>>
          %dma_start3A_140 = tpu.memref_squeeze %dma_start3A_139 : memref<1x128xi32, #tpu.memory_space<vmem>> -> memref<128xi32, #tpu.memory_space<vmem>>
          %dma_start3A_141 = arith.constant 0 : i32
          %dma_start3A_142 = arith.constant 0 : i32
          %dma_start3A_143 = tpu.memref_slice %arg2[%dma_start3A_141, %dma_start3A_142] : memref<10000x64xf32, #tpu.memory_space<hbm>> -> memref<10000x64xf32, #tpu.memory_space<hbm>>
          tpu.enqueue_indirect_dma source(%dma_start3A_143 : memref<10000x64xf32, #tpu.memory_space<hbm>>) target(%arg10 : memref<128x64xf32, #tpu.memory_space<vmem>>) offsets(%dma_start3A_140 : memref<128xi32, #tpu.memory_space<vmem>>) semaphore(%arg14 : memref<!tpu.dma_semaphore, #tpu.memory_space<semaphore_mem>>)
        } else {
        }
        %add3A_98 = arith.constant 2 : i32
        %add3A_99 = arith.addi %mul3A_62, %add3A_98 : i32
        %dma_wait3A_100 = arith.constant 0 : i32
        %dma_wait3A_101 = tpu.memref_slice %arg7[%add3A_99, %dma_wait3A_100] : memref<157x128xi32, #tpu.memory_space<vmem>> -> memref<1x128xi32, #tpu.memory_space<vmem>>
        %dma_wait3A_102 = tpu.memref_squeeze %dma_wait3A_101 : memref<1x128xi32, #tpu.memory_space<vmem>> -> memref<128xi32, #tpu.memory_space<vmem>>
        %dma_wait3A_103 = arith.constant 0 : i32
        %dma_wait3A_104 = arith.constant 0 : i32
        %dma_wait3A_105 = tpu.memref_slice %arg2[%dma_wait3A_103, %dma_wait3A_104] : memref<10000x64xf32, #tpu.memory_space<hbm>> -> memref<10000x64xf32, #tpu.memory_space<hbm>>
        tpu.wait_indirect_dma semaphore(%arg15 : memref<!tpu.dma_semaphore, #tpu.memory_space<semaphore_mem>>) src(%dma_wait3A_105 : memref<10000x64xf32, #tpu.memory_space<hbm>>) dst(%arg11 : memref<128x64xf32, #tpu.memory_space<vmem>>)
        %add3A_106 = arith.constant 2 : i32
        %add3A_107 = arith.addi %mul3A_62, %add3A_106 : i32
        "tpu.region"() ({
          %run_scoped3A_134 = tpu.sem_alloc : memref<!tpu.dma_semaphore, #tpu.memory_space<semaphore_mem>>
          %dma_start3A_135 = arith.constant 0 : i32
          %dma_start3A_136 = tpu.memref_slice %arg8[%add3A_107, %dma_start3A_135] : memref<157x128xi32, #tpu.memory_space<vmem>> -> memref<1x128xi32, #tpu.memory_space<vmem>>
          %dma_start3A_137 = tpu.memref_squeeze %dma_start3A_136 : memref<1x128xi32, #tpu.memory_space<vmem>> -> memref<128xi32, #tpu.memory_space<vmem>>
          %dma_start3A_138 = arith.constant 0 : i32
          %dma_start3A_139 = arith.constant 0 : i32
          %dma_start3A_140 = tpu.memref_slice %arg17[%dma_start3A_138, %dma_start3A_139] : memref<10240x64xf32, #tpu.memory_space<vmem_shared>> -> memref<10240x64xf32, #tpu.memory_space<vmem_shared>>
          tpu.enqueue_indirect_dma source(%arg11 : memref<128x64xf32, #tpu.memory_space<vmem>>) target(%dma_start3A_140 : memref<10240x64xf32, #tpu.memory_space<vmem_shared>>) offsets(%dma_start3A_137 : memref<128xi32, #tpu.memory_space<vmem>>) semaphore(%run_scoped3A_134 : memref<!tpu.dma_semaphore, #tpu.memory_space<semaphore_mem>>) {add = true}
          %dma_wait3A_141 = arith.constant 0 : i32
          %dma_wait3A_142 = tpu.memref_slice %arg8[%add3A_107, %dma_wait3A_141] : memref<157x128xi32, #tpu.memory_space<vmem>> -> memref<1x128xi32, #tpu.memory_space<vmem>>
          %dma_wait3A_143 = tpu.memref_squeeze %dma_wait3A_142 : memref<1x128xi32, #tpu.memory_space<vmem>> -> memref<128xi32, #tpu.memory_space<vmem>>
          %dma_wait3A_144 = arith.constant 0 : i32
          %dma_wait3A_145 = arith.constant 0 : i32
          %dma_wait3A_146 = tpu.memref_slice %arg17[%dma_wait3A_144, %dma_wait3A_145] : memref<10240x64xf32, #tpu.memory_space<vmem_shared>> -> memref<10240x64xf32, #tpu.memory_space<vmem_shared>>
          tpu.wait_indirect_dma semaphore(%run_scoped3A_134 : memref<!tpu.dma_semaphore, #tpu.memory_space<semaphore_mem>>) src(%arg11 : memref<128x64xf32, #tpu.memory_space<vmem>>) dst(%dma_wait3A_146 : memref<10240x64xf32, #tpu.memory_space<vmem_shared>>)
          tpu.yield
        }) : () -> ()
        %add3A_108 = arith.constant 4 : i32
        %add3A_109 = arith.addi %mul3A_62, %add3A_108 : i32
        %add3A_110 = arith.constant 2 : i32
        %add3A_111 = arith.addi %add3A_109, %add3A_110 : i32
        %lt3A_112 = arith.cmpi slt, %add3A_111, %select_n3A : i32
        %convert_element_type3A_113 = arith.extui %lt3A_112 : i1 to i32
        %cond3A_114 = arith.constant 0 : i32
        %cond3A_115 = arith.cmpi ne, %convert_element_type3A_113, %cond3A_114 : i32
        scf.if %cond3A_115 {
          %add3A_134 = arith.constant 4 : i32
          %add3A_135 = arith.addi %mul3A_62, %add3A_134 : i32
          %add3A_136 = arith.constant 2 : i32
          %add3A_137 = arith.addi %add3A_135, %add3A_136 : i32
          %dma_start3A_138 = arith.constant 0 : i32
          %dma_start3A_139 = tpu.memref_slice %arg7[%add3A_137, %dma_start3A_138] : memref<157x128xi32, #tpu.memory_space<vmem>> -> memref<1x128xi32, #tpu.memory_space<vmem>>
          %dma_start3A_140 = tpu.memref_squeeze %dma_start3A_139 : memref<1x128xi32, #tpu.memory_space<vmem>> -> memref<128xi32, #tpu.memory_space<vmem>>
          %dma_start3A_141 = arith.constant 0 : i32
          %dma_start3A_142 = arith.constant 0 : i32
          %dma_start3A_143 = tpu.memref_slice %arg2[%dma_start3A_141, %dma_start3A_142] : memref<10000x64xf32, #tpu.memory_space<hbm>> -> memref<10000x64xf32, #tpu.memory_space<hbm>>
          tpu.enqueue_indirect_dma source(%dma_start3A_143 : memref<10000x64xf32, #tpu.memory_space<hbm>>) target(%arg11 : memref<128x64xf32, #tpu.memory_space<vmem>>) offsets(%dma_start3A_140 : memref<128xi32, #tpu.memory_space<vmem>>) semaphore(%arg15 : memref<!tpu.dma_semaphore, #tpu.memory_space<semaphore_mem>>)
        } else {
        }
        %add3A_116 = arith.constant 3 : i32
        %add3A_117 = arith.addi %mul3A_62, %add3A_116 : i32
        %dma_wait3A_118 = arith.constant 0 : i32
        %dma_wait3A_119 = tpu.memref_slice %arg7[%add3A_117, %dma_wait3A_118] : memref<157x128xi32, #tpu.memory_space<vmem>> -> memref<1x128xi32, #tpu.memory_space<vmem>>
        %dma_wait3A_120 = tpu.memref_squeeze %dma_wait3A_119 : memref<1x128xi32, #tpu.memory_space<vmem>> -> memref<128xi32, #tpu.memory_space<vmem>>
        %dma_wait3A_121 = arith.constant 0 : i32
        %dma_wait3A_122 = arith.constant 0 : i32
        %dma_wait3A_123 = tpu.memref_slice %arg2[%dma_wait3A_121, %dma_wait3A_122] : memref<10000x64xf32, #tpu.memory_space<hbm>> -> memref<10000x64xf32, #tpu.memory_space<hbm>>
        tpu.wait_indirect_dma semaphore(%arg16 : memref<!tpu.dma_semaphore, #tpu.memory_space<semaphore_mem>>) src(%dma_wait3A_123 : memref<10000x64xf32, #tpu.memory_space<hbm>>) dst(%arg12 : memref<128x64xf32, #tpu.memory_space<vmem>>)
        %add3A_124 = arith.constant 3 : i32
        %add3A_125 = arith.addi %mul3A_62, %add3A_124 : i32
        "tpu.region"() ({
          %run_scoped3A_134 = tpu.sem_alloc : memref<!tpu.dma_semaphore, #tpu.memory_space<semaphore_mem>>
          %dma_start3A_135 = arith.constant 0 : i32
          %dma_start3A_136 = tpu.memref_slice %arg8[%add3A_125, %dma_start3A_135] : memref<157x128xi32, #tpu.memory_space<vmem>> -> memref<1x128xi32, #tpu.memory_space<vmem>>
          %dma_start3A_137 = tpu.memref_squeeze %dma_start3A_136 : memref<1x128xi32, #tpu.memory_space<vmem>> -> memref<128xi32, #tpu.memory_space<vmem>>
          %dma_start3A_138 = arith.constant 0 : i32
          %dma_start3A_139 = arith.constant 0 : i32
          %dma_start3A_140 = tpu.memref_slice %arg17[%dma_start3A_138, %dma_start3A_139] : memref<10240x64xf32, #tpu.memory_space<vmem_shared>> -> memref<10240x64xf32, #tpu.memory_space<vmem_shared>>
          tpu.enqueue_indirect_dma source(%arg12 : memref<128x64xf32, #tpu.memory_space<vmem>>) target(%dma_start3A_140 : memref<10240x64xf32, #tpu.memory_space<vmem_shared>>) offsets(%dma_start3A_137 : memref<128xi32, #tpu.memory_space<vmem>>) semaphore(%run_scoped3A_134 : memref<!tpu.dma_semaphore, #tpu.memory_space<semaphore_mem>>) {add = true}
          %dma_wait3A_141 = arith.constant 0 : i32
          %dma_wait3A_142 = tpu.memref_slice %arg8[%add3A_125, %dma_wait3A_141] : memref<157x128xi32, #tpu.memory_space<vmem>> -> memref<1x128xi32, #tpu.memory_space<vmem>>
          %dma_wait3A_143 = tpu.memref_squeeze %dma_wait3A_142 : memref<1x128xi32, #tpu.memory_space<vmem>> -> memref<128xi32, #tpu.memory_space<vmem>>
          %dma_wait3A_144 = arith.constant 0 : i32
          %dma_wait3A_145 = arith.constant 0 : i32
          %dma_wait3A_146 = tpu.memref_slice %arg17[%dma_wait3A_144, %dma_wait3A_145] : memref<10240x64xf32, #tpu.memory_space<vmem_shared>> -> memref<10240x64xf32, #tpu.memory_space<vmem_shared>>
          tpu.wait_indirect_dma semaphore(%run_scoped3A_134 : memref<!tpu.dma_semaphore, #tpu.memory_space<semaphore_mem>>) src(%arg12 : memref<128x64xf32, #tpu.memory_space<vmem>>) dst(%dma_wait3A_146 : memref<10240x64xf32, #tpu.memory_space<vmem_shared>>)
          tpu.yield
        }) : () -> ()
        %add3A_126 = arith.constant 4 : i32
        %add3A_127 = arith.addi %mul3A_62, %add3A_126 : i32
        %add3A_128 = arith.constant 3 : i32
        %add3A_129 = arith.addi %add3A_127, %add3A_128 : i32
        %lt3A_130 = arith.cmpi slt, %add3A_129, %select_n3A : i32
        %convert_element_type3A_131 = arith.extui %lt3A_130 : i1 to i32
        %cond3A_132 = arith.constant 0 : i32
        %cond3A_133 = arith.cmpi ne, %convert_element_type3A_131, %cond3A_132 : i32
        scf.if %cond3A_133 {
          %add3A_134 = arith.constant 4 : i32
          %add3A_135 = arith.addi %mul3A_62, %add3A_134 : i32
          %add3A_136 = arith.constant 3 : i32
          %add3A_137 = arith.addi %add3A_135, %add3A_136 : i32
          %dma_start3A_138 = arith.constant 0 : i32
          %dma_start3A_139 = tpu.memref_slice %arg7[%add3A_137, %dma_start3A_138] : memref<157x128xi32, #tpu.memory_space<vmem>> -> memref<1x128xi32, #tpu.memory_space<vmem>>
          %dma_start3A_140 = tpu.memref_squeeze %dma_start3A_139 : memref<1x128xi32, #tpu.memory_space<vmem>> -> memref<128xi32, #tpu.memory_space<vmem>>
          %dma_start3A_141 = arith.constant 0 : i32
          %dma_start3A_142 = arith.constant 0 : i32
          %dma_start3A_143 = tpu.memref_slice %arg2[%dma_start3A_141, %dma_start3A_142] : memref<10000x64xf32, #tpu.memory_space<hbm>> -> memref<10000x64xf32, #tpu.memory_space<hbm>>
          tpu.enqueue_indirect_dma source(%dma_start3A_143 : memref<10000x64xf32, #tpu.memory_space<hbm>>) target(%arg12 : memref<128x64xf32, #tpu.memory_space<vmem>>) offsets(%dma_start3A_140 : memref<128xi32, #tpu.memory_space<vmem>>) semaphore(%arg16 : memref<!tpu.dma_semaphore, #tpu.memory_space<semaphore_mem>>)
        } else {
        }
      }
      %scan3A_54 = arith.constant 39 : i32
      %gt3A_55 = arith.constant 156 : i32
      %gt3A_56 = arith.cmpi sgt, %select_n3A, %gt3A_55 : i32
      %convert_element_type3A_57 = arith.extui %gt3A_56 : i1 to i32
      %cond3A_58 = arith.constant 0 : i32
      %cond3A_59 = arith.cmpi ne, %convert_element_type3A_57, %cond3A_58 : i32
      scf.if %cond3A_59 {
        %dma_wait3A = arith.constant 156 : i32
        %dma_wait3A_60 = arith.constant 0 : i32
        %dma_wait3A_61 = tpu.memref_slice %arg7[%dma_wait3A, %dma_wait3A_60] : memref<157x128xi32, #tpu.memory_space<vmem>> -> memref<1x128xi32, #tpu.memory_space<vmem>>
        %dma_wait3A_62 = tpu.memref_squeeze %dma_wait3A_61 : memref<1x128xi32, #tpu.memory_space<vmem>> -> memref<128xi32, #tpu.memory_space<vmem>>
        %dma_wait3A_63 = arith.constant 0 : i32
        %dma_wait3A_64 = arith.constant 0 : i32
        %dma_wait3A_65 = tpu.memref_slice %arg2[%dma_wait3A_63, %dma_wait3A_64] : memref<10000x64xf32, #tpu.memory_space<hbm>> -> memref<10000x64xf32, #tpu.memory_space<hbm>>
        tpu.wait_indirect_dma semaphore(%arg13 : memref<!tpu.dma_semaphore, #tpu.memory_space<semaphore_mem>>) src(%dma_wait3A_65 : memref<10000x64xf32, #tpu.memory_space<hbm>>) dst(%arg9 : memref<128x64xf32, #tpu.memory_space<vmem>>)
        %run_scoped3A_66 = arith.constant 156 : i32
        "tpu.region"() ({
          %run_scoped3A_67 = tpu.sem_alloc : memref<!tpu.dma_semaphore, #tpu.memory_space<semaphore_mem>>
          %dma_start3A_68 = arith.constant 0 : i32
          %dma_start3A_69 = tpu.memref_slice %arg8[%run_scoped3A_66, %dma_start3A_68] : memref<157x128xi32, #tpu.memory_space<vmem>> -> memref<1x128xi32, #tpu.memory_space<vmem>>
          %dma_start3A_70 = tpu.memref_squeeze %dma_start3A_69 : memref<1x128xi32, #tpu.memory_space<vmem>> -> memref<128xi32, #tpu.memory_space<vmem>>
          %dma_start3A_71 = arith.constant 0 : i32
          %dma_start3A_72 = arith.constant 0 : i32
          %dma_start3A_73 = tpu.memref_slice %arg17[%dma_start3A_71, %dma_start3A_72] : memref<10240x64xf32, #tpu.memory_space<vmem_shared>> -> memref<10240x64xf32, #tpu.memory_space<vmem_shared>>
          tpu.enqueue_indirect_dma source(%arg9 : memref<128x64xf32, #tpu.memory_space<vmem>>) target(%dma_start3A_73 : memref<10240x64xf32, #tpu.memory_space<vmem_shared>>) offsets(%dma_start3A_70 : memref<128xi32, #tpu.memory_space<vmem>>) semaphore(%run_scoped3A_67 : memref<!tpu.dma_semaphore, #tpu.memory_space<semaphore_mem>>) {add = true}
          %dma_wait3A_74 = arith.constant 0 : i32
          %dma_wait3A_75 = tpu.memref_slice %arg8[%run_scoped3A_66, %dma_wait3A_74] : memref<157x128xi32, #tpu.memory_space<vmem>> -> memref<1x128xi32, #tpu.memory_space<vmem>>
          %dma_wait3A_76 = tpu.memref_squeeze %dma_wait3A_75 : memref<1x128xi32, #tpu.memory_space<vmem>> -> memref<128xi32, #tpu.memory_space<vmem>>
          %dma_wait3A_77 = arith.constant 0 : i32
          %dma_wait3A_78 = arith.constant 0 : i32
          %dma_wait3A_79 = tpu.memref_slice %arg17[%dma_wait3A_77, %dma_wait3A_78] : memref<10240x64xf32, #tpu.memory_space<vmem_shared>> -> memref<10240x64xf32, #tpu.memory_space<vmem_shared>>
          tpu.wait_indirect_dma semaphore(%run_scoped3A_67 : memref<!tpu.dma_semaphore, #tpu.memory_space<semaphore_mem>>) src(%arg9 : memref<128x64xf32, #tpu.memory_space<vmem>>) dst(%dma_wait3A_79 : memref<10240x64xf32, #tpu.memory_space<vmem_shared>>)
          tpu.yield
        }) : () -> ()
      } else {
      }
    } else {
    }
    %eq3A_13 = arith.constant 1 : i32
    %eq3A_14 = arith.cmpi eq, %arg0, %eq3A_13 : i32
    %convert_element_type3A_15 = arith.extui %eq3A_14 : i1 to i32
    %cond3A_16 = arith.constant 0 : i32
    %cond3A_17 = arith.cmpi ne, %convert_element_type3A_15, %cond3A_16 : i32
    scf.if %cond3A_17 {
      %dma_start3A = arith.constant 0 : i32
      %dma_start3A_23 = arith.constant 0 : i32
      %dma_start3A_24 = tpu.memref_slice %arg7[%dma_start3A, %dma_start3A_23] : memref<157x128xi32, #tpu.memory_space<vmem>> -> memref<1x128xi32, #tpu.memory_space<vmem>>
      %dma_start3A_25 = tpu.memref_squeeze %dma_start3A_24 : memref<1x128xi32, #tpu.memory_space<vmem>> -> memref<128xi32, #tpu.memory_space<vmem>>
      %dma_start3A_26 = arith.constant 0 : i32
      %dma_start3A_27 = arith.constant 0 : i32
      %dma_start3A_28 = tpu.memref_slice %arg3[%dma_start3A_26, %dma_start3A_27] : memref<10000x64xf32, #tpu.memory_space<hbm>> -> memref<10000x64xf32, #tpu.memory_space<hbm>>
      tpu.enqueue_indirect_dma source(%dma_start3A_28 : memref<10000x64xf32, #tpu.memory_space<hbm>>) target(%arg9 : memref<128x64xf32, #tpu.memory_space<vmem>>) offsets(%dma_start3A_25 : memref<128xi32, #tpu.memory_space<vmem>>) semaphore(%arg13 : memref<!tpu.dma_semaphore, #tpu.memory_space<semaphore_mem>>)
      %dma_start3A_29 = arith.constant 1 : i32
      %dma_start3A_30 = arith.constant 0 : i32
      %dma_start3A_31 = tpu.memref_slice %arg7[%dma_start3A_29, %dma_start3A_30] : memref<157x128xi32, #tpu.memory_space<vmem>> -> memref<1x128xi32, #tpu.memory_space<vmem>>
      %dma_start3A_32 = tpu.memref_squeeze %dma_start3A_31 : memref<1x128xi32, #tpu.memory_space<vmem>> -> memref<128xi32, #tpu.memory_space<vmem>>
      %dma_start3A_33 = arith.constant 0 : i32
      %dma_start3A_34 = arith.constant 0 : i32
      %dma_start3A_35 = tpu.memref_slice %arg3[%dma_start3A_33, %dma_start3A_34] : memref<10000x64xf32, #tpu.memory_space<hbm>> -> memref<10000x64xf32, #tpu.memory_space<hbm>>
      tpu.enqueue_indirect_dma source(%dma_start3A_35 : memref<10000x64xf32, #tpu.memory_space<hbm>>) target(%arg10 : memref<128x64xf32, #tpu.memory_space<vmem>>) offsets(%dma_start3A_32 : memref<128xi32, #tpu.memory_space<vmem>>) semaphore(%arg14 : memref<!tpu.dma_semaphore, #tpu.memory_space<semaphore_mem>>)
      %dma_start3A_36 = arith.constant 2 : i32
      %dma_start3A_37 = arith.constant 0 : i32
      %dma_start3A_38 = tpu.memref_slice %arg7[%dma_start3A_36, %dma_start3A_37] : memref<157x128xi32, #tpu.memory_space<vmem>> -> memref<1x128xi32, #tpu.memory_space<vmem>>
      %dma_start3A_39 = tpu.memref_squeeze %dma_start3A_38 : memref<1x128xi32, #tpu.memory_space<vmem>> -> memref<128xi32, #tpu.memory_space<vmem>>
      %dma_start3A_40 = arith.constant 0 : i32
      %dma_start3A_41 = arith.constant 0 : i32
      %dma_start3A_42 = tpu.memref_slice %arg3[%dma_start3A_40, %dma_start3A_41] : memref<10000x64xf32, #tpu.memory_space<hbm>> -> memref<10000x64xf32, #tpu.memory_space<hbm>>
      tpu.enqueue_indirect_dma source(%dma_start3A_42 : memref<10000x64xf32, #tpu.memory_space<hbm>>) target(%arg11 : memref<128x64xf32, #tpu.memory_space<vmem>>) offsets(%dma_start3A_39 : memref<128xi32, #tpu.memory_space<vmem>>) semaphore(%arg15 : memref<!tpu.dma_semaphore, #tpu.memory_space<semaphore_mem>>)
      %dma_start3A_43 = arith.constant 3 : i32
      %dma_start3A_44 = arith.constant 0 : i32
      %dma_start3A_45 = tpu.memref_slice %arg7[%dma_start3A_43, %dma_start3A_44] : memref<157x128xi32, #tpu.memory_space<vmem>> -> memref<1x128xi32, #tpu.memory_space<vmem>>
      %dma_start3A_46 = tpu.memref_squeeze %dma_start3A_45 : memref<1x128xi32, #tpu.memory_space<vmem>> -> memref<128xi32, #tpu.memory_space<vmem>>
      %dma_start3A_47 = arith.constant 0 : i32
      %dma_start3A_48 = arith.constant 0 : i32
      %dma_start3A_49 = tpu.memref_slice %arg3[%dma_start3A_47, %dma_start3A_48] : memref<10000x64xf32, #tpu.memory_space<hbm>> -> memref<10000x64xf32, #tpu.memory_space<hbm>>
      tpu.enqueue_indirect_dma source(%dma_start3A_49 : memref<10000x64xf32, #tpu.memory_space<hbm>>) target(%arg12 : memref<128x64xf32, #tpu.memory_space<vmem>>) offsets(%dma_start3A_46 : memref<128xi32, #tpu.memory_space<vmem>>) semaphore(%arg16 : memref<!tpu.dma_semaphore, #tpu.memory_space<semaphore_mem>>)
      %scan3A = arith.constant 0 : i32
      %scan3A_50 = arith.constant 0 : i32
      %scan3A_51 = arith.constant 39 : i32
      %scan3A_52 = arith.addi %scan3A_50, %scan3A_51 : i32
      %scan3A_53 = arith.constant 1 : i32
      scf.for %scan3A_60 = %scan3A_50 to %scan3A_52 step %scan3A_53  : i32 {
        %mul3A_61 = arith.constant 4 : i32
        %mul3A_62 = arith.muli %mul3A_61, %scan3A_60 : i32
        %add3A_63 = arith.constant 0 : i32
        %add3A_64 = arith.addi %mul3A_62, %add3A_63 : i32
        %dma_wait3A = arith.constant 0 : i32
        %dma_wait3A_65 = tpu.memref_slice %arg7[%add3A_64, %dma_wait3A] : memref<157x128xi32, #tpu.memory_space<vmem>> -> memref<1x128xi32, #tpu.memory_space<vmem>>
        %dma_wait3A_66 = tpu.memref_squeeze %dma_wait3A_65 : memref<1x128xi32, #tpu.memory_space<vmem>> -> memref<128xi32, #tpu.memory_space<vmem>>
        %dma_wait3A_67 = arith.constant 0 : i32
        %dma_wait3A_68 = arith.constant 0 : i32
        %dma_wait3A_69 = tpu.memref_slice %arg3[%dma_wait3A_67, %dma_wait3A_68] : memref<10000x64xf32, #tpu.memory_space<hbm>> -> memref<10000x64xf32, #tpu.memory_space<hbm>>
        tpu.wait_indirect_dma semaphore(%arg13 : memref<!tpu.dma_semaphore, #tpu.memory_space<semaphore_mem>>) src(%dma_wait3A_69 : memref<10000x64xf32, #tpu.memory_space<hbm>>) dst(%arg9 : memref<128x64xf32, #tpu.memory_space<vmem>>)
        %add3A_70 = arith.constant 0 : i32
        %add3A_71 = arith.addi %mul3A_62, %add3A_70 : i32
        "tpu.region"() ({
          %run_scoped3A_134 = tpu.sem_alloc : memref<!tpu.dma_semaphore, #tpu.memory_space<semaphore_mem>>
          %dma_start3A_135 = arith.constant 0 : i32
          %dma_start3A_136 = tpu.memref_slice %arg8[%add3A_71, %dma_start3A_135] : memref<157x128xi32, #tpu.memory_space<vmem>> -> memref<1x128xi32, #tpu.memory_space<vmem>>
          %dma_start3A_137 = tpu.memref_squeeze %dma_start3A_136 : memref<1x128xi32, #tpu.memory_space<vmem>> -> memref<128xi32, #tpu.memory_space<vmem>>
          %dma_start3A_138 = arith.constant 0 : i32
          %dma_start3A_139 = arith.constant 0 : i32
          %dma_start3A_140 = tpu.memref_slice %arg17[%dma_start3A_138, %dma_start3A_139] : memref<10240x64xf32, #tpu.memory_space<vmem_shared>> -> memref<10240x64xf32, #tpu.memory_space<vmem_shared>>
          tpu.enqueue_indirect_dma source(%arg9 : memref<128x64xf32, #tpu.memory_space<vmem>>) target(%dma_start3A_140 : memref<10240x64xf32, #tpu.memory_space<vmem_shared>>) offsets(%dma_start3A_137 : memref<128xi32, #tpu.memory_space<vmem>>) semaphore(%run_scoped3A_134 : memref<!tpu.dma_semaphore, #tpu.memory_space<semaphore_mem>>) {add = true}
          %dma_wait3A_141 = arith.constant 0 : i32
          %dma_wait3A_142 = tpu.memref_slice %arg8[%add3A_71, %dma_wait3A_141] : memref<157x128xi32, #tpu.memory_space<vmem>> -> memref<1x128xi32, #tpu.memory_space<vmem>>
          %dma_wait3A_143 = tpu.memref_squeeze %dma_wait3A_142 : memref<1x128xi32, #tpu.memory_space<vmem>> -> memref<128xi32, #tpu.memory_space<vmem>>
          %dma_wait3A_144 = arith.constant 0 : i32
          %dma_wait3A_145 = arith.constant 0 : i32
          %dma_wait3A_146 = tpu.memref_slice %arg17[%dma_wait3A_144, %dma_wait3A_145] : memref<10240x64xf32, #tpu.memory_space<vmem_shared>> -> memref<10240x64xf32, #tpu.memory_space<vmem_shared>>
          tpu.wait_indirect_dma semaphore(%run_scoped3A_134 : memref<!tpu.dma_semaphore, #tpu.memory_space<semaphore_mem>>) src(%arg9 : memref<128x64xf32, #tpu.memory_space<vmem>>) dst(%dma_wait3A_146 : memref<10240x64xf32, #tpu.memory_space<vmem_shared>>)
          tpu.yield
        }) : () -> ()
        %add3A_72 = arith.constant 4 : i32
        %add3A_73 = arith.addi %mul3A_62, %add3A_72 : i32
        %add3A_74 = arith.constant 0 : i32
        %add3A_75 = arith.addi %add3A_73, %add3A_74 : i32
        %lt3A_76 = arith.cmpi slt, %add3A_75, %select_n3A : i32
        %convert_element_type3A_77 = arith.extui %lt3A_76 : i1 to i32
        %cond3A_78 = arith.constant 0 : i32
        %cond3A_79 = arith.cmpi ne, %convert_element_type3A_77, %cond3A_78 : i32
        scf.if %cond3A_79 {
          %add3A_134 = arith.constant 4 : i32
          %add3A_135 = arith.addi %mul3A_62, %add3A_134 : i32
          %add3A_136 = arith.constant 0 : i32
          %add3A_137 = arith.addi %add3A_135, %add3A_136 : i32
          %dma_start3A_138 = arith.constant 0 : i32
          %dma_start3A_139 = tpu.memref_slice %arg7[%add3A_137, %dma_start3A_138] : memref<157x128xi32, #tpu.memory_space<vmem>> -> memref<1x128xi32, #tpu.memory_space<vmem>>
          %dma_start3A_140 = tpu.memref_squeeze %dma_start3A_139 : memref<1x128xi32, #tpu.memory_space<vmem>> -> memref<128xi32, #tpu.memory_space<vmem>>
          %dma_start3A_141 = arith.constant 0 : i32
          %dma_start3A_142 = arith.constant 0 : i32
          %dma_start3A_143 = tpu.memref_slice %arg3[%dma_start3A_141, %dma_start3A_142] : memref<10000x64xf32, #tpu.memory_space<hbm>> -> memref<10000x64xf32, #tpu.memory_space<hbm>>
          tpu.enqueue_indirect_dma source(%dma_start3A_143 : memref<10000x64xf32, #tpu.memory_space<hbm>>) target(%arg9 : memref<128x64xf32, #tpu.memory_space<vmem>>) offsets(%dma_start3A_140 : memref<128xi32, #tpu.memory_space<vmem>>) semaphore(%arg13 : memref<!tpu.dma_semaphore, #tpu.memory_space<semaphore_mem>>)
        } else {
        }
        %add3A_80 = arith.constant 1 : i32
        %add3A_81 = arith.addi %mul3A_62, %add3A_80 : i32
        %dma_wait3A_82 = arith.constant 0 : i32
        %dma_wait3A_83 = tpu.memref_slice %arg7[%add3A_81, %dma_wait3A_82] : memref<157x128xi32, #tpu.memory_space<vmem>> -> memref<1x128xi32, #tpu.memory_space<vmem>>
        %dma_wait3A_84 = tpu.memref_squeeze %dma_wait3A_83 : memref<1x128xi32, #tpu.memory_space<vmem>> -> memref<128xi32, #tpu.memory_space<vmem>>
        %dma_wait3A_85 = arith.constant 0 : i32
        %dma_wait3A_86 = arith.constant 0 : i32
        %dma_wait3A_87 = tpu.memref_slice %arg3[%dma_wait3A_85, %dma_wait3A_86] : memref<10000x64xf32, #tpu.memory_space<hbm>> -> memref<10000x64xf32, #tpu.memory_space<hbm>>
        tpu.wait_indirect_dma semaphore(%arg14 : memref<!tpu.dma_semaphore, #tpu.memory_space<semaphore_mem>>) src(%dma_wait3A_87 : memref<10000x64xf32, #tpu.memory_space<hbm>>) dst(%arg10 : memref<128x64xf32, #tpu.memory_space<vmem>>)
        %add3A_88 = arith.constant 1 : i32
        %add3A_89 = arith.addi %mul3A_62, %add3A_88 : i32
        "tpu.region"() ({
          %run_scoped3A_134 = tpu.sem_alloc : memref<!tpu.dma_semaphore, #tpu.memory_space<semaphore_mem>>
          %dma_start3A_135 = arith.constant 0 : i32
          %dma_start3A_136 = tpu.memref_slice %arg8[%add3A_89, %dma_start3A_135] : memref<157x128xi32, #tpu.memory_space<vmem>> -> memref<1x128xi32, #tpu.memory_space<vmem>>
          %dma_start3A_137 = tpu.memref_squeeze %dma_start3A_136 : memref<1x128xi32, #tpu.memory_space<vmem>> -> memref<128xi32, #tpu.memory_space<vmem>>
          %dma_start3A_138 = arith.constant 0 : i32
          %dma_start3A_139 = arith.constant 0 : i32
          %dma_start3A_140 = tpu.memref_slice %arg17[%dma_start3A_138, %dma_start3A_139] : memref<10240x64xf32, #tpu.memory_space<vmem_shared>> -> memref<10240x64xf32, #tpu.memory_space<vmem_shared>>
          tpu.enqueue_indirect_dma source(%arg10 : memref<128x64xf32, #tpu.memory_space<vmem>>) target(%dma_start3A_140 : memref<10240x64xf32, #tpu.memory_space<vmem_shared>>) offsets(%dma_start3A_137 : memref<128xi32, #tpu.memory_space<vmem>>) semaphore(%run_scoped3A_134 : memref<!tpu.dma_semaphore, #tpu.memory_space<semaphore_mem>>) {add = true}
          %dma_wait3A_141 = arith.constant 0 : i32
          %dma_wait3A_142 = tpu.memref_slice %arg8[%add3A_89, %dma_wait3A_141] : memref<157x128xi32, #tpu.memory_space<vmem>> -> memref<1x128xi32, #tpu.memory_space<vmem>>
          %dma_wait3A_143 = tpu.memref_squeeze %dma_wait3A_142 : memref<1x128xi32, #tpu.memory_space<vmem>> -> memref<128xi32, #tpu.memory_space<vmem>>
          %dma_wait3A_144 = arith.constant 0 : i32
          %dma_wait3A_145 = arith.constant 0 : i32
          %dma_wait3A_146 = tpu.memref_slice %arg17[%dma_wait3A_144, %dma_wait3A_145] : memref<10240x64xf32, #tpu.memory_space<vmem_shared>> -> memref<10240x64xf32, #tpu.memory_space<vmem_shared>>
          tpu.wait_indirect_dma semaphore(%run_scoped3A_134 : memref<!tpu.dma_semaphore, #tpu.memory_space<semaphore_mem>>) src(%arg10 : memref<128x64xf32, #tpu.memory_space<vmem>>) dst(%dma_wait3A_146 : memref<10240x64xf32, #tpu.memory_space<vmem_shared>>)
          tpu.yield
        }) : () -> ()
        %add3A_90 = arith.constant 4 : i32
        %add3A_91 = arith.addi %mul3A_62, %add3A_90 : i32
        %add3A_92 = arith.constant 1 : i32
        %add3A_93 = arith.addi %add3A_91, %add3A_92 : i32
        %lt3A_94 = arith.cmpi slt, %add3A_93, %select_n3A : i32
        %convert_element_type3A_95 = arith.extui %lt3A_94 : i1 to i32
        %cond3A_96 = arith.constant 0 : i32
        %cond3A_97 = arith.cmpi ne, %convert_element_type3A_95, %cond3A_96 : i32
        scf.if %cond3A_97 {
          %add3A_134 = arith.constant 4 : i32
          %add3A_135 = arith.addi %mul3A_62, %add3A_134 : i32
          %add3A_136 = arith.constant 1 : i32
          %add3A_137 = arith.addi %add3A_135, %add3A_136 : i32
          %dma_start3A_138 = arith.constant 0 : i32
          %dma_start3A_139 = tpu.memref_slice %arg7[%add3A_137, %dma_start3A_138] : memref<157x128xi32, #tpu.memory_space<vmem>> -> memref<1x128xi32, #tpu.memory_space<vmem>>
          %dma_start3A_140 = tpu.memref_squeeze %dma_start3A_139 : memref<1x128xi32, #tpu.memory_space<vmem>> -> memref<128xi32, #tpu.memory_space<vmem>>
          %dma_start3A_141 = arith.constant 0 : i32
          %dma_start3A_142 = arith.constant 0 : i32
          %dma_start3A_143 = tpu.memref_slice %arg3[%dma_start3A_141, %dma_start3A_142] : memref<10000x64xf32, #tpu.memory_space<hbm>> -> memref<10000x64xf32, #tpu.memory_space<hbm>>
          tpu.enqueue_indirect_dma source(%dma_start3A_143 : memref<10000x64xf32, #tpu.memory_space<hbm>>) target(%arg10 : memref<128x64xf32, #tpu.memory_space<vmem>>) offsets(%dma_start3A_140 : memref<128xi32, #tpu.memory_space<vmem>>) semaphore(%arg14 : memref<!tpu.dma_semaphore, #tpu.memory_space<semaphore_mem>>)
        } else {
        }
        %add3A_98 = arith.constant 2 : i32
        %add3A_99 = arith.addi %mul3A_62, %add3A_98 : i32
        %dma_wait3A_100 = arith.constant 0 : i32
        %dma_wait3A_101 = tpu.memref_slice %arg7[%add3A_99, %dma_wait3A_100] : memref<157x128xi32, #tpu.memory_space<vmem>> -> memref<1x128xi32, #tpu.memory_space<vmem>>
        %dma_wait3A_102 = tpu.memref_squeeze %dma_wait3A_101 : memref<1x128xi32, #tpu.memory_space<vmem>> -> memref<128xi32, #tpu.memory_space<vmem>>
        %dma_wait3A_103 = arith.constant 0 : i32
        %dma_wait3A_104 = arith.constant 0 : i32
        %dma_wait3A_105 = tpu.memref_slice %arg3[%dma_wait3A_103, %dma_wait3A_104] : memref<10000x64xf32, #tpu.memory_space<hbm>> -> memref<10000x64xf32, #tpu.memory_space<hbm>>
        tpu.wait_indirect_dma semaphore(%arg15 : memref<!tpu.dma_semaphore, #tpu.memory_space<semaphore_mem>>) src(%dma_wait3A_105 : memref<10000x64xf32, #tpu.memory_space<hbm>>) dst(%arg11 : memref<128x64xf32, #tpu.memory_space<vmem>>)
        %add3A_106 = arith.constant 2 : i32
        %add3A_107 = arith.addi %mul3A_62, %add3A_106 : i32
        "tpu.region"() ({
          %run_scoped3A_134 = tpu.sem_alloc : memref<!tpu.dma_semaphore, #tpu.memory_space<semaphore_mem>>
          %dma_start3A_135 = arith.constant 0 : i32
          %dma_start3A_136 = tpu.memref_slice %arg8[%add3A_107, %dma_start3A_135] : memref<157x128xi32, #tpu.memory_space<vmem>> -> memref<1x128xi32, #tpu.memory_space<vmem>>
          %dma_start3A_137 = tpu.memref_squeeze %dma_start3A_136 : memref<1x128xi32, #tpu.memory_space<vmem>> -> memref<128xi32, #tpu.memory_space<vmem>>
          %dma_start3A_138 = arith.constant 0 : i32
          %dma_start3A_139 = arith.constant 0 : i32
          %dma_start3A_140 = tpu.memref_slice %arg17[%dma_start3A_138, %dma_start3A_139] : memref<10240x64xf32, #tpu.memory_space<vmem_shared>> -> memref<10240x64xf32, #tpu.memory_space<vmem_shared>>
          tpu.enqueue_indirect_dma source(%arg11 : memref<128x64xf32, #tpu.memory_space<vmem>>) target(%dma_start3A_140 : memref<10240x64xf32, #tpu.memory_space<vmem_shared>>) offsets(%dma_start3A_137 : memref<128xi32, #tpu.memory_space<vmem>>) semaphore(%run_scoped3A_134 : memref<!tpu.dma_semaphore, #tpu.memory_space<semaphore_mem>>) {add = true}
          %dma_wait3A_141 = arith.constant 0 : i32
          %dma_wait3A_142 = tpu.memref_slice %arg8[%add3A_107, %dma_wait3A_141] : memref<157x128xi32, #tpu.memory_space<vmem>> -> memref<1x128xi32, #tpu.memory_space<vmem>>
          %dma_wait3A_143 = tpu.memref_squeeze %dma_wait3A_142 : memref<1x128xi32, #tpu.memory_space<vmem>> -> memref<128xi32, #tpu.memory_space<vmem>>
          %dma_wait3A_144 = arith.constant 0 : i32
          %dma_wait3A_145 = arith.constant 0 : i32
          %dma_wait3A_146 = tpu.memref_slice %arg17[%dma_wait3A_144, %dma_wait3A_145] : memref<10240x64xf32, #tpu.memory_space<vmem_shared>> -> memref<10240x64xf32, #tpu.memory_space<vmem_shared>>
          tpu.wait_indirect_dma semaphore(%run_scoped3A_134 : memref<!tpu.dma_semaphore, #tpu.memory_space<semaphore_mem>>) src(%arg11 : memref<128x64xf32, #tpu.memory_space<vmem>>) dst(%dma_wait3A_146 : memref<10240x64xf32, #tpu.memory_space<vmem_shared>>)
          tpu.yield
        }) : () -> ()
        %add3A_108 = arith.constant 4 : i32
        %add3A_109 = arith.addi %mul3A_62, %add3A_108 : i32
        %add3A_110 = arith.constant 2 : i32
        %add3A_111 = arith.addi %add3A_109, %add3A_110 : i32
        %lt3A_112 = arith.cmpi slt, %add3A_111, %select_n3A : i32
        %convert_element_type3A_113 = arith.extui %lt3A_112 : i1 to i32
        %cond3A_114 = arith.constant 0 : i32
        %cond3A_115 = arith.cmpi ne, %convert_element_type3A_113, %cond3A_114 : i32
        scf.if %cond3A_115 {
          %add3A_134 = arith.constant 4 : i32
          %add3A_135 = arith.addi %mul3A_62, %add3A_134 : i32
          %add3A_136 = arith.constant 2 : i32
          %add3A_137 = arith.addi %add3A_135, %add3A_136 : i32
          %dma_start3A_138 = arith.constant 0 : i32
          %dma_start3A_139 = tpu.memref_slice %arg7[%add3A_137, %dma_start3A_138] : memref<157x128xi32, #tpu.memory_space<vmem>> -> memref<1x128xi32, #tpu.memory_space<vmem>>
          %dma_start3A_140 = tpu.memref_squeeze %dma_start3A_139 : memref<1x128xi32, #tpu.memory_space<vmem>> -> memref<128xi32, #tpu.memory_space<vmem>>
          %dma_start3A_141 = arith.constant 0 : i32
          %dma_start3A_142 = arith.constant 0 : i32
          %dma_start3A_143 = tpu.memref_slice %arg3[%dma_start3A_141, %dma_start3A_142] : memref<10000x64xf32, #tpu.memory_space<hbm>> -> memref<10000x64xf32, #tpu.memory_space<hbm>>
          tpu.enqueue_indirect_dma source(%dma_start3A_143 : memref<10000x64xf32, #tpu.memory_space<hbm>>) target(%arg11 : memref<128x64xf32, #tpu.memory_space<vmem>>) offsets(%dma_start3A_140 : memref<128xi32, #tpu.memory_space<vmem>>) semaphore(%arg15 : memref<!tpu.dma_semaphore, #tpu.memory_space<semaphore_mem>>)
        } else {
        }
        %add3A_116 = arith.constant 3 : i32
        %add3A_117 = arith.addi %mul3A_62, %add3A_116 : i32
        %dma_wait3A_118 = arith.constant 0 : i32
        %dma_wait3A_119 = tpu.memref_slice %arg7[%add3A_117, %dma_wait3A_118] : memref<157x128xi32, #tpu.memory_space<vmem>> -> memref<1x128xi32, #tpu.memory_space<vmem>>
        %dma_wait3A_120 = tpu.memref_squeeze %dma_wait3A_119 : memref<1x128xi32, #tpu.memory_space<vmem>> -> memref<128xi32, #tpu.memory_space<vmem>>
        %dma_wait3A_121 = arith.constant 0 : i32
        %dma_wait3A_122 = arith.constant 0 : i32
        %dma_wait3A_123 = tpu.memref_slice %arg3[%dma_wait3A_121, %dma_wait3A_122] : memref<10000x64xf32, #tpu.memory_space<hbm>> -> memref<10000x64xf32, #tpu.memory_space<hbm>>
        tpu.wait_indirect_dma semaphore(%arg16 : memref<!tpu.dma_semaphore, #tpu.memory_space<semaphore_mem>>) src(%dma_wait3A_123 : memref<10000x64xf32, #tpu.memory_space<hbm>>) dst(%arg12 : memref<128x64xf32, #tpu.memory_space<vmem>>)
        %add3A_124 = arith.constant 3 : i32
        %add3A_125 = arith.addi %mul3A_62, %add3A_124 : i32
        "tpu.region"() ({
          %run_scoped3A_134 = tpu.sem_alloc : memref<!tpu.dma_semaphore, #tpu.memory_space<semaphore_mem>>
          %dma_start3A_135 = arith.constant 0 : i32
          %dma_start3A_136 = tpu.memref_slice %arg8[%add3A_125, %dma_start3A_135] : memref<157x128xi32, #tpu.memory_space<vmem>> -> memref<1x128xi32, #tpu.memory_space<vmem>>
          %dma_start3A_137 = tpu.memref_squeeze %dma_start3A_136 : memref<1x128xi32, #tpu.memory_space<vmem>> -> memref<128xi32, #tpu.memory_space<vmem>>
          %dma_start3A_138 = arith.constant 0 : i32
          %dma_start3A_139 = arith.constant 0 : i32
          %dma_start3A_140 = tpu.memref_slice %arg17[%dma_start3A_138, %dma_start3A_139] : memref<10240x64xf32, #tpu.memory_space<vmem_shared>> -> memref<10240x64xf32, #tpu.memory_space<vmem_shared>>
          tpu.enqueue_indirect_dma source(%arg12 : memref<128x64xf32, #tpu.memory_space<vmem>>) target(%dma_start3A_140 : memref<10240x64xf32, #tpu.memory_space<vmem_shared>>) offsets(%dma_start3A_137 : memref<128xi32, #tpu.memory_space<vmem>>) semaphore(%run_scoped3A_134 : memref<!tpu.dma_semaphore, #tpu.memory_space<semaphore_mem>>) {add = true}
          %dma_wait3A_141 = arith.constant 0 : i32
          %dma_wait3A_142 = tpu.memref_slice %arg8[%add3A_125, %dma_wait3A_141] : memref<157x128xi32, #tpu.memory_space<vmem>> -> memref<1x128xi32, #tpu.memory_space<vmem>>
          %dma_wait3A_143 = tpu.memref_squeeze %dma_wait3A_142 : memref<1x128xi32, #tpu.memory_space<vmem>> -> memref<128xi32, #tpu.memory_space<vmem>>
          %dma_wait3A_144 = arith.constant 0 : i32
          %dma_wait3A_145 = arith.constant 0 : i32
          %dma_wait3A_146 = tpu.memref_slice %arg17[%dma_wait3A_144, %dma_wait3A_145] : memref<10240x64xf32, #tpu.memory_space<vmem_shared>> -> memref<10240x64xf32, #tpu.memory_space<vmem_shared>>
          tpu.wait_indirect_dma semaphore(%run_scoped3A_134 : memref<!tpu.dma_semaphore, #tpu.memory_space<semaphore_mem>>) src(%arg12 : memref<128x64xf32, #tpu.memory_space<vmem>>) dst(%dma_wait3A_146 : memref<10240x64xf32, #tpu.memory_space<vmem_shared>>)
          tpu.yield
        }) : () -> ()
        %add3A_126 = arith.constant 4 : i32
        %add3A_127 = arith.addi %mul3A_62, %add3A_126 : i32
        %add3A_128 = arith.constant 3 : i32
        %add3A_129 = arith.addi %add3A_127, %add3A_128 : i32
        %lt3A_130 = arith.cmpi slt, %add3A_129, %select_n3A : i32
        %convert_element_type3A_131 = arith.extui %lt3A_130 : i1 to i32
        %cond3A_132 = arith.constant 0 : i32
        %cond3A_133 = arith.cmpi ne, %convert_element_type3A_131, %cond3A_132 : i32
        scf.if %cond3A_133 {
          %add3A_134 = arith.constant 4 : i32
          %add3A_135 = arith.addi %mul3A_62, %add3A_134 : i32
          %add3A_136 = arith.constant 3 : i32
          %add3A_137 = arith.addi %add3A_135, %add3A_136 : i32
          %dma_start3A_138 = arith.constant 0 : i32
          %dma_start3A_139 = tpu.memref_slice %arg7[%add3A_137, %dma_start3A_138] : memref<157x128xi32, #tpu.memory_space<vmem>> -> memref<1x128xi32, #tpu.memory_space<vmem>>
          %dma_start3A_140 = tpu.memref_squeeze %dma_start3A_139 : memref<1x128xi32, #tpu.memory_space<vmem>> -> memref<128xi32, #tpu.memory_space<vmem>>
          %dma_start3A_141 = arith.constant 0 : i32
          %dma_start3A_142 = arith.constant 0 : i32
          %dma_start3A_143 = tpu.memref_slice %arg3[%dma_start3A_141, %dma_start3A_142] : memref<10000x64xf32, #tpu.memory_space<hbm>> -> memref<10000x64xf32, #tpu.memory_space<hbm>>
          tpu.enqueue_indirect_dma source(%dma_start3A_143 : memref<10000x64xf32, #tpu.memory_space<hbm>>) target(%arg12 : memref<128x64xf32, #tpu.memory_space<vmem>>) offsets(%dma_start3A_140 : memref<128xi32, #tpu.memory_space<vmem>>) semaphore(%arg16 : memref<!tpu.dma_semaphore, #tpu.memory_space<semaphore_mem>>)
        } else {
        }
      }
      %scan3A_54 = arith.constant 39 : i32
      %gt3A_55 = arith.constant 156 : i32
      %gt3A_56 = arith.cmpi sgt, %select_n3A, %gt3A_55 : i32
      %convert_element_type3A_57 = arith.extui %gt3A_56 : i1 to i32
      %cond3A_58 = arith.constant 0 : i32
      %cond3A_59 = arith.cmpi ne, %convert_element_type3A_57, %cond3A_58 : i32
      scf.if %cond3A_59 {
        %dma_wait3A = arith.constant 156 : i32
        %dma_wait3A_60 = arith.constant 0 : i32
        %dma_wait3A_61 = tpu.memref_slice %arg7[%dma_wait3A, %dma_wait3A_60] : memref<157x128xi32, #tpu.memory_space<vmem>> -> memref<1x128xi32, #tpu.memory_space<vmem>>
        %dma_wait3A_62 = tpu.memref_squeeze %dma_wait3A_61 : memref<1x128xi32, #tpu.memory_space<vmem>> -> memref<128xi32, #tpu.memory_space<vmem>>
        %dma_wait3A_63 = arith.constant 0 : i32
        %dma_wait3A_64 = arith.constant 0 : i32
        %dma_wait3A_65 = tpu.memref_slice %arg3[%dma_wait3A_63, %dma_wait3A_64] : memref<10000x64xf32, #tpu.memory_space<hbm>> -> memref<10000x64xf32, #tpu.memory_space<hbm>>
        tpu.wait_indirect_dma semaphore(%arg13 : memref<!tpu.dma_semaphore, #tpu.memory_space<semaphore_mem>>) src(%dma_wait3A_65 : memref<10000x64xf32, #tpu.memory_space<hbm>>) dst(%arg9 : memref<128x64xf32, #tpu.memory_space<vmem>>)
        %run_scoped3A_66 = arith.constant 156 : i32
        "tpu.region"() ({
          %run_scoped3A_67 = tpu.sem_alloc : memref<!tpu.dma_semaphore, #tpu.memory_space<semaphore_mem>>
          %dma_start3A_68 = arith.constant 0 : i32
          %dma_start3A_69 = tpu.memref_slice %arg8[%run_scoped3A_66, %dma_start3A_68] : memref<157x128xi32, #tpu.memory_space<vmem>> -> memref<1x128xi32, #tpu.memory_space<vmem>>
          %dma_start3A_70 = tpu.memref_squeeze %dma_start3A_69 : memref<1x128xi32, #tpu.memory_space<vmem>> -> memref<128xi32, #tpu.memory_space<vmem>>
          %dma_start3A_71 = arith.constant 0 : i32
          %dma_start3A_72 = arith.constant 0 : i32
          %dma_start3A_73 = tpu.memref_slice %arg17[%dma_start3A_71, %dma_start3A_72] : memref<10240x64xf32, #tpu.memory_space<vmem_shared>> -> memref<10240x64xf32, #tpu.memory_space<vmem_shared>>
          tpu.enqueue_indirect_dma source(%arg9 : memref<128x64xf32, #tpu.memory_space<vmem>>) target(%dma_start3A_73 : memref<10240x64xf32, #tpu.memory_space<vmem_shared>>) offsets(%dma_start3A_70 : memref<128xi32, #tpu.memory_space<vmem>>) semaphore(%run_scoped3A_67 : memref<!tpu.dma_semaphore, #tpu.memory_space<semaphore_mem>>) {add = true}
          %dma_wait3A_74 = arith.constant 0 : i32
          %dma_wait3A_75 = tpu.memref_slice %arg8[%run_scoped3A_66, %dma_wait3A_74] : memref<157x128xi32, #tpu.memory_space<vmem>> -> memref<1x128xi32, #tpu.memory_space<vmem>>
          %dma_wait3A_76 = tpu.memref_squeeze %dma_wait3A_75 : memref<1x128xi32, #tpu.memory_space<vmem>> -> memref<128xi32, #tpu.memory_space<vmem>>
          %dma_wait3A_77 = arith.constant 0 : i32
          %dma_wait3A_78 = arith.constant 0 : i32
          %dma_wait3A_79 = tpu.memref_slice %arg17[%dma_wait3A_77, %dma_wait3A_78] : memref<10240x64xf32, #tpu.memory_space<vmem_shared>> -> memref<10240x64xf32, #tpu.memory_space<vmem_shared>>
          tpu.wait_indirect_dma semaphore(%run_scoped3A_67 : memref<!tpu.dma_semaphore, #tpu.memory_space<semaphore_mem>>) src(%arg9 : memref<128x64xf32, #tpu.memory_space<vmem>>) dst(%dma_wait3A_79 : memref<10240x64xf32, #tpu.memory_space<vmem_shared>>)
          tpu.yield
        }) : () -> ()
      } else {
      }
    } else {
    }
    %barrier3A_18 = arith.constant 0 : index
    tpu.barrier barrier_id(%barrier3A_18)
    %mul3A_19 = arith.constant 640 : i32
    %mul3A_20 = arith.muli %arg1, %mul3A_19 : i32
    %mul3A_21 = arith.constant 640 : i32
    %mul3A_22 = arith.muli %arg1, %mul3A_21 : i32
    "tpu.region"() ({
      %run_scoped3A_23 = tpu.sem_alloc : memref<!tpu.dma_semaphore, #tpu.memory_space<semaphore_mem>>
      %dma_start3A = arith.constant 0 : i32
      %dma_start3A_24 = tpu.memref_slice %arg6[%arg0, %mul3A_22, %dma_start3A] : memref<2x10240x64xf32, #tpu.memory_space<hbm>> -> memref<1x640x64xf32, #tpu.memory_space<hbm>>
      %dma_start3A_25 = tpu.memref_squeeze %dma_start3A_24 : memref<1x640x64xf32, #tpu.memory_space<hbm>> -> memref<640x64xf32, #tpu.memory_space<hbm>>
      %dma_start3A_26 = arith.constant 0 : i32
      %dma_start3A_27 = tpu.memref_slice %arg17[%mul3A_20, %dma_start3A_26] : memref<10240x64xf32, #tpu.memory_space<vmem_shared>> -> memref<640x64xf32, #tpu.memory_space<vmem_shared>>
      tpu.enqueue_dma source(%dma_start3A_27 : memref<640x64xf32, #tpu.memory_space<vmem_shared>>) target(%dma_start3A_25 : memref<640x64xf32, #tpu.memory_space<hbm>>) target_semaphore(%run_scoped3A_23 : memref<!tpu.dma_semaphore, #tpu.memory_space<semaphore_mem>>)
      %dma_wait3A = arith.constant 0 : i32
      %dma_wait3A_28 = tpu.memref_slice %arg6[%arg0, %mul3A_22, %dma_wait3A] : memref<2x10240x64xf32, #tpu.memory_space<hbm>> -> memref<1x640x64xf32, #tpu.memory_space<hbm>>
      %dma_wait3A_29 = tpu.memref_squeeze %dma_wait3A_28 : memref<1x640x64xf32, #tpu.memory_space<hbm>> -> memref<640x64xf32, #tpu.memory_space<hbm>>
      %dma_wait3A_30 = arith.constant 0 : i32
      %dma_wait3A_31 = tpu.memref_slice %arg17[%mul3A_20, %dma_wait3A_30] : memref<10240x64xf32, #tpu.memory_space<vmem_shared>> -> memref<640x64xf32, #tpu.memory_space<vmem_shared>>
      tpu.wait_dma2 semaphore(%run_scoped3A_23 : memref<!tpu.dma_semaphore, #tpu.memory_space<semaphore_mem>>) src(%dma_wait3A_31 : memref<640x64xf32, #tpu.memory_space<vmem_shared>>) dst(%dma_wait3A_29 : memref<640x64xf32, #tpu.memory_space<hbm>>)
      tpu.yield
    }) : () -> ()
    return
  }
}

#map = affine_map<(d0, d1) -> (0, 0, 0)>
#map1 = affine_map<(d0, d1) -> (0, 0)>
module attributes {stable_mosaic.version = 14 : i64} {
  func.func @_deg_body(%arg0: i32, %arg1: i32, %arg2: memref<2x2500x128xi32, #tpu.memory_space<hbm>>, %arg3: memref<128x16xf32, #tpu.memory_space<hbm>>, %arg4: memref<640x16xf32, #tpu.memory_space<hbm>>, %arg5: memref<2x10240x16xf32, #tpu.memory_space<hbm>>, %arg6: memref<79x128xi32, #tpu.memory_space<vmem>>, %arg7: memref<128x16xf32, #tpu.memory_space<vmem>>, %arg8: memref<10240x16xf32, #tpu.memory_space<vmem_shared>>) attributes {dimension_semantics = [#tpu.dimension_semantics<core_parallel>, #tpu.dimension_semantics<subcore_parallel>], iteration_bounds = array<i64: 2, 16>, scalar_prefetch = 0 : i64, scratch_operands = 3 : i64, tpu.core_type = #tpu.core_type<sc_vector_subcore>, window_params = [{transform_indices = #map}, {transform_indices = #map1}, {transform_indices = #map1}, {transform_indices = #map}]} {
    %mul3A = arith.constant 156 : i32
    %mul3A_0 = arith.muli %mul3A, %arg1 : i32
    %min3A = arith.constant 4 : i32
    %min3A_1 = arith.minsi %arg1, %min3A : i32
    %add3A = arith.addi %mul3A_0, %min3A_1 : i32
    %lt3A = arith.constant 4 : i32
    %lt3A_2 = arith.cmpi slt, %arg1, %lt3A : i32
    %jit3A = arith.constant 157 : i32
    %jit3A_3 = arith.constant 156 : i32
    %select_n3A = arith.select %lt3A_2, %jit3A, %jit3A_3 : i32
    %add3A_4 = arith.constant 1 : i32
    %add3A_5 = arith.addi %select_n3A, %add3A_4 : i32
    %jit3A_6 = arith.constant 2 : i32
    %div3A = arith.divsi %add3A_5, %jit3A_6 : i32
    %sign3A = arith.constant 0 : i32
    %sign3A_7 = arith.cmpi sgt, %add3A_5, %sign3A : i32
    %sign3A_8 = arith.extui %sign3A_7 : i1 to i32
    %sign3A_9 = arith.constant 0 : i32
    %sign3A_10 = arith.cmpi slt, %add3A_5, %sign3A_9 : i32
    %sign3A_11 = arith.extui %sign3A_10 : i1 to i32
    %sign3A_12 = arith.subi %sign3A_8, %sign3A_11 : i32
    %sign3A_13 = arith.constant 0 : i32
    %sign3A_14 = arith.cmpi sgt, %jit3A_6, %sign3A_13 : i32
    %sign3A_15 = arith.extui %sign3A_14 : i1 to i32
    %sign3A_16 = arith.constant 0 : i32
    %sign3A_17 = arith.cmpi slt, %jit3A_6, %sign3A_16 : i32
    %sign3A_18 = arith.extui %sign3A_17 : i1 to i32
    %sign3A_19 = arith.subi %sign3A_15, %sign3A_18 : i32
    %ne3A = arith.cmpi ne, %sign3A_12, %sign3A_19 : i32
    %rem3A = arith.remsi %add3A_5, %jit3A_6 : i32
    %ne3A_20 = arith.constant 0 : i32
    %ne3A_21 = arith.cmpi ne, %rem3A, %ne3A_20 : i32
    %and3A = arith.andi %ne3A, %ne3A_21 : i1
    %sub3A = arith.constant 1 : i32
    %sub3A_22 = arith.subi %div3A, %sub3A : i32
    %select_n3A_23 = arith.select %and3A, %sub3A_22, %div3A : i32
    %mul3A_24 = arith.muli %arg0, %select_n3A_23 : i32
    %add3A_25 = arith.addi %add3A, %mul3A_24 : i32
    %eq3A = arith.constant 0 : i32
    %eq3A_26 = arith.cmpi eq, %arg0, %eq3A : i32
    %sub3A_27 = arith.subi %select_n3A, %select_n3A_23 : i32
    %select_n3A_28 = arith.select %eq3A_26, %select_n3A_23, %sub3A_27 : i32
    %run_scoped3A = arith.constant 1 : i32
    "tpu.region"() ({
      %run_scoped3A_47 = tpu.sem_alloc : memref<!tpu.dma_semaphore, #tpu.memory_space<semaphore_mem>>
      %dma_start3A = arith.constant 0 : i32
      %dma_start3A_48 = arith.constant 0 : i32
      %dma_start3A_49 = tpu.memref_slice %arg6[%dma_start3A, %dma_start3A_48] : memref<79x128xi32, #tpu.memory_space<vmem>> -> memref<78x128xi32, #tpu.memory_space<vmem>>
      %dma_start3A_50 = arith.constant 0 : i32
      %dma_start3A_51 = tpu.memref_slice %arg2[%run_scoped3A, %add3A_25, %dma_start3A_50] : memref<2x2500x128xi32, #tpu.memory_space<hbm>> -> memref<1x78x128xi32, #tpu.memory_space<hbm>>
      %dma_start3A_52 = tpu.memref_squeeze %dma_start3A_51 : memref<1x78x128xi32, #tpu.memory_space<hbm>> -> memref<78x128xi32, #tpu.memory_space<hbm>>
      %dma_start3A_53 = arith.constant 0 : i32
      %dma_start3A_54 = arith.constant 0 : i32
      %dma_start3A_55 = tpu.memref_slice %arg6[%dma_start3A_53, %dma_start3A_54] : memref<79x128xi32, #tpu.memory_space<vmem>> -> memref<78x128xi32, #tpu.memory_space<vmem>>
      %dma_start3A_56 = arith.constant 0 : i32
      %dma_start3A_57 = tpu.memref_slice %arg2[%run_scoped3A, %add3A_25, %dma_start3A_56] : memref<2x2500x128xi32, #tpu.memory_space<hbm>> -> memref<1x78x128xi32, #tpu.memory_space<hbm>>
      %dma_start3A_58 = tpu.memref_squeeze %dma_start3A_57 : memref<1x78x128xi32, #tpu.memory_space<hbm>> -> memref<78x128xi32, #tpu.memory_space<hbm>>
      tpu.enqueue_dma source(%dma_start3A_58 : memref<78x128xi32, #tpu.memory_space<hbm>>) target(%dma_start3A_55 : memref<78x128xi32, #tpu.memory_space<vmem>>) target_semaphore(%run_scoped3A_47 : memref<!tpu.dma_semaphore, #tpu.memory_space<semaphore_mem>>)
      %dma_wait3A = arith.constant 0 : i32
      %dma_wait3A_59 = arith.constant 0 : i32
      %dma_wait3A_60 = tpu.memref_slice %arg6[%dma_wait3A, %dma_wait3A_59] : memref<79x128xi32, #tpu.memory_space<vmem>> -> memref<78x128xi32, #tpu.memory_space<vmem>>
      %dma_wait3A_61 = arith.constant 0 : i32
      %dma_wait3A_62 = tpu.memref_slice %arg2[%run_scoped3A, %add3A_25, %dma_wait3A_61] : memref<2x2500x128xi32, #tpu.memory_space<hbm>> -> memref<1x78x128xi32, #tpu.memory_space<hbm>>
      %dma_wait3A_63 = tpu.memref_squeeze %dma_wait3A_62 : memref<1x78x128xi32, #tpu.memory_space<hbm>> -> memref<78x128xi32, #tpu.memory_space<hbm>>
      %dma_wait3A_64 = arith.constant 0 : i32
      %dma_wait3A_65 = arith.constant 0 : i32
      %dma_wait3A_66 = tpu.memref_slice %arg6[%dma_wait3A_64, %dma_wait3A_65] : memref<79x128xi32, #tpu.memory_space<vmem>> -> memref<78x128xi32, #tpu.memory_space<vmem>>
      %dma_wait3A_67 = arith.constant 0 : i32
      %dma_wait3A_68 = tpu.memref_slice %arg2[%run_scoped3A, %add3A_25, %dma_wait3A_67] : memref<2x2500x128xi32, #tpu.memory_space<hbm>> -> memref<1x78x128xi32, #tpu.memory_space<hbm>>
      %dma_wait3A_69 = tpu.memref_squeeze %dma_wait3A_68 : memref<1x78x128xi32, #tpu.memory_space<hbm>> -> memref<78x128xi32, #tpu.memory_space<hbm>>
      tpu.wait_dma2 semaphore(%run_scoped3A_47 : memref<!tpu.dma_semaphore, #tpu.memory_space<semaphore_mem>>) src(%dma_wait3A_69 : memref<78x128xi32, #tpu.memory_space<hbm>>) dst(%dma_wait3A_66 : memref<78x128xi32, #tpu.memory_space<vmem>>)
      tpu.yield
    }) : () -> ()
    "tpu.region"() ({
      %run_scoped3A_47 = tpu.sem_alloc : memref<!tpu.dma_semaphore, #tpu.memory_space<semaphore_mem>>
      tpu.enqueue_dma source(%arg3 : memref<128x16xf32, #tpu.memory_space<hbm>>) target(%arg7 : memref<128x16xf32, #tpu.memory_space<vmem>>) target_semaphore(%run_scoped3A_47 : memref<!tpu.dma_semaphore, #tpu.memory_space<semaphore_mem>>)
      tpu.wait_dma2 semaphore(%run_scoped3A_47 : memref<!tpu.dma_semaphore, #tpu.memory_space<semaphore_mem>>) src(%arg3 : memref<128x16xf32, #tpu.memory_space<hbm>>) dst(%arg7 : memref<128x16xf32, #tpu.memory_space<vmem>>)
      tpu.yield
    }) : () -> ()
    %mul3A_29 = arith.constant 640 : i32
    %mul3A_30 = arith.muli %arg1, %mul3A_29 : i32
    "tpu.region"() ({
      %run_scoped3A_47 = tpu.sem_alloc : memref<!tpu.dma_semaphore, #tpu.memory_space<semaphore_mem>>
      %dma_start3A = arith.constant 0 : i32
      %dma_start3A_48 = tpu.memref_slice %arg8[%mul3A_30, %dma_start3A] : memref<10240x16xf32, #tpu.memory_space<vmem_shared>> -> memref<640x16xf32, #tpu.memory_space<vmem_shared>>
      tpu.enqueue_dma source(%arg4 : memref<640x16xf32, #tpu.memory_space<hbm>>) target(%dma_start3A_48 : memref<640x16xf32, #tpu.memory_space<vmem_shared>>) target_semaphore(%run_scoped3A_47 : memref<!tpu.dma_semaphore, #tpu.memory_space<semaphore_mem>>)
      %dma_wait3A = arith.constant 0 : i32
      %dma_wait3A_49 = tpu.memref_slice %arg8[%mul3A_30, %dma_wait3A] : memref<10240x16xf32, #tpu.memory_space<vmem_shared>> -> memref<640x16xf32, #tpu.memory_space<vmem_shared>>
      tpu.wait_dma2 semaphore(%run_scoped3A_47 : memref<!tpu.dma_semaphore, #tpu.memory_space<semaphore_mem>>) src(%arg4 : memref<640x16xf32, #tpu.memory_space<hbm>>) dst(%dma_wait3A_49 : memref<640x16xf32, #tpu.memory_space<vmem_shared>>)
      tpu.yield
    }) : () -> ()
    %gt3A = arith.constant 78 : i32
    %gt3A_31 = arith.cmpi sgt, %select_n3A_28, %gt3A : i32
    %convert_element_type3A = arith.extui %gt3A_31 : i1 to i32
    %cond3A = arith.constant 0 : i32
    %cond3A_32 = arith.cmpi ne, %convert_element_type3A, %cond3A : i32
    scf.if %cond3A_32 {
      %add3A_47 = arith.constant 78 : i32
      %add3A_48 = arith.addi %add3A_25, %add3A_47 : i32
      %run_scoped3A_49 = arith.constant 1 : i32
      "tpu.region"() ({
        %run_scoped3A_50 = tpu.sem_alloc : memref<!tpu.dma_semaphore, #tpu.memory_space<semaphore_mem>>
        %dma_start3A = arith.constant 78 : i32
        %dma_start3A_51 = arith.constant 0 : i32
        %dma_start3A_52 = tpu.memref_slice %arg6[%dma_start3A, %dma_start3A_51] : memref<79x128xi32, #tpu.memory_space<vmem>> -> memref<1x128xi32, #tpu.memory_space<vmem>>
        %dma_start3A_53 = arith.constant 0 : i32
        %dma_start3A_54 = tpu.memref_slice %arg2[%run_scoped3A_49, %add3A_48, %dma_start3A_53] : memref<2x2500x128xi32, #tpu.memory_space<hbm>> -> memref<1x1x128xi32, #tpu.memory_space<hbm>>
        %dma_start3A_55 = tpu.memref_squeeze %dma_start3A_54 : memref<1x1x128xi32, #tpu.memory_space<hbm>> -> memref<1x128xi32, #tpu.memory_space<hbm>>
        %dma_start3A_56 = arith.constant 78 : i32
        %dma_start3A_57 = arith.constant 0 : i32
        %dma_start3A_58 = tpu.memref_slice %arg6[%dma_start3A_56, %dma_start3A_57] : memref<79x128xi32, #tpu.memory_space<vmem>> -> memref<1x128xi32, #tpu.memory_space<vmem>>
        %dma_start3A_59 = arith.constant 0 : i32
        %dma_start3A_60 = tpu.memref_slice %arg2[%run_scoped3A_49, %add3A_48, %dma_start3A_59] : memref<2x2500x128xi32, #tpu.memory_space<hbm>> -> memref<1x1x128xi32, #tpu.memory_space<hbm>>
        %dma_start3A_61 = tpu.memref_squeeze %dma_start3A_60 : memref<1x1x128xi32, #tpu.memory_space<hbm>> -> memref<1x128xi32, #tpu.memory_space<hbm>>
        tpu.enqueue_dma source(%dma_start3A_61 : memref<1x128xi32, #tpu.memory_space<hbm>>) target(%dma_start3A_58 : memref<1x128xi32, #tpu.memory_space<vmem>>) target_semaphore(%run_scoped3A_50 : memref<!tpu.dma_semaphore, #tpu.memory_space<semaphore_mem>>)
        %dma_wait3A = arith.constant 78 : i32
        %dma_wait3A_62 = arith.constant 0 : i32
        %dma_wait3A_63 = tpu.memref_slice %arg6[%dma_wait3A, %dma_wait3A_62] : memref<79x128xi32, #tpu.memory_space<vmem>> -> memref<1x128xi32, #tpu.memory_space<vmem>>
        %dma_wait3A_64 = arith.constant 0 : i32
        %dma_wait3A_65 = tpu.memref_slice %arg2[%run_scoped3A_49, %add3A_48, %dma_wait3A_64] : memref<2x2500x128xi32, #tpu.memory_space<hbm>> -> memref<1x1x128xi32, #tpu.memory_space<hbm>>
        %dma_wait3A_66 = tpu.memref_squeeze %dma_wait3A_65 : memref<1x1x128xi32, #tpu.memory_space<hbm>> -> memref<1x128xi32, #tpu.memory_space<hbm>>
        %dma_wait3A_67 = arith.constant 78 : i32
        %dma_wait3A_68 = arith.constant 0 : i32
        %dma_wait3A_69 = tpu.memref_slice %arg6[%dma_wait3A_67, %dma_wait3A_68] : memref<79x128xi32, #tpu.memory_space<vmem>> -> memref<1x128xi32, #tpu.memory_space<vmem>>
        %dma_wait3A_70 = arith.constant 0 : i32
        %dma_wait3A_71 = tpu.memref_slice %arg2[%run_scoped3A_49, %add3A_48, %dma_wait3A_70] : memref<2x2500x128xi32, #tpu.memory_space<hbm>> -> memref<1x1x128xi32, #tpu.memory_space<hbm>>
        %dma_wait3A_72 = tpu.memref_squeeze %dma_wait3A_71 : memref<1x1x128xi32, #tpu.memory_space<hbm>> -> memref<1x128xi32, #tpu.memory_space<hbm>>
        tpu.wait_dma2 semaphore(%run_scoped3A_50 : memref<!tpu.dma_semaphore, #tpu.memory_space<semaphore_mem>>) src(%dma_wait3A_72 : memref<1x128xi32, #tpu.memory_space<hbm>>) dst(%dma_wait3A_69 : memref<1x128xi32, #tpu.memory_space<vmem>>)
        tpu.yield
      }) : () -> ()
    } else {
    }
    %barrier3A = arith.constant 0 : index
    tpu.barrier barrier_id(%barrier3A)
    %while3A = arith.constant 0 : i32
    %while3A_33 = arith.constant 0 : i32
    %while3A_34 = arith.subi %select_n3A_28, %while3A_33 : i32
    %while3A_35 = arith.addi %while3A_33, %while3A_34 : i32
    %while3A_36 = arith.constant 1 : i32
    %while3A_37 = arith.divsi %while3A_34, %while3A_36 : i32
    %while3A_38 = arith.muli %while3A_37, %while3A_36 : i32
    %while3A_39 = arith.addi %while3A_33, %while3A_38 : i32
    %while3A_40 = arith.constant 1 : i32
    scf.for %while3A_47 = %while3A_33 to %while3A_39 step %while3A_40  : i32 {
      "tpu.region"() ({
        %run_scoped3A_48 = tpu.sem_alloc : memref<!tpu.dma_semaphore, #tpu.memory_space<semaphore_mem>>
        %dma_start3A = arith.constant 0 : i32
        %dma_start3A_49 = tpu.memref_slice %arg6[%while3A_47, %dma_start3A] : memref<79x128xi32, #tpu.memory_space<vmem>> -> memref<1x128xi32, #tpu.memory_space<vmem>>
        %dma_start3A_50 = tpu.memref_squeeze %dma_start3A_49 : memref<1x128xi32, #tpu.memory_space<vmem>> -> memref<128xi32, #tpu.memory_space<vmem>>
        %dma_start3A_51 = arith.constant 0 : i32
        %dma_start3A_52 = arith.constant 0 : i32
        %dma_start3A_53 = tpu.memref_slice %arg8[%dma_start3A_51, %dma_start3A_52] : memref<10240x16xf32, #tpu.memory_space<vmem_shared>> -> memref<10240x16xf32, #tpu.memory_space<vmem_shared>>
        tpu.enqueue_indirect_dma source(%arg7 : memref<128x16xf32, #tpu.memory_space<vmem>>) target(%dma_start3A_53 : memref<10240x16xf32, #tpu.memory_space<vmem_shared>>) offsets(%dma_start3A_50 : memref<128xi32, #tpu.memory_space<vmem>>) semaphore(%run_scoped3A_48 : memref<!tpu.dma_semaphore, #tpu.memory_space<semaphore_mem>>) {add = true}
        %dma_wait3A = arith.constant 0 : i32
        %dma_wait3A_54 = tpu.memref_slice %arg6[%while3A_47, %dma_wait3A] : memref<79x128xi32, #tpu.memory_space<vmem>> -> memref<1x128xi32, #tpu.memory_space<vmem>>
        %dma_wait3A_55 = tpu.memref_squeeze %dma_wait3A_54 : memref<1x128xi32, #tpu.memory_space<vmem>> -> memref<128xi32, #tpu.memory_space<vmem>>
        %dma_wait3A_56 = arith.constant 0 : i32
        %dma_wait3A_57 = arith.constant 0 : i32
        %dma_wait3A_58 = tpu.memref_slice %arg8[%dma_wait3A_56, %dma_wait3A_57] : memref<10240x16xf32, #tpu.memory_space<vmem_shared>> -> memref<10240x16xf32, #tpu.memory_space<vmem_shared>>
        tpu.wait_indirect_dma semaphore(%run_scoped3A_48 : memref<!tpu.dma_semaphore, #tpu.memory_space<semaphore_mem>>) src(%arg7 : memref<128x16xf32, #tpu.memory_space<vmem>>) dst(%dma_wait3A_58 : memref<10240x16xf32, #tpu.memory_space<vmem_shared>>)
        tpu.yield
      }) : () -> ()
    }
    %while3A_41 = arith.constant 1 : i32
    scf.for %while3A_47 = %while3A_39 to %while3A_35 step %while3A_41  : i32 {
      "tpu.region"() ({
        %run_scoped3A_48 = tpu.sem_alloc : memref<!tpu.dma_semaphore, #tpu.memory_space<semaphore_mem>>
        %dma_start3A = arith.constant 0 : i32
        %dma_start3A_49 = tpu.memref_slice %arg6[%while3A_47, %dma_start3A] : memref<79x128xi32, #tpu.memory_space<vmem>> -> memref<1x128xi32, #tpu.memory_space<vmem>>
        %dma_start3A_50 = tpu.memref_squeeze %dma_start3A_49 : memref<1x128xi32, #tpu.memory_space<vmem>> -> memref<128xi32, #tpu.memory_space<vmem>>
        %dma_start3A_51 = arith.constant 0 : i32
        %dma_start3A_52 = arith.constant 0 : i32
        %dma_start3A_53 = tpu.memref_slice %arg8[%dma_start3A_51, %dma_start3A_52] : memref<10240x16xf32, #tpu.memory_space<vmem_shared>> -> memref<10240x16xf32, #tpu.memory_space<vmem_shared>>
        tpu.enqueue_indirect_dma source(%arg7 : memref<128x16xf32, #tpu.memory_space<vmem>>) target(%dma_start3A_53 : memref<10240x16xf32, #tpu.memory_space<vmem_shared>>) offsets(%dma_start3A_50 : memref<128xi32, #tpu.memory_space<vmem>>) semaphore(%run_scoped3A_48 : memref<!tpu.dma_semaphore, #tpu.memory_space<semaphore_mem>>) {add = true}
        %dma_wait3A = arith.constant 0 : i32
        %dma_wait3A_54 = tpu.memref_slice %arg6[%while3A_47, %dma_wait3A] : memref<79x128xi32, #tpu.memory_space<vmem>> -> memref<1x128xi32, #tpu.memory_space<vmem>>
        %dma_wait3A_55 = tpu.memref_squeeze %dma_wait3A_54 : memref<1x128xi32, #tpu.memory_space<vmem>> -> memref<128xi32, #tpu.memory_space<vmem>>
        %dma_wait3A_56 = arith.constant 0 : i32
        %dma_wait3A_57 = arith.constant 0 : i32
        %dma_wait3A_58 = tpu.memref_slice %arg8[%dma_wait3A_56, %dma_wait3A_57] : memref<10240x16xf32, #tpu.memory_space<vmem_shared>> -> memref<10240x16xf32, #tpu.memory_space<vmem_shared>>
        tpu.wait_indirect_dma semaphore(%run_scoped3A_48 : memref<!tpu.dma_semaphore, #tpu.memory_space<semaphore_mem>>) src(%arg7 : memref<128x16xf32, #tpu.memory_space<vmem>>) dst(%dma_wait3A_58 : memref<10240x16xf32, #tpu.memory_space<vmem_shared>>)
        tpu.yield
      }) : () -> ()
    }
    %barrier3A_42 = arith.constant 0 : index
    tpu.barrier barrier_id(%barrier3A_42)
    %mul3A_43 = arith.constant 640 : i32
    %mul3A_44 = arith.muli %arg1, %mul3A_43 : i32
    %mul3A_45 = arith.constant 640 : i32
    %mul3A_46 = arith.muli %arg1, %mul3A_45 : i32
    "tpu.region"() ({
      %run_scoped3A_47 = tpu.sem_alloc : memref<!tpu.dma_semaphore, #tpu.memory_space<semaphore_mem>>
      %dma_start3A = arith.constant 0 : i32
      %dma_start3A_48 = tpu.memref_slice %arg5[%arg0, %mul3A_46, %dma_start3A] : memref<2x10240x16xf32, #tpu.memory_space<hbm>> -> memref<1x640x16xf32, #tpu.memory_space<hbm>>
      %dma_start3A_49 = tpu.memref_squeeze %dma_start3A_48 : memref<1x640x16xf32, #tpu.memory_space<hbm>> -> memref<640x16xf32, #tpu.memory_space<hbm>>
      %dma_start3A_50 = arith.constant 0 : i32
      %dma_start3A_51 = tpu.memref_slice %arg8[%mul3A_44, %dma_start3A_50] : memref<10240x16xf32, #tpu.memory_space<vmem_shared>> -> memref<640x16xf32, #tpu.memory_space<vmem_shared>>
      tpu.enqueue_dma source(%dma_start3A_51 : memref<640x16xf32, #tpu.memory_space<vmem_shared>>) target(%dma_start3A_49 : memref<640x16xf32, #tpu.memory_space<hbm>>) target_semaphore(%run_scoped3A_47 : memref<!tpu.dma_semaphore, #tpu.memory_space<semaphore_mem>>)
      %dma_wait3A = arith.constant 0 : i32
      %dma_wait3A_52 = tpu.memref_slice %arg5[%arg0, %mul3A_46, %dma_wait3A] : memref<2x10240x16xf32, #tpu.memory_space<hbm>> -> memref<1x640x16xf32, #tpu.memory_space<hbm>>
      %dma_wait3A_53 = tpu.memref_squeeze %dma_wait3A_52 : memref<1x640x16xf32, #tpu.memory_space<hbm>> -> memref<640x16xf32, #tpu.memory_space<hbm>>
      %dma_wait3A_54 = arith.constant 0 : i32
      %dma_wait3A_55 = tpu.memref_slice %arg8[%mul3A_44, %dma_wait3A_54] : memref<10240x16xf32, #tpu.memory_space<vmem_shared>> -> memref<640x16xf32, #tpu.memory_space<vmem_shared>>
      tpu.wait_dma2 semaphore(%run_scoped3A_47 : memref<!tpu.dma_semaphore, #tpu.memory_space<semaphore_mem>>) src(%dma_wait3A_55 : memref<640x16xf32, #tpu.memory_space<vmem_shared>>) dst(%dma_wait3A_53 : memref<640x16xf32, #tpu.memory_space<hbm>>)
      tpu.yield
    }) : () -> ()
    return
  }
}

#map = affine_map<(d0, d1) -> (0, 0)>
#map1 = affine_map<(d0, d1) -> (0, 0, 0)>
module attributes {stable_mosaic.version = 14 : i64} {
  func.func @_agg_body(%arg0: i32, %arg1: i32, %arg2: memref<10000x64xf32, #tpu.memory_space<hbm>>, %arg3: memref<10000x64xf32, #tpu.memory_space<hbm>>, %arg4: memref<2x2500x128xi32, #tpu.memory_space<hbm>>, %arg5: memref<640x64xf32, #tpu.memory_space<hbm>>, %arg6: memref<2x10240x64xf32, #tpu.memory_space<hbm>>, %arg7: memref<157x128xi32, #tpu.memory_space<vmem>>, %arg8: memref<157x128xi32, #tpu.memory_space<vmem>>, %arg9: memref<128x64xf32, #tpu.memory_space<vmem>>, %arg10: memref<128x64xf32, #tpu.memory_space<vmem>>, %arg11: memref<128x64xf32, #tpu.memory_space<vmem>>, %arg12: memref<128x64xf32, #tpu.memory_space<vmem>>, %arg13: memref<!tpu.dma_semaphore, #tpu.memory_space<semaphore_mem>>, %arg14: memref<!tpu.dma_semaphore, #tpu.memory_space<semaphore_mem>>, %arg15: memref<!tpu.dma_semaphore, #tpu.memory_space<semaphore_mem>>, %arg16: memref<!tpu.dma_semaphore, #tpu.memory_space<semaphore_mem>>, %arg17: memref<10240x64xf32, #tpu.memory_space<vmem_shared>>) attributes {dimension_semantics = [#tpu.dimension_semantics<core_parallel>, #tpu.dimension_semantics<subcore_parallel>], iteration_bounds = array<i64: 2, 16>, scalar_prefetch = 0 : i64, scratch_operands = 11 : i64, tpu.core_type = #tpu.core_type<sc_vector_subcore>, window_params = [{transform_indices = #map}, {transform_indices = #map}, {transform_indices = #map1}, {transform_indices = #map}, {transform_indices = #map1}]} {
    %mul3A = arith.constant 156 : i32
    %mul3A_0 = arith.muli %mul3A, %arg1 : i32
    %min3A = arith.constant 4 : i32
    %min3A_1 = arith.minsi %arg1, %min3A : i32
    %add3A = arith.addi %mul3A_0, %min3A_1 : i32
    %lt3A = arith.constant 4 : i32
    %lt3A_2 = arith.cmpi slt, %arg1, %lt3A : i32
    %jit3A = arith.constant 157 : i32
    %jit3A_3 = arith.constant 156 : i32
    %select_n3A = arith.select %lt3A_2, %jit3A, %jit3A_3 : i32
    %run_scoped3A = arith.constant 0 : i32
    "tpu.region"() ({
      %run_scoped3A_23 = tpu.sem_alloc : memref<!tpu.dma_semaphore, #tpu.memory_space<semaphore_mem>>
      %dma_start3A = arith.constant 0 : i32
      %dma_start3A_24 = arith.constant 0 : i32
      %dma_start3A_25 = tpu.memref_slice %arg7[%dma_start3A, %dma_start3A_24] : memref<157x128xi32, #tpu.memory_space<vmem>> -> memref<156x128xi32, #tpu.memory_space<vmem>>
      %dma_start3A_26 = arith.constant 0 : i32
      %dma_start3A_27 = tpu.memref_slice %arg4[%run_scoped3A, %add3A, %dma_start3A_26] : memref<2x2500x128xi32, #tpu.memory_space<hbm>> -> memref<1x156x128xi32, #tpu.memory_space<hbm>>
      %dma_start3A_28 = tpu.memref_squeeze %dma_start3A_27 : memref<1x156x128xi32, #tpu.memory_space<hbm>> -> memref<156x128xi32, #tpu.memory_space<hbm>>
      %dma_start3A_29 = arith.constant 0 : i32
      %dma_start3A_30 = arith.constant 0 : i32
      %dma_start3A_31 = tpu.memref_slice %arg7[%dma_start3A_29, %dma_start3A_30] : memref<157x128xi32, #tpu.memory_space<vmem>> -> memref<156x128xi32, #tpu.memory_space<vmem>>
      %dma_start3A_32 = arith.constant 0 : i32
      %dma_start3A_33 = tpu.memref_slice %arg4[%run_scoped3A, %add3A, %dma_start3A_32] : memref<2x2500x128xi32, #tpu.memory_space<hbm>> -> memref<1x156x128xi32, #tpu.memory_space<hbm>>
      %dma_start3A_34 = tpu.memref_squeeze %dma_start3A_33 : memref<1x156x128xi32, #tpu.memory_space<hbm>> -> memref<156x128xi32, #tpu.memory_space<hbm>>
      tpu.enqueue_dma source(%dma_start3A_34 : memref<156x128xi32, #tpu.memory_space<hbm>>) target(%dma_start3A_31 : memref<156x128xi32, #tpu.memory_space<vmem>>) target_semaphore(%run_scoped3A_23 : memref<!tpu.dma_semaphore, #tpu.memory_space<semaphore_mem>>)
      %dma_wait3A = arith.constant 0 : i32
      %dma_wait3A_35 = arith.constant 0 : i32
      %dma_wait3A_36 = tpu.memref_slice %arg7[%dma_wait3A, %dma_wait3A_35] : memref<157x128xi32, #tpu.memory_space<vmem>> -> memref<156x128xi32, #tpu.memory_space<vmem>>
      %dma_wait3A_37 = arith.constant 0 : i32
      %dma_wait3A_38 = tpu.memref_slice %arg4[%run_scoped3A, %add3A, %dma_wait3A_37] : memref<2x2500x128xi32, #tpu.memory_space<hbm>> -> memref<1x156x128xi32, #tpu.memory_space<hbm>>
      %dma_wait3A_39 = tpu.memref_squeeze %dma_wait3A_38 : memref<1x156x128xi32, #tpu.memory_space<hbm>> -> memref<156x128xi32, #tpu.memory_space<hbm>>
      %dma_wait3A_40 = arith.constant 0 : i32
      %dma_wait3A_41 = arith.constant 0 : i32
      %dma_wait3A_42 = tpu.memref_slice %arg7[%dma_wait3A_40, %dma_wait3A_41] : memref<157x128xi32, #tpu.memory_space<vmem>> -> memref<156x128xi32, #tpu.memory_space<vmem>>
      %dma_wait3A_43 = arith.constant 0 : i32
      %dma_wait3A_44 = tpu.memref_slice %arg4[%run_scoped3A, %add3A, %dma_wait3A_43] : memref<2x2500x128xi32, #tpu.memory_space<hbm>> -> memref<1x156x128xi32, #tpu.memory_space<hbm>>
      %dma_wait3A_45 = tpu.memref_squeeze %dma_wait3A_44 : memref<1x156x128xi32, #tpu.memory_space<hbm>> -> memref<156x128xi32, #tpu.memory_space<hbm>>
      tpu.wait_dma2 semaphore(%run_scoped3A_23 : memref<!tpu.dma_semaphore, #tpu.memory_space<semaphore_mem>>) src(%dma_wait3A_45 : memref<156x128xi32, #tpu.memory_space<hbm>>) dst(%dma_wait3A_42 : memref<156x128xi32, #tpu.memory_space<vmem>>)
      tpu.yield
    }) : () -> ()
    %run_scoped3A_4 = arith.constant 1 : i32
    "tpu.region"() ({
      %run_scoped3A_23 = tpu.sem_alloc : memref<!tpu.dma_semaphore, #tpu.memory_space<semaphore_mem>>
      %dma_start3A = arith.constant 0 : i32
      %dma_start3A_24 = arith.constant 0 : i32
      %dma_start3A_25 = tpu.memref_slice %arg8[%dma_start3A, %dma_start3A_24] : memref<157x128xi32, #tpu.memory_space<vmem>> -> memref<156x128xi32, #tpu.memory_space<vmem>>
      %dma_start3A_26 = arith.constant 0 : i32
      %dma_start3A_27 = tpu.memref_slice %arg4[%run_scoped3A_4, %add3A, %dma_start3A_26] : memref<2x2500x128xi32, #tpu.memory_space<hbm>> -> memref<1x156x128xi32, #tpu.memory_space<hbm>>
      %dma_start3A_28 = tpu.memref_squeeze %dma_start3A_27 : memref<1x156x128xi32, #tpu.memory_space<hbm>> -> memref<156x128xi32, #tpu.memory_space<hbm>>
      %dma_start3A_29 = arith.constant 0 : i32
      %dma_start3A_30 = arith.constant 0 : i32
      %dma_start3A_31 = tpu.memref_slice %arg8[%dma_start3A_29, %dma_start3A_30] : memref<157x128xi32, #tpu.memory_space<vmem>> -> memref<156x128xi32, #tpu.memory_space<vmem>>
      %dma_start3A_32 = arith.constant 0 : i32
      %dma_start3A_33 = tpu.memref_slice %arg4[%run_scoped3A_4, %add3A, %dma_start3A_32] : memref<2x2500x128xi32, #tpu.memory_space<hbm>> -> memref<1x156x128xi32, #tpu.memory_space<hbm>>
      %dma_start3A_34 = tpu.memref_squeeze %dma_start3A_33 : memref<1x156x128xi32, #tpu.memory_space<hbm>> -> memref<156x128xi32, #tpu.memory_space<hbm>>
      tpu.enqueue_dma source(%dma_start3A_34 : memref<156x128xi32, #tpu.memory_space<hbm>>) target(%dma_start3A_31 : memref<156x128xi32, #tpu.memory_space<vmem>>) target_semaphore(%run_scoped3A_23 : memref<!tpu.dma_semaphore, #tpu.memory_space<semaphore_mem>>)
      %dma_wait3A = arith.constant 0 : i32
      %dma_wait3A_35 = arith.constant 0 : i32
      %dma_wait3A_36 = tpu.memref_slice %arg8[%dma_wait3A, %dma_wait3A_35] : memref<157x128xi32, #tpu.memory_space<vmem>> -> memref<156x128xi32, #tpu.memory_space<vmem>>
      %dma_wait3A_37 = arith.constant 0 : i32
      %dma_wait3A_38 = tpu.memref_slice %arg4[%run_scoped3A_4, %add3A, %dma_wait3A_37] : memref<2x2500x128xi32, #tpu.memory_space<hbm>> -> memref<1x156x128xi32, #tpu.memory_space<hbm>>
      %dma_wait3A_39 = tpu.memref_squeeze %dma_wait3A_38 : memref<1x156x128xi32, #tpu.memory_space<hbm>> -> memref<156x128xi32, #tpu.memory_space<hbm>>
      %dma_wait3A_40 = arith.constant 0 : i32
      %dma_wait3A_41 = arith.constant 0 : i32
      %dma_wait3A_42 = tpu.memref_slice %arg8[%dma_wait3A_40, %dma_wait3A_41] : memref<157x128xi32, #tpu.memory_space<vmem>> -> memref<156x128xi32, #tpu.memory_space<vmem>>
      %dma_wait3A_43 = arith.constant 0 : i32
      %dma_wait3A_44 = tpu.memref_slice %arg4[%run_scoped3A_4, %add3A, %dma_wait3A_43] : memref<2x2500x128xi32, #tpu.memory_space<hbm>> -> memref<1x156x128xi32, #tpu.memory_space<hbm>>
      %dma_wait3A_45 = tpu.memref_squeeze %dma_wait3A_44 : memref<1x156x128xi32, #tpu.memory_space<hbm>> -> memref<156x128xi32, #tpu.memory_space<hbm>>
      tpu.wait_dma2 semaphore(%run_scoped3A_23 : memref<!tpu.dma_semaphore, #tpu.memory_space<semaphore_mem>>) src(%dma_wait3A_45 : memref<156x128xi32, #tpu.memory_space<hbm>>) dst(%dma_wait3A_42 : memref<156x128xi32, #tpu.memory_space<vmem>>)
      tpu.yield
    }) : () -> ()
    %mul3A_5 = arith.constant 640 : i32
    %mul3A_6 = arith.muli %arg1, %mul3A_5 : i32
    "tpu.region"() ({
      %run_scoped3A_23 = tpu.sem_alloc : memref<!tpu.dma_semaphore, #tpu.memory_space<semaphore_mem>>
      %dma_start3A = arith.constant 0 : i32
      %dma_start3A_24 = tpu.memref_slice %arg17[%mul3A_6, %dma_start3A] : memref<10240x64xf32, #tpu.memory_space<vmem_shared>> -> memref<640x64xf32, #tpu.memory_space<vmem_shared>>
      tpu.enqueue_dma source(%arg5 : memref<640x64xf32, #tpu.memory_space<hbm>>) target(%dma_start3A_24 : memref<640x64xf32, #tpu.memory_space<vmem_shared>>) target_semaphore(%run_scoped3A_23 : memref<!tpu.dma_semaphore, #tpu.memory_space<semaphore_mem>>)
      %dma_wait3A = arith.constant 0 : i32
      %dma_wait3A_25 = tpu.memref_slice %arg17[%mul3A_6, %dma_wait3A] : memref<10240x64xf32, #tpu.memory_space<vmem_shared>> -> memref<640x64xf32, #tpu.memory_space<vmem_shared>>
      tpu.wait_dma2 semaphore(%run_scoped3A_23 : memref<!tpu.dma_semaphore, #tpu.memory_space<semaphore_mem>>) src(%arg5 : memref<640x64xf32, #tpu.memory_space<hbm>>) dst(%dma_wait3A_25 : memref<640x64xf32, #tpu.memory_space<vmem_shared>>)
      tpu.yield
    }) : () -> ()
    %gt3A = arith.constant 156 : i32
    %gt3A_7 = arith.cmpi sgt, %select_n3A, %gt3A : i32
    %convert_element_type3A = arith.extui %gt3A_7 : i1 to i32
    %cond3A = arith.constant 0 : i32
    %cond3A_8 = arith.cmpi ne, %convert_element_type3A, %cond3A : i32
    scf.if %cond3A_8 {
      %add3A_23 = arith.constant 156 : i32
      %add3A_24 = arith.addi %add3A, %add3A_23 : i32
      %run_scoped3A_25 = arith.constant 0 : i32
      "tpu.region"() ({
        %run_scoped3A_29 = tpu.sem_alloc : memref<!tpu.dma_semaphore, #tpu.memory_space<semaphore_mem>>
        %dma_start3A = arith.constant 156 : i32
        %dma_start3A_30 = arith.constant 0 : i32
        %dma_start3A_31 = tpu.memref_slice %arg7[%dma_start3A, %dma_start3A_30] : memref<157x128xi32, #tpu.memory_space<vmem>> -> memref<1x128xi32, #tpu.memory_space<vmem>>
        %dma_start3A_32 = arith.constant 0 : i32
        %dma_start3A_33 = tpu.memref_slice %arg4[%run_scoped3A_25, %add3A_24, %dma_start3A_32] : memref<2x2500x128xi32, #tpu.memory_space<hbm>> -> memref<1x1x128xi32, #tpu.memory_space<hbm>>
        %dma_start3A_34 = tpu.memref_squeeze %dma_start3A_33 : memref<1x1x128xi32, #tpu.memory_space<hbm>> -> memref<1x128xi32, #tpu.memory_space<hbm>>
        %dma_start3A_35 = arith.constant 156 : i32
        %dma_start3A_36 = arith.constant 0 : i32
        %dma_start3A_37 = tpu.memref_slice %arg7[%dma_start3A_35, %dma_start3A_36] : memref<157x128xi32, #tpu.memory_space<vmem>> -> memref<1x128xi32, #tpu.memory_space<vmem>>
        %dma_start3A_38 = arith.constant 0 : i32
        %dma_start3A_39 = tpu.memref_slice %arg4[%run_scoped3A_25, %add3A_24, %dma_start3A_38] : memref<2x2500x128xi32, #tpu.memory_space<hbm>> -> memref<1x1x128xi32, #tpu.memory_space<hbm>>
        %dma_start3A_40 = tpu.memref_squeeze %dma_start3A_39 : memref<1x1x128xi32, #tpu.memory_space<hbm>> -> memref<1x128xi32, #tpu.memory_space<hbm>>
        tpu.enqueue_dma source(%dma_start3A_40 : memref<1x128xi32, #tpu.memory_space<hbm>>) target(%dma_start3A_37 : memref<1x128xi32, #tpu.memory_space<vmem>>) target_semaphore(%run_scoped3A_29 : memref<!tpu.dma_semaphore, #tpu.memory_space<semaphore_mem>>)
        %dma_wait3A = arith.constant 156 : i32
        %dma_wait3A_41 = arith.constant 0 : i32
        %dma_wait3A_42 = tpu.memref_slice %arg7[%dma_wait3A, %dma_wait3A_41] : memref<157x128xi32, #tpu.memory_space<vmem>> -> memref<1x128xi32, #tpu.memory_space<vmem>>
        %dma_wait3A_43 = arith.constant 0 : i32
        %dma_wait3A_44 = tpu.memref_slice %arg4[%run_scoped3A_25, %add3A_24, %dma_wait3A_43] : memref<2x2500x128xi32, #tpu.memory_space<hbm>> -> memref<1x1x128xi32, #tpu.memory_space<hbm>>
        %dma_wait3A_45 = tpu.memref_squeeze %dma_wait3A_44 : memref<1x1x128xi32, #tpu.memory_space<hbm>> -> memref<1x128xi32, #tpu.memory_space<hbm>>
        %dma_wait3A_46 = arith.constant 156 : i32
        %dma_wait3A_47 = arith.constant 0 : i32
        %dma_wait3A_48 = tpu.memref_slice %arg7[%dma_wait3A_46, %dma_wait3A_47] : memref<157x128xi32, #tpu.memory_space<vmem>> -> memref<1x128xi32, #tpu.memory_space<vmem>>
        %dma_wait3A_49 = arith.constant 0 : i32
        %dma_wait3A_50 = tpu.memref_slice %arg4[%run_scoped3A_25, %add3A_24, %dma_wait3A_49] : memref<2x2500x128xi32, #tpu.memory_space<hbm>> -> memref<1x1x128xi32, #tpu.memory_space<hbm>>
        %dma_wait3A_51 = tpu.memref_squeeze %dma_wait3A_50 : memref<1x1x128xi32, #tpu.memory_space<hbm>> -> memref<1x128xi32, #tpu.memory_space<hbm>>
        tpu.wait_dma2 semaphore(%run_scoped3A_29 : memref<!tpu.dma_semaphore, #tpu.memory_space<semaphore_mem>>) src(%dma_wait3A_51 : memref<1x128xi32, #tpu.memory_space<hbm>>) dst(%dma_wait3A_48 : memref<1x128xi32, #tpu.memory_space<vmem>>)
        tpu.yield
      }) : () -> ()
      %add3A_26 = arith.constant 156 : i32
      %add3A_27 = arith.addi %add3A, %add3A_26 : i32
      %run_scoped3A_28 = arith.constant 1 : i32
      "tpu.region"() ({
        %run_scoped3A_29 = tpu.sem_alloc : memref<!tpu.dma_semaphore, #tpu.memory_space<semaphore_mem>>
        %dma_start3A = arith.constant 156 : i32
        %dma_start3A_30 = arith.constant 0 : i32
        %dma_start3A_31 = tpu.memref_slice %arg8[%dma_start3A, %dma_start3A_30] : memref<157x128xi32, #tpu.memory_space<vmem>> -> memref<1x128xi32, #tpu.memory_space<vmem>>
        %dma_start3A_32 = arith.constant 0 : i32
        %dma_start3A_33 = tpu.memref_slice %arg4[%run_scoped3A_28, %add3A_27, %dma_start3A_32] : memref<2x2500x128xi32, #tpu.memory_space<hbm>> -> memref<1x1x128xi32, #tpu.memory_space<hbm>>
        %dma_start3A_34 = tpu.memref_squeeze %dma_start3A_33 : memref<1x1x128xi32, #tpu.memory_space<hbm>> -> memref<1x128xi32, #tpu.memory_space<hbm>>
        %dma_start3A_35 = arith.constant 156 : i32
        %dma_start3A_36 = arith.constant 0 : i32
        %dma_start3A_37 = tpu.memref_slice %arg8[%dma_start3A_35, %dma_start3A_36] : memref<157x128xi32, #tpu.memory_space<vmem>> -> memref<1x128xi32, #tpu.memory_space<vmem>>
        %dma_start3A_38 = arith.constant 0 : i32
        %dma_start3A_39 = tpu.memref_slice %arg4[%run_scoped3A_28, %add3A_27, %dma_start3A_38] : memref<2x2500x128xi32, #tpu.memory_space<hbm>> -> memref<1x1x128xi32, #tpu.memory_space<hbm>>
        %dma_start3A_40 = tpu.memref_squeeze %dma_start3A_39 : memref<1x1x128xi32, #tpu.memory_space<hbm>> -> memref<1x128xi32, #tpu.memory_space<hbm>>
        tpu.enqueue_dma source(%dma_start3A_40 : memref<1x128xi32, #tpu.memory_space<hbm>>) target(%dma_start3A_37 : memref<1x128xi32, #tpu.memory_space<vmem>>) target_semaphore(%run_scoped3A_29 : memref<!tpu.dma_semaphore, #tpu.memory_space<semaphore_mem>>)
        %dma_wait3A = arith.constant 156 : i32
        %dma_wait3A_41 = arith.constant 0 : i32
        %dma_wait3A_42 = tpu.memref_slice %arg8[%dma_wait3A, %dma_wait3A_41] : memref<157x128xi32, #tpu.memory_space<vmem>> -> memref<1x128xi32, #tpu.memory_space<vmem>>
        %dma_wait3A_43 = arith.constant 0 : i32
        %dma_wait3A_44 = tpu.memref_slice %arg4[%run_scoped3A_28, %add3A_27, %dma_wait3A_43] : memref<2x2500x128xi32, #tpu.memory_space<hbm>> -> memref<1x1x128xi32, #tpu.memory_space<hbm>>
        %dma_wait3A_45 = tpu.memref_squeeze %dma_wait3A_44 : memref<1x1x128xi32, #tpu.memory_space<hbm>> -> memref<1x128xi32, #tpu.memory_space<hbm>>
        %dma_wait3A_46 = arith.constant 156 : i32
        %dma_wait3A_47 = arith.constant 0 : i32
        %dma_wait3A_48 = tpu.memref_slice %arg8[%dma_wait3A_46, %dma_wait3A_47] : memref<157x128xi32, #tpu.memory_space<vmem>> -> memref<1x128xi32, #tpu.memory_space<vmem>>
        %dma_wait3A_49 = arith.constant 0 : i32
        %dma_wait3A_50 = tpu.memref_slice %arg4[%run_scoped3A_28, %add3A_27, %dma_wait3A_49] : memref<2x2500x128xi32, #tpu.memory_space<hbm>> -> memref<1x1x128xi32, #tpu.memory_space<hbm>>
        %dma_wait3A_51 = tpu.memref_squeeze %dma_wait3A_50 : memref<1x1x128xi32, #tpu.memory_space<hbm>> -> memref<1x128xi32, #tpu.memory_space<hbm>>
        tpu.wait_dma2 semaphore(%run_scoped3A_29 : memref<!tpu.dma_semaphore, #tpu.memory_space<semaphore_mem>>) src(%dma_wait3A_51 : memref<1x128xi32, #tpu.memory_space<hbm>>) dst(%dma_wait3A_48 : memref<1x128xi32, #tpu.memory_space<vmem>>)
        tpu.yield
      }) : () -> ()
    } else {
    }
    %barrier3A = arith.constant 0 : index
    tpu.barrier barrier_id(%barrier3A)
    %eq3A = arith.constant 0 : i32
    %eq3A_9 = arith.cmpi eq, %arg0, %eq3A : i32
    %convert_element_type3A_10 = arith.extui %eq3A_9 : i1 to i32
    %cond3A_11 = arith.constant 0 : i32
    %cond3A_12 = arith.cmpi ne, %convert_element_type3A_10, %cond3A_11 : i32
    scf.if %cond3A_12 {
      %dma_start3A = arith.constant 0 : i32
      %dma_start3A_23 = arith.constant 0 : i32
      %dma_start3A_24 = tpu.memref_slice %arg7[%dma_start3A, %dma_start3A_23] : memref<157x128xi32, #tpu.memory_space<vmem>> -> memref<1x128xi32, #tpu.memory_space<vmem>>
      %dma_start3A_25 = tpu.memref_squeeze %dma_start3A_24 : memref<1x128xi32, #tpu.memory_space<vmem>> -> memref<128xi32, #tpu.memory_space<vmem>>
      %dma_start3A_26 = arith.constant 0 : i32
      %dma_start3A_27 = arith.constant 0 : i32
      %dma_start3A_28 = tpu.memref_slice %arg2[%dma_start3A_26, %dma_start3A_27] : memref<10000x64xf32, #tpu.memory_space<hbm>> -> memref<10000x64xf32, #tpu.memory_space<hbm>>
      tpu.enqueue_indirect_dma source(%dma_start3A_28 : memref<10000x64xf32, #tpu.memory_space<hbm>>) target(%arg9 : memref<128x64xf32, #tpu.memory_space<vmem>>) offsets(%dma_start3A_25 : memref<128xi32, #tpu.memory_space<vmem>>) semaphore(%arg13 : memref<!tpu.dma_semaphore, #tpu.memory_space<semaphore_mem>>)
      %dma_start3A_29 = arith.constant 1 : i32
      %dma_start3A_30 = arith.constant 0 : i32
      %dma_start3A_31 = tpu.memref_slice %arg7[%dma_start3A_29, %dma_start3A_30] : memref<157x128xi32, #tpu.memory_space<vmem>> -> memref<1x128xi32, #tpu.memory_space<vmem>>
      %dma_start3A_32 = tpu.memref_squeeze %dma_start3A_31 : memref<1x128xi32, #tpu.memory_space<vmem>> -> memref<128xi32, #tpu.memory_space<vmem>>
      %dma_start3A_33 = arith.constant 0 : i32
      %dma_start3A_34 = arith.constant 0 : i32
      %dma_start3A_35 = tpu.memref_slice %arg2[%dma_start3A_33, %dma_start3A_34] : memref<10000x64xf32, #tpu.memory_space<hbm>> -> memref<10000x64xf32, #tpu.memory_space<hbm>>
      tpu.enqueue_indirect_dma source(%dma_start3A_35 : memref<10000x64xf32, #tpu.memory_space<hbm>>) target(%arg10 : memref<128x64xf32, #tpu.memory_space<vmem>>) offsets(%dma_start3A_32 : memref<128xi32, #tpu.memory_space<vmem>>) semaphore(%arg14 : memref<!tpu.dma_semaphore, #tpu.memory_space<semaphore_mem>>)
      %dma_start3A_36 = arith.constant 2 : i32
      %dma_start3A_37 = arith.constant 0 : i32
      %dma_start3A_38 = tpu.memref_slice %arg7[%dma_start3A_36, %dma_start3A_37] : memref<157x128xi32, #tpu.memory_space<vmem>> -> memref<1x128xi32, #tpu.memory_space<vmem>>
      %dma_start3A_39 = tpu.memref_squeeze %dma_start3A_38 : memref<1x128xi32, #tpu.memory_space<vmem>> -> memref<128xi32, #tpu.memory_space<vmem>>
      %dma_start3A_40 = arith.constant 0 : i32
      %dma_start3A_41 = arith.constant 0 : i32
      %dma_start3A_42 = tpu.memref_slice %arg2[%dma_start3A_40, %dma_start3A_41] : memref<10000x64xf32, #tpu.memory_space<hbm>> -> memref<10000x64xf32, #tpu.memory_space<hbm>>
      tpu.enqueue_indirect_dma source(%dma_start3A_42 : memref<10000x64xf32, #tpu.memory_space<hbm>>) target(%arg11 : memref<128x64xf32, #tpu.memory_space<vmem>>) offsets(%dma_start3A_39 : memref<128xi32, #tpu.memory_space<vmem>>) semaphore(%arg15 : memref<!tpu.dma_semaphore, #tpu.memory_space<semaphore_mem>>)
      %dma_start3A_43 = arith.constant 3 : i32
      %dma_start3A_44 = arith.constant 0 : i32
      %dma_start3A_45 = tpu.memref_slice %arg7[%dma_start3A_43, %dma_start3A_44] : memref<157x128xi32, #tpu.memory_space<vmem>> -> memref<1x128xi32, #tpu.memory_space<vmem>>
      %dma_start3A_46 = tpu.memref_squeeze %dma_start3A_45 : memref<1x128xi32, #tpu.memory_space<vmem>> -> memref<128xi32, #tpu.memory_space<vmem>>
      %dma_start3A_47 = arith.constant 0 : i32
      %dma_start3A_48 = arith.constant 0 : i32
      %dma_start3A_49 = tpu.memref_slice %arg2[%dma_start3A_47, %dma_start3A_48] : memref<10000x64xf32, #tpu.memory_space<hbm>> -> memref<10000x64xf32, #tpu.memory_space<hbm>>
      tpu.enqueue_indirect_dma source(%dma_start3A_49 : memref<10000x64xf32, #tpu.memory_space<hbm>>) target(%arg12 : memref<128x64xf32, #tpu.memory_space<vmem>>) offsets(%dma_start3A_46 : memref<128xi32, #tpu.memory_space<vmem>>) semaphore(%arg16 : memref<!tpu.dma_semaphore, #tpu.memory_space<semaphore_mem>>)
      %scan3A = arith.constant 0 : i32
      %scan3A_50 = arith.constant 0 : i32
      %scan3A_51 = arith.constant 39 : i32
      %scan3A_52 = arith.addi %scan3A_50, %scan3A_51 : i32
      %scan3A_53 = arith.constant 1 : i32
      scf.for %scan3A_60 = %scan3A_50 to %scan3A_52 step %scan3A_53  : i32 {
        %mul3A_61 = arith.constant 4 : i32
        %mul3A_62 = arith.muli %mul3A_61, %scan3A_60 : i32
        %add3A_63 = arith.constant 0 : i32
        %add3A_64 = arith.addi %mul3A_62, %add3A_63 : i32
        %dma_wait3A = arith.constant 0 : i32
        %dma_wait3A_65 = tpu.memref_slice %arg7[%add3A_64, %dma_wait3A] : memref<157x128xi32, #tpu.memory_space<vmem>> -> memref<1x128xi32, #tpu.memory_space<vmem>>
        %dma_wait3A_66 = tpu.memref_squeeze %dma_wait3A_65 : memref<1x128xi32, #tpu.memory_space<vmem>> -> memref<128xi32, #tpu.memory_space<vmem>>
        %dma_wait3A_67 = arith.constant 0 : i32
        %dma_wait3A_68 = arith.constant 0 : i32
        %dma_wait3A_69 = tpu.memref_slice %arg2[%dma_wait3A_67, %dma_wait3A_68] : memref<10000x64xf32, #tpu.memory_space<hbm>> -> memref<10000x64xf32, #tpu.memory_space<hbm>>
        tpu.wait_indirect_dma semaphore(%arg13 : memref<!tpu.dma_semaphore, #tpu.memory_space<semaphore_mem>>) src(%dma_wait3A_69 : memref<10000x64xf32, #tpu.memory_space<hbm>>) dst(%arg9 : memref<128x64xf32, #tpu.memory_space<vmem>>)
        %add3A_70 = arith.constant 0 : i32
        %add3A_71 = arith.addi %mul3A_62, %add3A_70 : i32
        "tpu.region"() ({
          %run_scoped3A_134 = tpu.sem_alloc : memref<!tpu.dma_semaphore, #tpu.memory_space<semaphore_mem>>
          %dma_start3A_135 = arith.constant 0 : i32
          %dma_start3A_136 = tpu.memref_slice %arg8[%add3A_71, %dma_start3A_135] : memref<157x128xi32, #tpu.memory_space<vmem>> -> memref<1x128xi32, #tpu.memory_space<vmem>>
          %dma_start3A_137 = tpu.memref_squeeze %dma_start3A_136 : memref<1x128xi32, #tpu.memory_space<vmem>> -> memref<128xi32, #tpu.memory_space<vmem>>
          %dma_start3A_138 = arith.constant 0 : i32
          %dma_start3A_139 = arith.constant 0 : i32
          %dma_start3A_140 = tpu.memref_slice %arg17[%dma_start3A_138, %dma_start3A_139] : memref<10240x64xf32, #tpu.memory_space<vmem_shared>> -> memref<10240x64xf32, #tpu.memory_space<vmem_shared>>
          tpu.enqueue_indirect_dma source(%arg9 : memref<128x64xf32, #tpu.memory_space<vmem>>) target(%dma_start3A_140 : memref<10240x64xf32, #tpu.memory_space<vmem_shared>>) offsets(%dma_start3A_137 : memref<128xi32, #tpu.memory_space<vmem>>) semaphore(%run_scoped3A_134 : memref<!tpu.dma_semaphore, #tpu.memory_space<semaphore_mem>>) {add = true}
          %dma_wait3A_141 = arith.constant 0 : i32
          %dma_wait3A_142 = tpu.memref_slice %arg8[%add3A_71, %dma_wait3A_141] : memref<157x128xi32, #tpu.memory_space<vmem>> -> memref<1x128xi32, #tpu.memory_space<vmem>>
          %dma_wait3A_143 = tpu.memref_squeeze %dma_wait3A_142 : memref<1x128xi32, #tpu.memory_space<vmem>> -> memref<128xi32, #tpu.memory_space<vmem>>
          %dma_wait3A_144 = arith.constant 0 : i32
          %dma_wait3A_145 = arith.constant 0 : i32
          %dma_wait3A_146 = tpu.memref_slice %arg17[%dma_wait3A_144, %dma_wait3A_145] : memref<10240x64xf32, #tpu.memory_space<vmem_shared>> -> memref<10240x64xf32, #tpu.memory_space<vmem_shared>>
          tpu.wait_indirect_dma semaphore(%run_scoped3A_134 : memref<!tpu.dma_semaphore, #tpu.memory_space<semaphore_mem>>) src(%arg9 : memref<128x64xf32, #tpu.memory_space<vmem>>) dst(%dma_wait3A_146 : memref<10240x64xf32, #tpu.memory_space<vmem_shared>>)
          tpu.yield
        }) : () -> ()
        %add3A_72 = arith.constant 4 : i32
        %add3A_73 = arith.addi %mul3A_62, %add3A_72 : i32
        %add3A_74 = arith.constant 0 : i32
        %add3A_75 = arith.addi %add3A_73, %add3A_74 : i32
        %lt3A_76 = arith.cmpi slt, %add3A_75, %select_n3A : i32
        %convert_element_type3A_77 = arith.extui %lt3A_76 : i1 to i32
        %cond3A_78 = arith.constant 0 : i32
        %cond3A_79 = arith.cmpi ne, %convert_element_type3A_77, %cond3A_78 : i32
        scf.if %cond3A_79 {
          %add3A_134 = arith.constant 4 : i32
          %add3A_135 = arith.addi %mul3A_62, %add3A_134 : i32
          %add3A_136 = arith.constant 0 : i32
          %add3A_137 = arith.addi %add3A_135, %add3A_136 : i32
          %dma_start3A_138 = arith.constant 0 : i32
          %dma_start3A_139 = tpu.memref_slice %arg7[%add3A_137, %dma_start3A_138] : memref<157x128xi32, #tpu.memory_space<vmem>> -> memref<1x128xi32, #tpu.memory_space<vmem>>
          %dma_start3A_140 = tpu.memref_squeeze %dma_start3A_139 : memref<1x128xi32, #tpu.memory_space<vmem>> -> memref<128xi32, #tpu.memory_space<vmem>>
          %dma_start3A_141 = arith.constant 0 : i32
          %dma_start3A_142 = arith.constant 0 : i32
          %dma_start3A_143 = tpu.memref_slice %arg2[%dma_start3A_141, %dma_start3A_142] : memref<10000x64xf32, #tpu.memory_space<hbm>> -> memref<10000x64xf32, #tpu.memory_space<hbm>>
          tpu.enqueue_indirect_dma source(%dma_start3A_143 : memref<10000x64xf32, #tpu.memory_space<hbm>>) target(%arg9 : memref<128x64xf32, #tpu.memory_space<vmem>>) offsets(%dma_start3A_140 : memref<128xi32, #tpu.memory_space<vmem>>) semaphore(%arg13 : memref<!tpu.dma_semaphore, #tpu.memory_space<semaphore_mem>>)
        } else {
        }
        %add3A_80 = arith.constant 1 : i32
        %add3A_81 = arith.addi %mul3A_62, %add3A_80 : i32
        %dma_wait3A_82 = arith.constant 0 : i32
        %dma_wait3A_83 = tpu.memref_slice %arg7[%add3A_81, %dma_wait3A_82] : memref<157x128xi32, #tpu.memory_space<vmem>> -> memref<1x128xi32, #tpu.memory_space<vmem>>
        %dma_wait3A_84 = tpu.memref_squeeze %dma_wait3A_83 : memref<1x128xi32, #tpu.memory_space<vmem>> -> memref<128xi32, #tpu.memory_space<vmem>>
        %dma_wait3A_85 = arith.constant 0 : i32
        %dma_wait3A_86 = arith.constant 0 : i32
        %dma_wait3A_87 = tpu.memref_slice %arg2[%dma_wait3A_85, %dma_wait3A_86] : memref<10000x64xf32, #tpu.memory_space<hbm>> -> memref<10000x64xf32, #tpu.memory_space<hbm>>
        tpu.wait_indirect_dma semaphore(%arg14 : memref<!tpu.dma_semaphore, #tpu.memory_space<semaphore_mem>>) src(%dma_wait3A_87 : memref<10000x64xf32, #tpu.memory_space<hbm>>) dst(%arg10 : memref<128x64xf32, #tpu.memory_space<vmem>>)
        %add3A_88 = arith.constant 1 : i32
        %add3A_89 = arith.addi %mul3A_62, %add3A_88 : i32
        "tpu.region"() ({
          %run_scoped3A_134 = tpu.sem_alloc : memref<!tpu.dma_semaphore, #tpu.memory_space<semaphore_mem>>
          %dma_start3A_135 = arith.constant 0 : i32
          %dma_start3A_136 = tpu.memref_slice %arg8[%add3A_89, %dma_start3A_135] : memref<157x128xi32, #tpu.memory_space<vmem>> -> memref<1x128xi32, #tpu.memory_space<vmem>>
          %dma_start3A_137 = tpu.memref_squeeze %dma_start3A_136 : memref<1x128xi32, #tpu.memory_space<vmem>> -> memref<128xi32, #tpu.memory_space<vmem>>
          %dma_start3A_138 = arith.constant 0 : i32
          %dma_start3A_139 = arith.constant 0 : i32
          %dma_start3A_140 = tpu.memref_slice %arg17[%dma_start3A_138, %dma_start3A_139] : memref<10240x64xf32, #tpu.memory_space<vmem_shared>> -> memref<10240x64xf32, #tpu.memory_space<vmem_shared>>
          tpu.enqueue_indirect_dma source(%arg10 : memref<128x64xf32, #tpu.memory_space<vmem>>) target(%dma_start3A_140 : memref<10240x64xf32, #tpu.memory_space<vmem_shared>>) offsets(%dma_start3A_137 : memref<128xi32, #tpu.memory_space<vmem>>) semaphore(%run_scoped3A_134 : memref<!tpu.dma_semaphore, #tpu.memory_space<semaphore_mem>>) {add = true}
          %dma_wait3A_141 = arith.constant 0 : i32
          %dma_wait3A_142 = tpu.memref_slice %arg8[%add3A_89, %dma_wait3A_141] : memref<157x128xi32, #tpu.memory_space<vmem>> -> memref<1x128xi32, #tpu.memory_space<vmem>>
          %dma_wait3A_143 = tpu.memref_squeeze %dma_wait3A_142 : memref<1x128xi32, #tpu.memory_space<vmem>> -> memref<128xi32, #tpu.memory_space<vmem>>
          %dma_wait3A_144 = arith.constant 0 : i32
          %dma_wait3A_145 = arith.constant 0 : i32
          %dma_wait3A_146 = tpu.memref_slice %arg17[%dma_wait3A_144, %dma_wait3A_145] : memref<10240x64xf32, #tpu.memory_space<vmem_shared>> -> memref<10240x64xf32, #tpu.memory_space<vmem_shared>>
          tpu.wait_indirect_dma semaphore(%run_scoped3A_134 : memref<!tpu.dma_semaphore, #tpu.memory_space<semaphore_mem>>) src(%arg10 : memref<128x64xf32, #tpu.memory_space<vmem>>) dst(%dma_wait3A_146 : memref<10240x64xf32, #tpu.memory_space<vmem_shared>>)
          tpu.yield
        }) : () -> ()
        %add3A_90 = arith.constant 4 : i32
        %add3A_91 = arith.addi %mul3A_62, %add3A_90 : i32
        %add3A_92 = arith.constant 1 : i32
        %add3A_93 = arith.addi %add3A_91, %add3A_92 : i32
        %lt3A_94 = arith.cmpi slt, %add3A_93, %select_n3A : i32
        %convert_element_type3A_95 = arith.extui %lt3A_94 : i1 to i32
        %cond3A_96 = arith.constant 0 : i32
        %cond3A_97 = arith.cmpi ne, %convert_element_type3A_95, %cond3A_96 : i32
        scf.if %cond3A_97 {
          %add3A_134 = arith.constant 4 : i32
          %add3A_135 = arith.addi %mul3A_62, %add3A_134 : i32
          %add3A_136 = arith.constant 1 : i32
          %add3A_137 = arith.addi %add3A_135, %add3A_136 : i32
          %dma_start3A_138 = arith.constant 0 : i32
          %dma_start3A_139 = tpu.memref_slice %arg7[%add3A_137, %dma_start3A_138] : memref<157x128xi32, #tpu.memory_space<vmem>> -> memref<1x128xi32, #tpu.memory_space<vmem>>
          %dma_start3A_140 = tpu.memref_squeeze %dma_start3A_139 : memref<1x128xi32, #tpu.memory_space<vmem>> -> memref<128xi32, #tpu.memory_space<vmem>>
          %dma_start3A_141 = arith.constant 0 : i32
          %dma_start3A_142 = arith.constant 0 : i32
          %dma_start3A_143 = tpu.memref_slice %arg2[%dma_start3A_141, %dma_start3A_142] : memref<10000x64xf32, #tpu.memory_space<hbm>> -> memref<10000x64xf32, #tpu.memory_space<hbm>>
          tpu.enqueue_indirect_dma source(%dma_start3A_143 : memref<10000x64xf32, #tpu.memory_space<hbm>>) target(%arg10 : memref<128x64xf32, #tpu.memory_space<vmem>>) offsets(%dma_start3A_140 : memref<128xi32, #tpu.memory_space<vmem>>) semaphore(%arg14 : memref<!tpu.dma_semaphore, #tpu.memory_space<semaphore_mem>>)
        } else {
        }
        %add3A_98 = arith.constant 2 : i32
        %add3A_99 = arith.addi %mul3A_62, %add3A_98 : i32
        %dma_wait3A_100 = arith.constant 0 : i32
        %dma_wait3A_101 = tpu.memref_slice %arg7[%add3A_99, %dma_wait3A_100] : memref<157x128xi32, #tpu.memory_space<vmem>> -> memref<1x128xi32, #tpu.memory_space<vmem>>
        %dma_wait3A_102 = tpu.memref_squeeze %dma_wait3A_101 : memref<1x128xi32, #tpu.memory_space<vmem>> -> memref<128xi32, #tpu.memory_space<vmem>>
        %dma_wait3A_103 = arith.constant 0 : i32
        %dma_wait3A_104 = arith.constant 0 : i32
        %dma_wait3A_105 = tpu.memref_slice %arg2[%dma_wait3A_103, %dma_wait3A_104] : memref<10000x64xf32, #tpu.memory_space<hbm>> -> memref<10000x64xf32, #tpu.memory_space<hbm>>
        tpu.wait_indirect_dma semaphore(%arg15 : memref<!tpu.dma_semaphore, #tpu.memory_space<semaphore_mem>>) src(%dma_wait3A_105 : memref<10000x64xf32, #tpu.memory_space<hbm>>) dst(%arg11 : memref<128x64xf32, #tpu.memory_space<vmem>>)
        %add3A_106 = arith.constant 2 : i32
        %add3A_107 = arith.addi %mul3A_62, %add3A_106 : i32
        "tpu.region"() ({
          %run_scoped3A_134 = tpu.sem_alloc : memref<!tpu.dma_semaphore, #tpu.memory_space<semaphore_mem>>
          %dma_start3A_135 = arith.constant 0 : i32
          %dma_start3A_136 = tpu.memref_slice %arg8[%add3A_107, %dma_start3A_135] : memref<157x128xi32, #tpu.memory_space<vmem>> -> memref<1x128xi32, #tpu.memory_space<vmem>>
          %dma_start3A_137 = tpu.memref_squeeze %dma_start3A_136 : memref<1x128xi32, #tpu.memory_space<vmem>> -> memref<128xi32, #tpu.memory_space<vmem>>
          %dma_start3A_138 = arith.constant 0 : i32
          %dma_start3A_139 = arith.constant 0 : i32
          %dma_start3A_140 = tpu.memref_slice %arg17[%dma_start3A_138, %dma_start3A_139] : memref<10240x64xf32, #tpu.memory_space<vmem_shared>> -> memref<10240x64xf32, #tpu.memory_space<vmem_shared>>
          tpu.enqueue_indirect_dma source(%arg11 : memref<128x64xf32, #tpu.memory_space<vmem>>) target(%dma_start3A_140 : memref<10240x64xf32, #tpu.memory_space<vmem_shared>>) offsets(%dma_start3A_137 : memref<128xi32, #tpu.memory_space<vmem>>) semaphore(%run_scoped3A_134 : memref<!tpu.dma_semaphore, #tpu.memory_space<semaphore_mem>>) {add = true}
          %dma_wait3A_141 = arith.constant 0 : i32
          %dma_wait3A_142 = tpu.memref_slice %arg8[%add3A_107, %dma_wait3A_141] : memref<157x128xi32, #tpu.memory_space<vmem>> -> memref<1x128xi32, #tpu.memory_space<vmem>>
          %dma_wait3A_143 = tpu.memref_squeeze %dma_wait3A_142 : memref<1x128xi32, #tpu.memory_space<vmem>> -> memref<128xi32, #tpu.memory_space<vmem>>
          %dma_wait3A_144 = arith.constant 0 : i32
          %dma_wait3A_145 = arith.constant 0 : i32
          %dma_wait3A_146 = tpu.memref_slice %arg17[%dma_wait3A_144, %dma_wait3A_145] : memref<10240x64xf32, #tpu.memory_space<vmem_shared>> -> memref<10240x64xf32, #tpu.memory_space<vmem_shared>>
          tpu.wait_indirect_dma semaphore(%run_scoped3A_134 : memref<!tpu.dma_semaphore, #tpu.memory_space<semaphore_mem>>) src(%arg11 : memref<128x64xf32, #tpu.memory_space<vmem>>) dst(%dma_wait3A_146 : memref<10240x64xf32, #tpu.memory_space<vmem_shared>>)
          tpu.yield
        }) : () -> ()
        %add3A_108 = arith.constant 4 : i32
        %add3A_109 = arith.addi %mul3A_62, %add3A_108 : i32
        %add3A_110 = arith.constant 2 : i32
        %add3A_111 = arith.addi %add3A_109, %add3A_110 : i32
        %lt3A_112 = arith.cmpi slt, %add3A_111, %select_n3A : i32
        %convert_element_type3A_113 = arith.extui %lt3A_112 : i1 to i32
        %cond3A_114 = arith.constant 0 : i32
        %cond3A_115 = arith.cmpi ne, %convert_element_type3A_113, %cond3A_114 : i32
        scf.if %cond3A_115 {
          %add3A_134 = arith.constant 4 : i32
          %add3A_135 = arith.addi %mul3A_62, %add3A_134 : i32
          %add3A_136 = arith.constant 2 : i32
          %add3A_137 = arith.addi %add3A_135, %add3A_136 : i32
          %dma_start3A_138 = arith.constant 0 : i32
          %dma_start3A_139 = tpu.memref_slice %arg7[%add3A_137, %dma_start3A_138] : memref<157x128xi32, #tpu.memory_space<vmem>> -> memref<1x128xi32, #tpu.memory_space<vmem>>
          %dma_start3A_140 = tpu.memref_squeeze %dma_start3A_139 : memref<1x128xi32, #tpu.memory_space<vmem>> -> memref<128xi32, #tpu.memory_space<vmem>>
          %dma_start3A_141 = arith.constant 0 : i32
          %dma_start3A_142 = arith.constant 0 : i32
          %dma_start3A_143 = tpu.memref_slice %arg2[%dma_start3A_141, %dma_start3A_142] : memref<10000x64xf32, #tpu.memory_space<hbm>> -> memref<10000x64xf32, #tpu.memory_space<hbm>>
          tpu.enqueue_indirect_dma source(%dma_start3A_143 : memref<10000x64xf32, #tpu.memory_space<hbm>>) target(%arg11 : memref<128x64xf32, #tpu.memory_space<vmem>>) offsets(%dma_start3A_140 : memref<128xi32, #tpu.memory_space<vmem>>) semaphore(%arg15 : memref<!tpu.dma_semaphore, #tpu.memory_space<semaphore_mem>>)
        } else {
        }
        %add3A_116 = arith.constant 3 : i32
        %add3A_117 = arith.addi %mul3A_62, %add3A_116 : i32
        %dma_wait3A_118 = arith.constant 0 : i32
        %dma_wait3A_119 = tpu.memref_slice %arg7[%add3A_117, %dma_wait3A_118] : memref<157x128xi32, #tpu.memory_space<vmem>> -> memref<1x128xi32, #tpu.memory_space<vmem>>
        %dma_wait3A_120 = tpu.memref_squeeze %dma_wait3A_119 : memref<1x128xi32, #tpu.memory_space<vmem>> -> memref<128xi32, #tpu.memory_space<vmem>>
        %dma_wait3A_121 = arith.constant 0 : i32
        %dma_wait3A_122 = arith.constant 0 : i32
        %dma_wait3A_123 = tpu.memref_slice %arg2[%dma_wait3A_121, %dma_wait3A_122] : memref<10000x64xf32, #tpu.memory_space<hbm>> -> memref<10000x64xf32, #tpu.memory_space<hbm>>
        tpu.wait_indirect_dma semaphore(%arg16 : memref<!tpu.dma_semaphore, #tpu.memory_space<semaphore_mem>>) src(%dma_wait3A_123 : memref<10000x64xf32, #tpu.memory_space<hbm>>) dst(%arg12 : memref<128x64xf32, #tpu.memory_space<vmem>>)
        %add3A_124 = arith.constant 3 : i32
        %add3A_125 = arith.addi %mul3A_62, %add3A_124 : i32
        "tpu.region"() ({
          %run_scoped3A_134 = tpu.sem_alloc : memref<!tpu.dma_semaphore, #tpu.memory_space<semaphore_mem>>
          %dma_start3A_135 = arith.constant 0 : i32
          %dma_start3A_136 = tpu.memref_slice %arg8[%add3A_125, %dma_start3A_135] : memref<157x128xi32, #tpu.memory_space<vmem>> -> memref<1x128xi32, #tpu.memory_space<vmem>>
          %dma_start3A_137 = tpu.memref_squeeze %dma_start3A_136 : memref<1x128xi32, #tpu.memory_space<vmem>> -> memref<128xi32, #tpu.memory_space<vmem>>
          %dma_start3A_138 = arith.constant 0 : i32
          %dma_start3A_139 = arith.constant 0 : i32
          %dma_start3A_140 = tpu.memref_slice %arg17[%dma_start3A_138, %dma_start3A_139] : memref<10240x64xf32, #tpu.memory_space<vmem_shared>> -> memref<10240x64xf32, #tpu.memory_space<vmem_shared>>
          tpu.enqueue_indirect_dma source(%arg12 : memref<128x64xf32, #tpu.memory_space<vmem>>) target(%dma_start3A_140 : memref<10240x64xf32, #tpu.memory_space<vmem_shared>>) offsets(%dma_start3A_137 : memref<128xi32, #tpu.memory_space<vmem>>) semaphore(%run_scoped3A_134 : memref<!tpu.dma_semaphore, #tpu.memory_space<semaphore_mem>>) {add = true}
          %dma_wait3A_141 = arith.constant 0 : i32
          %dma_wait3A_142 = tpu.memref_slice %arg8[%add3A_125, %dma_wait3A_141] : memref<157x128xi32, #tpu.memory_space<vmem>> -> memref<1x128xi32, #tpu.memory_space<vmem>>
          %dma_wait3A_143 = tpu.memref_squeeze %dma_wait3A_142 : memref<1x128xi32, #tpu.memory_space<vmem>> -> memref<128xi32, #tpu.memory_space<vmem>>
          %dma_wait3A_144 = arith.constant 0 : i32
          %dma_wait3A_145 = arith.constant 0 : i32
          %dma_wait3A_146 = tpu.memref_slice %arg17[%dma_wait3A_144, %dma_wait3A_145] : memref<10240x64xf32, #tpu.memory_space<vmem_shared>> -> memref<10240x64xf32, #tpu.memory_space<vmem_shared>>
          tpu.wait_indirect_dma semaphore(%run_scoped3A_134 : memref<!tpu.dma_semaphore, #tpu.memory_space<semaphore_mem>>) src(%arg12 : memref<128x64xf32, #tpu.memory_space<vmem>>) dst(%dma_wait3A_146 : memref<10240x64xf32, #tpu.memory_space<vmem_shared>>)
          tpu.yield
        }) : () -> ()
        %add3A_126 = arith.constant 4 : i32
        %add3A_127 = arith.addi %mul3A_62, %add3A_126 : i32
        %add3A_128 = arith.constant 3 : i32
        %add3A_129 = arith.addi %add3A_127, %add3A_128 : i32
        %lt3A_130 = arith.cmpi slt, %add3A_129, %select_n3A : i32
        %convert_element_type3A_131 = arith.extui %lt3A_130 : i1 to i32
        %cond3A_132 = arith.constant 0 : i32
        %cond3A_133 = arith.cmpi ne, %convert_element_type3A_131, %cond3A_132 : i32
        scf.if %cond3A_133 {
          %add3A_134 = arith.constant 4 : i32
          %add3A_135 = arith.addi %mul3A_62, %add3A_134 : i32
          %add3A_136 = arith.constant 3 : i32
          %add3A_137 = arith.addi %add3A_135, %add3A_136 : i32
          %dma_start3A_138 = arith.constant 0 : i32
          %dma_start3A_139 = tpu.memref_slice %arg7[%add3A_137, %dma_start3A_138] : memref<157x128xi32, #tpu.memory_space<vmem>> -> memref<1x128xi32, #tpu.memory_space<vmem>>
          %dma_start3A_140 = tpu.memref_squeeze %dma_start3A_139 : memref<1x128xi32, #tpu.memory_space<vmem>> -> memref<128xi32, #tpu.memory_space<vmem>>
          %dma_start3A_141 = arith.constant 0 : i32
          %dma_start3A_142 = arith.constant 0 : i32
          %dma_start3A_143 = tpu.memref_slice %arg2[%dma_start3A_141, %dma_start3A_142] : memref<10000x64xf32, #tpu.memory_space<hbm>> -> memref<10000x64xf32, #tpu.memory_space<hbm>>
          tpu.enqueue_indirect_dma source(%dma_start3A_143 : memref<10000x64xf32, #tpu.memory_space<hbm>>) target(%arg12 : memref<128x64xf32, #tpu.memory_space<vmem>>) offsets(%dma_start3A_140 : memref<128xi32, #tpu.memory_space<vmem>>) semaphore(%arg16 : memref<!tpu.dma_semaphore, #tpu.memory_space<semaphore_mem>>)
        } else {
        }
      }
      %scan3A_54 = arith.constant 39 : i32
      %gt3A_55 = arith.constant 156 : i32
      %gt3A_56 = arith.cmpi sgt, %select_n3A, %gt3A_55 : i32
      %convert_element_type3A_57 = arith.extui %gt3A_56 : i1 to i32
      %cond3A_58 = arith.constant 0 : i32
      %cond3A_59 = arith.cmpi ne, %convert_element_type3A_57, %cond3A_58 : i32
      scf.if %cond3A_59 {
        %dma_wait3A = arith.constant 156 : i32
        %dma_wait3A_60 = arith.constant 0 : i32
        %dma_wait3A_61 = tpu.memref_slice %arg7[%dma_wait3A, %dma_wait3A_60] : memref<157x128xi32, #tpu.memory_space<vmem>> -> memref<1x128xi32, #tpu.memory_space<vmem>>
        %dma_wait3A_62 = tpu.memref_squeeze %dma_wait3A_61 : memref<1x128xi32, #tpu.memory_space<vmem>> -> memref<128xi32, #tpu.memory_space<vmem>>
        %dma_wait3A_63 = arith.constant 0 : i32
        %dma_wait3A_64 = arith.constant 0 : i32
        %dma_wait3A_65 = tpu.memref_slice %arg2[%dma_wait3A_63, %dma_wait3A_64] : memref<10000x64xf32, #tpu.memory_space<hbm>> -> memref<10000x64xf32, #tpu.memory_space<hbm>>
        tpu.wait_indirect_dma semaphore(%arg13 : memref<!tpu.dma_semaphore, #tpu.memory_space<semaphore_mem>>) src(%dma_wait3A_65 : memref<10000x64xf32, #tpu.memory_space<hbm>>) dst(%arg9 : memref<128x64xf32, #tpu.memory_space<vmem>>)
        %run_scoped3A_66 = arith.constant 156 : i32
        "tpu.region"() ({
          %run_scoped3A_67 = tpu.sem_alloc : memref<!tpu.dma_semaphore, #tpu.memory_space<semaphore_mem>>
          %dma_start3A_68 = arith.constant 0 : i32
          %dma_start3A_69 = tpu.memref_slice %arg8[%run_scoped3A_66, %dma_start3A_68] : memref<157x128xi32, #tpu.memory_space<vmem>> -> memref<1x128xi32, #tpu.memory_space<vmem>>
          %dma_start3A_70 = tpu.memref_squeeze %dma_start3A_69 : memref<1x128xi32, #tpu.memory_space<vmem>> -> memref<128xi32, #tpu.memory_space<vmem>>
          %dma_start3A_71 = arith.constant 0 : i32
          %dma_start3A_72 = arith.constant 0 : i32
          %dma_start3A_73 = tpu.memref_slice %arg17[%dma_start3A_71, %dma_start3A_72] : memref<10240x64xf32, #tpu.memory_space<vmem_shared>> -> memref<10240x64xf32, #tpu.memory_space<vmem_shared>>
          tpu.enqueue_indirect_dma source(%arg9 : memref<128x64xf32, #tpu.memory_space<vmem>>) target(%dma_start3A_73 : memref<10240x64xf32, #tpu.memory_space<vmem_shared>>) offsets(%dma_start3A_70 : memref<128xi32, #tpu.memory_space<vmem>>) semaphore(%run_scoped3A_67 : memref<!tpu.dma_semaphore, #tpu.memory_space<semaphore_mem>>) {add = true}
          %dma_wait3A_74 = arith.constant 0 : i32
          %dma_wait3A_75 = tpu.memref_slice %arg8[%run_scoped3A_66, %dma_wait3A_74] : memref<157x128xi32, #tpu.memory_space<vmem>> -> memref<1x128xi32, #tpu.memory_space<vmem>>
          %dma_wait3A_76 = tpu.memref_squeeze %dma_wait3A_75 : memref<1x128xi32, #tpu.memory_space<vmem>> -> memref<128xi32, #tpu.memory_space<vmem>>
          %dma_wait3A_77 = arith.constant 0 : i32
          %dma_wait3A_78 = arith.constant 0 : i32
          %dma_wait3A_79 = tpu.memref_slice %arg17[%dma_wait3A_77, %dma_wait3A_78] : memref<10240x64xf32, #tpu.memory_space<vmem_shared>> -> memref<10240x64xf32, #tpu.memory_space<vmem_shared>>
          tpu.wait_indirect_dma semaphore(%run_scoped3A_67 : memref<!tpu.dma_semaphore, #tpu.memory_space<semaphore_mem>>) src(%arg9 : memref<128x64xf32, #tpu.memory_space<vmem>>) dst(%dma_wait3A_79 : memref<10240x64xf32, #tpu.memory_space<vmem_shared>>)
          tpu.yield
        }) : () -> ()
      } else {
      }
    } else {
    }
    %eq3A_13 = arith.constant 1 : i32
    %eq3A_14 = arith.cmpi eq, %arg0, %eq3A_13 : i32
    %convert_element_type3A_15 = arith.extui %eq3A_14 : i1 to i32
    %cond3A_16 = arith.constant 0 : i32
    %cond3A_17 = arith.cmpi ne, %convert_element_type3A_15, %cond3A_16 : i32
    scf.if %cond3A_17 {
      %dma_start3A = arith.constant 0 : i32
      %dma_start3A_23 = arith.constant 0 : i32
      %dma_start3A_24 = tpu.memref_slice %arg7[%dma_start3A, %dma_start3A_23] : memref<157x128xi32, #tpu.memory_space<vmem>> -> memref<1x128xi32, #tpu.memory_space<vmem>>
      %dma_start3A_25 = tpu.memref_squeeze %dma_start3A_24 : memref<1x128xi32, #tpu.memory_space<vmem>> -> memref<128xi32, #tpu.memory_space<vmem>>
      %dma_start3A_26 = arith.constant 0 : i32
      %dma_start3A_27 = arith.constant 0 : i32
      %dma_start3A_28 = tpu.memref_slice %arg3[%dma_start3A_26, %dma_start3A_27] : memref<10000x64xf32, #tpu.memory_space<hbm>> -> memref<10000x64xf32, #tpu.memory_space<hbm>>
      tpu.enqueue_indirect_dma source(%dma_start3A_28 : memref<10000x64xf32, #tpu.memory_space<hbm>>) target(%arg9 : memref<128x64xf32, #tpu.memory_space<vmem>>) offsets(%dma_start3A_25 : memref<128xi32, #tpu.memory_space<vmem>>) semaphore(%arg13 : memref<!tpu.dma_semaphore, #tpu.memory_space<semaphore_mem>>)
      %dma_start3A_29 = arith.constant 1 : i32
      %dma_start3A_30 = arith.constant 0 : i32
      %dma_start3A_31 = tpu.memref_slice %arg7[%dma_start3A_29, %dma_start3A_30] : memref<157x128xi32, #tpu.memory_space<vmem>> -> memref<1x128xi32, #tpu.memory_space<vmem>>
      %dma_start3A_32 = tpu.memref_squeeze %dma_start3A_31 : memref<1x128xi32, #tpu.memory_space<vmem>> -> memref<128xi32, #tpu.memory_space<vmem>>
      %dma_start3A_33 = arith.constant 0 : i32
      %dma_start3A_34 = arith.constant 0 : i32
      %dma_start3A_35 = tpu.memref_slice %arg3[%dma_start3A_33, %dma_start3A_34] : memref<10000x64xf32, #tpu.memory_space<hbm>> -> memref<10000x64xf32, #tpu.memory_space<hbm>>
      tpu.enqueue_indirect_dma source(%dma_start3A_35 : memref<10000x64xf32, #tpu.memory_space<hbm>>) target(%arg10 : memref<128x64xf32, #tpu.memory_space<vmem>>) offsets(%dma_start3A_32 : memref<128xi32, #tpu.memory_space<vmem>>) semaphore(%arg14 : memref<!tpu.dma_semaphore, #tpu.memory_space<semaphore_mem>>)
      %dma_start3A_36 = arith.constant 2 : i32
      %dma_start3A_37 = arith.constant 0 : i32
      %dma_start3A_38 = tpu.memref_slice %arg7[%dma_start3A_36, %dma_start3A_37] : memref<157x128xi32, #tpu.memory_space<vmem>> -> memref<1x128xi32, #tpu.memory_space<vmem>>
      %dma_start3A_39 = tpu.memref_squeeze %dma_start3A_38 : memref<1x128xi32, #tpu.memory_space<vmem>> -> memref<128xi32, #tpu.memory_space<vmem>>
      %dma_start3A_40 = arith.constant 0 : i32
      %dma_start3A_41 = arith.constant 0 : i32
      %dma_start3A_42 = tpu.memref_slice %arg3[%dma_start3A_40, %dma_start3A_41] : memref<10000x64xf32, #tpu.memory_space<hbm>> -> memref<10000x64xf32, #tpu.memory_space<hbm>>
      tpu.enqueue_indirect_dma source(%dma_start3A_42 : memref<10000x64xf32, #tpu.memory_space<hbm>>) target(%arg11 : memref<128x64xf32, #tpu.memory_space<vmem>>) offsets(%dma_start3A_39 : memref<128xi32, #tpu.memory_space<vmem>>) semaphore(%arg15 : memref<!tpu.dma_semaphore, #tpu.memory_space<semaphore_mem>>)
      %dma_start3A_43 = arith.constant 3 : i32
      %dma_start3A_44 = arith.constant 0 : i32
      %dma_start3A_45 = tpu.memref_slice %arg7[%dma_start3A_43, %dma_start3A_44] : memref<157x128xi32, #tpu.memory_space<vmem>> -> memref<1x128xi32, #tpu.memory_space<vmem>>
      %dma_start3A_46 = tpu.memref_squeeze %dma_start3A_45 : memref<1x128xi32, #tpu.memory_space<vmem>> -> memref<128xi32, #tpu.memory_space<vmem>>
      %dma_start3A_47 = arith.constant 0 : i32
      %dma_start3A_48 = arith.constant 0 : i32
      %dma_start3A_49 = tpu.memref_slice %arg3[%dma_start3A_47, %dma_start3A_48] : memref<10000x64xf32, #tpu.memory_space<hbm>> -> memref<10000x64xf32, #tpu.memory_space<hbm>>
      tpu.enqueue_indirect_dma source(%dma_start3A_49 : memref<10000x64xf32, #tpu.memory_space<hbm>>) target(%arg12 : memref<128x64xf32, #tpu.memory_space<vmem>>) offsets(%dma_start3A_46 : memref<128xi32, #tpu.memory_space<vmem>>) semaphore(%arg16 : memref<!tpu.dma_semaphore, #tpu.memory_space<semaphore_mem>>)
      %scan3A = arith.constant 0 : i32
      %scan3A_50 = arith.constant 0 : i32
      %scan3A_51 = arith.constant 39 : i32
      %scan3A_52 = arith.addi %scan3A_50, %scan3A_51 : i32
      %scan3A_53 = arith.constant 1 : i32
      scf.for %scan3A_60 = %scan3A_50 to %scan3A_52 step %scan3A_53  : i32 {
        %mul3A_61 = arith.constant 4 : i32
        %mul3A_62 = arith.muli %mul3A_61, %scan3A_60 : i32
        %add3A_63 = arith.constant 0 : i32
        %add3A_64 = arith.addi %mul3A_62, %add3A_63 : i32
        %dma_wait3A = arith.constant 0 : i32
        %dma_wait3A_65 = tpu.memref_slice %arg7[%add3A_64, %dma_wait3A] : memref<157x128xi32, #tpu.memory_space<vmem>> -> memref<1x128xi32, #tpu.memory_space<vmem>>
        %dma_wait3A_66 = tpu.memref_squeeze %dma_wait3A_65 : memref<1x128xi32, #tpu.memory_space<vmem>> -> memref<128xi32, #tpu.memory_space<vmem>>
        %dma_wait3A_67 = arith.constant 0 : i32
        %dma_wait3A_68 = arith.constant 0 : i32
        %dma_wait3A_69 = tpu.memref_slice %arg3[%dma_wait3A_67, %dma_wait3A_68] : memref<10000x64xf32, #tpu.memory_space<hbm>> -> memref<10000x64xf32, #tpu.memory_space<hbm>>
        tpu.wait_indirect_dma semaphore(%arg13 : memref<!tpu.dma_semaphore, #tpu.memory_space<semaphore_mem>>) src(%dma_wait3A_69 : memref<10000x64xf32, #tpu.memory_space<hbm>>) dst(%arg9 : memref<128x64xf32, #tpu.memory_space<vmem>>)
        %add3A_70 = arith.constant 0 : i32
        %add3A_71 = arith.addi %mul3A_62, %add3A_70 : i32
        "tpu.region"() ({
          %run_scoped3A_134 = tpu.sem_alloc : memref<!tpu.dma_semaphore, #tpu.memory_space<semaphore_mem>>
          %dma_start3A_135 = arith.constant 0 : i32
          %dma_start3A_136 = tpu.memref_slice %arg8[%add3A_71, %dma_start3A_135] : memref<157x128xi32, #tpu.memory_space<vmem>> -> memref<1x128xi32, #tpu.memory_space<vmem>>
          %dma_start3A_137 = tpu.memref_squeeze %dma_start3A_136 : memref<1x128xi32, #tpu.memory_space<vmem>> -> memref<128xi32, #tpu.memory_space<vmem>>
          %dma_start3A_138 = arith.constant 0 : i32
          %dma_start3A_139 = arith.constant 0 : i32
          %dma_start3A_140 = tpu.memref_slice %arg17[%dma_start3A_138, %dma_start3A_139] : memref<10240x64xf32, #tpu.memory_space<vmem_shared>> -> memref<10240x64xf32, #tpu.memory_space<vmem_shared>>
          tpu.enqueue_indirect_dma source(%arg9 : memref<128x64xf32, #tpu.memory_space<vmem>>) target(%dma_start3A_140 : memref<10240x64xf32, #tpu.memory_space<vmem_shared>>) offsets(%dma_start3A_137 : memref<128xi32, #tpu.memory_space<vmem>>) semaphore(%run_scoped3A_134 : memref<!tpu.dma_semaphore, #tpu.memory_space<semaphore_mem>>) {add = true}
          %dma_wait3A_141 = arith.constant 0 : i32
          %dma_wait3A_142 = tpu.memref_slice %arg8[%add3A_71, %dma_wait3A_141] : memref<157x128xi32, #tpu.memory_space<vmem>> -> memref<1x128xi32, #tpu.memory_space<vmem>>
          %dma_wait3A_143 = tpu.memref_squeeze %dma_wait3A_142 : memref<1x128xi32, #tpu.memory_space<vmem>> -> memref<128xi32, #tpu.memory_space<vmem>>
          %dma_wait3A_144 = arith.constant 0 : i32
          %dma_wait3A_145 = arith.constant 0 : i32
          %dma_wait3A_146 = tpu.memref_slice %arg17[%dma_wait3A_144, %dma_wait3A_145] : memref<10240x64xf32, #tpu.memory_space<vmem_shared>> -> memref<10240x64xf32, #tpu.memory_space<vmem_shared>>
          tpu.wait_indirect_dma semaphore(%run_scoped3A_134 : memref<!tpu.dma_semaphore, #tpu.memory_space<semaphore_mem>>) src(%arg9 : memref<128x64xf32, #tpu.memory_space<vmem>>) dst(%dma_wait3A_146 : memref<10240x64xf32, #tpu.memory_space<vmem_shared>>)
          tpu.yield
        }) : () -> ()
        %add3A_72 = arith.constant 4 : i32
        %add3A_73 = arith.addi %mul3A_62, %add3A_72 : i32
        %add3A_74 = arith.constant 0 : i32
        %add3A_75 = arith.addi %add3A_73, %add3A_74 : i32
        %lt3A_76 = arith.cmpi slt, %add3A_75, %select_n3A : i32
        %convert_element_type3A_77 = arith.extui %lt3A_76 : i1 to i32
        %cond3A_78 = arith.constant 0 : i32
        %cond3A_79 = arith.cmpi ne, %convert_element_type3A_77, %cond3A_78 : i32
        scf.if %cond3A_79 {
          %add3A_134 = arith.constant 4 : i32
          %add3A_135 = arith.addi %mul3A_62, %add3A_134 : i32
          %add3A_136 = arith.constant 0 : i32
          %add3A_137 = arith.addi %add3A_135, %add3A_136 : i32
          %dma_start3A_138 = arith.constant 0 : i32
          %dma_start3A_139 = tpu.memref_slice %arg7[%add3A_137, %dma_start3A_138] : memref<157x128xi32, #tpu.memory_space<vmem>> -> memref<1x128xi32, #tpu.memory_space<vmem>>
          %dma_start3A_140 = tpu.memref_squeeze %dma_start3A_139 : memref<1x128xi32, #tpu.memory_space<vmem>> -> memref<128xi32, #tpu.memory_space<vmem>>
          %dma_start3A_141 = arith.constant 0 : i32
          %dma_start3A_142 = arith.constant 0 : i32
          %dma_start3A_143 = tpu.memref_slice %arg3[%dma_start3A_141, %dma_start3A_142] : memref<10000x64xf32, #tpu.memory_space<hbm>> -> memref<10000x64xf32, #tpu.memory_space<hbm>>
          tpu.enqueue_indirect_dma source(%dma_start3A_143 : memref<10000x64xf32, #tpu.memory_space<hbm>>) target(%arg9 : memref<128x64xf32, #tpu.memory_space<vmem>>) offsets(%dma_start3A_140 : memref<128xi32, #tpu.memory_space<vmem>>) semaphore(%arg13 : memref<!tpu.dma_semaphore, #tpu.memory_space<semaphore_mem>>)
        } else {
        }
        %add3A_80 = arith.constant 1 : i32
        %add3A_81 = arith.addi %mul3A_62, %add3A_80 : i32
        %dma_wait3A_82 = arith.constant 0 : i32
        %dma_wait3A_83 = tpu.memref_slice %arg7[%add3A_81, %dma_wait3A_82] : memref<157x128xi32, #tpu.memory_space<vmem>> -> memref<1x128xi32, #tpu.memory_space<vmem>>
        %dma_wait3A_84 = tpu.memref_squeeze %dma_wait3A_83 : memref<1x128xi32, #tpu.memory_space<vmem>> -> memref<128xi32, #tpu.memory_space<vmem>>
        %dma_wait3A_85 = arith.constant 0 : i32
        %dma_wait3A_86 = arith.constant 0 : i32
        %dma_wait3A_87 = tpu.memref_slice %arg3[%dma_wait3A_85, %dma_wait3A_86] : memref<10000x64xf32, #tpu.memory_space<hbm>> -> memref<10000x64xf32, #tpu.memory_space<hbm>>
        tpu.wait_indirect_dma semaphore(%arg14 : memref<!tpu.dma_semaphore, #tpu.memory_space<semaphore_mem>>) src(%dma_wait3A_87 : memref<10000x64xf32, #tpu.memory_space<hbm>>) dst(%arg10 : memref<128x64xf32, #tpu.memory_space<vmem>>)
        %add3A_88 = arith.constant 1 : i32
        %add3A_89 = arith.addi %mul3A_62, %add3A_88 : i32
        "tpu.region"() ({
          %run_scoped3A_134 = tpu.sem_alloc : memref<!tpu.dma_semaphore, #tpu.memory_space<semaphore_mem>>
          %dma_start3A_135 = arith.constant 0 : i32
          %dma_start3A_136 = tpu.memref_slice %arg8[%add3A_89, %dma_start3A_135] : memref<157x128xi32, #tpu.memory_space<vmem>> -> memref<1x128xi32, #tpu.memory_space<vmem>>
          %dma_start3A_137 = tpu.memref_squeeze %dma_start3A_136 : memref<1x128xi32, #tpu.memory_space<vmem>> -> memref<128xi32, #tpu.memory_space<vmem>>
          %dma_start3A_138 = arith.constant 0 : i32
          %dma_start3A_139 = arith.constant 0 : i32
          %dma_start3A_140 = tpu.memref_slice %arg17[%dma_start3A_138, %dma_start3A_139] : memref<10240x64xf32, #tpu.memory_space<vmem_shared>> -> memref<10240x64xf32, #tpu.memory_space<vmem_shared>>
          tpu.enqueue_indirect_dma source(%arg10 : memref<128x64xf32, #tpu.memory_space<vmem>>) target(%dma_start3A_140 : memref<10240x64xf32, #tpu.memory_space<vmem_shared>>) offsets(%dma_start3A_137 : memref<128xi32, #tpu.memory_space<vmem>>) semaphore(%run_scoped3A_134 : memref<!tpu.dma_semaphore, #tpu.memory_space<semaphore_mem>>) {add = true}
          %dma_wait3A_141 = arith.constant 0 : i32
          %dma_wait3A_142 = tpu.memref_slice %arg8[%add3A_89, %dma_wait3A_141] : memref<157x128xi32, #tpu.memory_space<vmem>> -> memref<1x128xi32, #tpu.memory_space<vmem>>
          %dma_wait3A_143 = tpu.memref_squeeze %dma_wait3A_142 : memref<1x128xi32, #tpu.memory_space<vmem>> -> memref<128xi32, #tpu.memory_space<vmem>>
          %dma_wait3A_144 = arith.constant 0 : i32
          %dma_wait3A_145 = arith.constant 0 : i32
          %dma_wait3A_146 = tpu.memref_slice %arg17[%dma_wait3A_144, %dma_wait3A_145] : memref<10240x64xf32, #tpu.memory_space<vmem_shared>> -> memref<10240x64xf32, #tpu.memory_space<vmem_shared>>
          tpu.wait_indirect_dma semaphore(%run_scoped3A_134 : memref<!tpu.dma_semaphore, #tpu.memory_space<semaphore_mem>>) src(%arg10 : memref<128x64xf32, #tpu.memory_space<vmem>>) dst(%dma_wait3A_146 : memref<10240x64xf32, #tpu.memory_space<vmem_shared>>)
          tpu.yield
        }) : () -> ()
        %add3A_90 = arith.constant 4 : i32
        %add3A_91 = arith.addi %mul3A_62, %add3A_90 : i32
        %add3A_92 = arith.constant 1 : i32
        %add3A_93 = arith.addi %add3A_91, %add3A_92 : i32
        %lt3A_94 = arith.cmpi slt, %add3A_93, %select_n3A : i32
        %convert_element_type3A_95 = arith.extui %lt3A_94 : i1 to i32
        %cond3A_96 = arith.constant 0 : i32
        %cond3A_97 = arith.cmpi ne, %convert_element_type3A_95, %cond3A_96 : i32
        scf.if %cond3A_97 {
          %add3A_134 = arith.constant 4 : i32
          %add3A_135 = arith.addi %mul3A_62, %add3A_134 : i32
          %add3A_136 = arith.constant 1 : i32
          %add3A_137 = arith.addi %add3A_135, %add3A_136 : i32
          %dma_start3A_138 = arith.constant 0 : i32
          %dma_start3A_139 = tpu.memref_slice %arg7[%add3A_137, %dma_start3A_138] : memref<157x128xi32, #tpu.memory_space<vmem>> -> memref<1x128xi32, #tpu.memory_space<vmem>>
          %dma_start3A_140 = tpu.memref_squeeze %dma_start3A_139 : memref<1x128xi32, #tpu.memory_space<vmem>> -> memref<128xi32, #tpu.memory_space<vmem>>
          %dma_start3A_141 = arith.constant 0 : i32
          %dma_start3A_142 = arith.constant 0 : i32
          %dma_start3A_143 = tpu.memref_slice %arg3[%dma_start3A_141, %dma_start3A_142] : memref<10000x64xf32, #tpu.memory_space<hbm>> -> memref<10000x64xf32, #tpu.memory_space<hbm>>
          tpu.enqueue_indirect_dma source(%dma_start3A_143 : memref<10000x64xf32, #tpu.memory_space<hbm>>) target(%arg10 : memref<128x64xf32, #tpu.memory_space<vmem>>) offsets(%dma_start3A_140 : memref<128xi32, #tpu.memory_space<vmem>>) semaphore(%arg14 : memref<!tpu.dma_semaphore, #tpu.memory_space<semaphore_mem>>)
        } else {
        }
        %add3A_98 = arith.constant 2 : i32
        %add3A_99 = arith.addi %mul3A_62, %add3A_98 : i32
        %dma_wait3A_100 = arith.constant 0 : i32
        %dma_wait3A_101 = tpu.memref_slice %arg7[%add3A_99, %dma_wait3A_100] : memref<157x128xi32, #tpu.memory_space<vmem>> -> memref<1x128xi32, #tpu.memory_space<vmem>>
        %dma_wait3A_102 = tpu.memref_squeeze %dma_wait3A_101 : memref<1x128xi32, #tpu.memory_space<vmem>> -> memref<128xi32, #tpu.memory_space<vmem>>
        %dma_wait3A_103 = arith.constant 0 : i32
        %dma_wait3A_104 = arith.constant 0 : i32
        %dma_wait3A_105 = tpu.memref_slice %arg3[%dma_wait3A_103, %dma_wait3A_104] : memref<10000x64xf32, #tpu.memory_space<hbm>> -> memref<10000x64xf32, #tpu.memory_space<hbm>>
        tpu.wait_indirect_dma semaphore(%arg15 : memref<!tpu.dma_semaphore, #tpu.memory_space<semaphore_mem>>) src(%dma_wait3A_105 : memref<10000x64xf32, #tpu.memory_space<hbm>>) dst(%arg11 : memref<128x64xf32, #tpu.memory_space<vmem>>)
        %add3A_106 = arith.constant 2 : i32
        %add3A_107 = arith.addi %mul3A_62, %add3A_106 : i32
        "tpu.region"() ({
          %run_scoped3A_134 = tpu.sem_alloc : memref<!tpu.dma_semaphore, #tpu.memory_space<semaphore_mem>>
          %dma_start3A_135 = arith.constant 0 : i32
          %dma_start3A_136 = tpu.memref_slice %arg8[%add3A_107, %dma_start3A_135] : memref<157x128xi32, #tpu.memory_space<vmem>> -> memref<1x128xi32, #tpu.memory_space<vmem>>
          %dma_start3A_137 = tpu.memref_squeeze %dma_start3A_136 : memref<1x128xi32, #tpu.memory_space<vmem>> -> memref<128xi32, #tpu.memory_space<vmem>>
          %dma_start3A_138 = arith.constant 0 : i32
          %dma_start3A_139 = arith.constant 0 : i32
          %dma_start3A_140 = tpu.memref_slice %arg17[%dma_start3A_138, %dma_start3A_139] : memref<10240x64xf32, #tpu.memory_space<vmem_shared>> -> memref<10240x64xf32, #tpu.memory_space<vmem_shared>>
          tpu.enqueue_indirect_dma source(%arg11 : memref<128x64xf32, #tpu.memory_space<vmem>>) target(%dma_start3A_140 : memref<10240x64xf32, #tpu.memory_space<vmem_shared>>) offsets(%dma_start3A_137 : memref<128xi32, #tpu.memory_space<vmem>>) semaphore(%run_scoped3A_134 : memref<!tpu.dma_semaphore, #tpu.memory_space<semaphore_mem>>) {add = true}
          %dma_wait3A_141 = arith.constant 0 : i32
          %dma_wait3A_142 = tpu.memref_slice %arg8[%add3A_107, %dma_wait3A_141] : memref<157x128xi32, #tpu.memory_space<vmem>> -> memref<1x128xi32, #tpu.memory_space<vmem>>
          %dma_wait3A_143 = tpu.memref_squeeze %dma_wait3A_142 : memref<1x128xi32, #tpu.memory_space<vmem>> -> memref<128xi32, #tpu.memory_space<vmem>>
          %dma_wait3A_144 = arith.constant 0 : i32
          %dma_wait3A_145 = arith.constant 0 : i32
          %dma_wait3A_146 = tpu.memref_slice %arg17[%dma_wait3A_144, %dma_wait3A_145] : memref<10240x64xf32, #tpu.memory_space<vmem_shared>> -> memref<10240x64xf32, #tpu.memory_space<vmem_shared>>
          tpu.wait_indirect_dma semaphore(%run_scoped3A_134 : memref<!tpu.dma_semaphore, #tpu.memory_space<semaphore_mem>>) src(%arg11 : memref<128x64xf32, #tpu.memory_space<vmem>>) dst(%dma_wait3A_146 : memref<10240x64xf32, #tpu.memory_space<vmem_shared>>)
          tpu.yield
        }) : () -> ()
        %add3A_108 = arith.constant 4 : i32
        %add3A_109 = arith.addi %mul3A_62, %add3A_108 : i32
        %add3A_110 = arith.constant 2 : i32
        %add3A_111 = arith.addi %add3A_109, %add3A_110 : i32
        %lt3A_112 = arith.cmpi slt, %add3A_111, %select_n3A : i32
        %convert_element_type3A_113 = arith.extui %lt3A_112 : i1 to i32
        %cond3A_114 = arith.constant 0 : i32
        %cond3A_115 = arith.cmpi ne, %convert_element_type3A_113, %cond3A_114 : i32
        scf.if %cond3A_115 {
          %add3A_134 = arith.constant 4 : i32
          %add3A_135 = arith.addi %mul3A_62, %add3A_134 : i32
          %add3A_136 = arith.constant 2 : i32
          %add3A_137 = arith.addi %add3A_135, %add3A_136 : i32
          %dma_start3A_138 = arith.constant 0 : i32
          %dma_start3A_139 = tpu.memref_slice %arg7[%add3A_137, %dma_start3A_138] : memref<157x128xi32, #tpu.memory_space<vmem>> -> memref<1x128xi32, #tpu.memory_space<vmem>>
          %dma_start3A_140 = tpu.memref_squeeze %dma_start3A_139 : memref<1x128xi32, #tpu.memory_space<vmem>> -> memref<128xi32, #tpu.memory_space<vmem>>
          %dma_start3A_141 = arith.constant 0 : i32
          %dma_start3A_142 = arith.constant 0 : i32
          %dma_start3A_143 = tpu.memref_slice %arg3[%dma_start3A_141, %dma_start3A_142] : memref<10000x64xf32, #tpu.memory_space<hbm>> -> memref<10000x64xf32, #tpu.memory_space<hbm>>
          tpu.enqueue_indirect_dma source(%dma_start3A_143 : memref<10000x64xf32, #tpu.memory_space<hbm>>) target(%arg11 : memref<128x64xf32, #tpu.memory_space<vmem>>) offsets(%dma_start3A_140 : memref<128xi32, #tpu.memory_space<vmem>>) semaphore(%arg15 : memref<!tpu.dma_semaphore, #tpu.memory_space<semaphore_mem>>)
        } else {
        }
        %add3A_116 = arith.constant 3 : i32
        %add3A_117 = arith.addi %mul3A_62, %add3A_116 : i32
        %dma_wait3A_118 = arith.constant 0 : i32
        %dma_wait3A_119 = tpu.memref_slice %arg7[%add3A_117, %dma_wait3A_118] : memref<157x128xi32, #tpu.memory_space<vmem>> -> memref<1x128xi32, #tpu.memory_space<vmem>>
        %dma_wait3A_120 = tpu.memref_squeeze %dma_wait3A_119 : memref<1x128xi32, #tpu.memory_space<vmem>> -> memref<128xi32, #tpu.memory_space<vmem>>
        %dma_wait3A_121 = arith.constant 0 : i32
        %dma_wait3A_122 = arith.constant 0 : i32
        %dma_wait3A_123 = tpu.memref_slice %arg3[%dma_wait3A_121, %dma_wait3A_122] : memref<10000x64xf32, #tpu.memory_space<hbm>> -> memref<10000x64xf32, #tpu.memory_space<hbm>>
        tpu.wait_indirect_dma semaphore(%arg16 : memref<!tpu.dma_semaphore, #tpu.memory_space<semaphore_mem>>) src(%dma_wait3A_123 : memref<10000x64xf32, #tpu.memory_space<hbm>>) dst(%arg12 : memref<128x64xf32, #tpu.memory_space<vmem>>)
        %add3A_124 = arith.constant 3 : i32
        %add3A_125 = arith.addi %mul3A_62, %add3A_124 : i32
        "tpu.region"() ({
          %run_scoped3A_134 = tpu.sem_alloc : memref<!tpu.dma_semaphore, #tpu.memory_space<semaphore_mem>>
          %dma_start3A_135 = arith.constant 0 : i32
          %dma_start3A_136 = tpu.memref_slice %arg8[%add3A_125, %dma_start3A_135] : memref<157x128xi32, #tpu.memory_space<vmem>> -> memref<1x128xi32, #tpu.memory_space<vmem>>
          %dma_start3A_137 = tpu.memref_squeeze %dma_start3A_136 : memref<1x128xi32, #tpu.memory_space<vmem>> -> memref<128xi32, #tpu.memory_space<vmem>>
          %dma_start3A_138 = arith.constant 0 : i32
          %dma_start3A_139 = arith.constant 0 : i32
          %dma_start3A_140 = tpu.memref_slice %arg17[%dma_start3A_138, %dma_start3A_139] : memref<10240x64xf32, #tpu.memory_space<vmem_shared>> -> memref<10240x64xf32, #tpu.memory_space<vmem_shared>>
          tpu.enqueue_indirect_dma source(%arg12 : memref<128x64xf32, #tpu.memory_space<vmem>>) target(%dma_start3A_140 : memref<10240x64xf32, #tpu.memory_space<vmem_shared>>) offsets(%dma_start3A_137 : memref<128xi32, #tpu.memory_space<vmem>>) semaphore(%run_scoped3A_134 : memref<!tpu.dma_semaphore, #tpu.memory_space<semaphore_mem>>) {add = true}
          %dma_wait3A_141 = arith.constant 0 : i32
          %dma_wait3A_142 = tpu.memref_slice %arg8[%add3A_125, %dma_wait3A_141] : memref<157x128xi32, #tpu.memory_space<vmem>> -> memref<1x128xi32, #tpu.memory_space<vmem>>
          %dma_wait3A_143 = tpu.memref_squeeze %dma_wait3A_142 : memref<1x128xi32, #tpu.memory_space<vmem>> -> memref<128xi32, #tpu.memory_space<vmem>>
          %dma_wait3A_144 = arith.constant 0 : i32
          %dma_wait3A_145 = arith.constant 0 : i32
          %dma_wait3A_146 = tpu.memref_slice %arg17[%dma_wait3A_144, %dma_wait3A_145] : memref<10240x64xf32, #tpu.memory_space<vmem_shared>> -> memref<10240x64xf32, #tpu.memory_space<vmem_shared>>
          tpu.wait_indirect_dma semaphore(%run_scoped3A_134 : memref<!tpu.dma_semaphore, #tpu.memory_space<semaphore_mem>>) src(%arg12 : memref<128x64xf32, #tpu.memory_space<vmem>>) dst(%dma_wait3A_146 : memref<10240x64xf32, #tpu.memory_space<vmem_shared>>)
          tpu.yield
        }) : () -> ()
        %add3A_126 = arith.constant 4 : i32
        %add3A_127 = arith.addi %mul3A_62, %add3A_126 : i32
        %add3A_128 = arith.constant 3 : i32
        %add3A_129 = arith.addi %add3A_127, %add3A_128 : i32
        %lt3A_130 = arith.cmpi slt, %add3A_129, %select_n3A : i32
        %convert_element_type3A_131 = arith.extui %lt3A_130 : i1 to i32
        %cond3A_132 = arith.constant 0 : i32
        %cond3A_133 = arith.cmpi ne, %convert_element_type3A_131, %cond3A_132 : i32
        scf.if %cond3A_133 {
          %add3A_134 = arith.constant 4 : i32
          %add3A_135 = arith.addi %mul3A_62, %add3A_134 : i32
          %add3A_136 = arith.constant 3 : i32
          %add3A_137 = arith.addi %add3A_135, %add3A_136 : i32
          %dma_start3A_138 = arith.constant 0 : i32
          %dma_start3A_139 = tpu.memref_slice %arg7[%add3A_137, %dma_start3A_138] : memref<157x128xi32, #tpu.memory_space<vmem>> -> memref<1x128xi32, #tpu.memory_space<vmem>>
          %dma_start3A_140 = tpu.memref_squeeze %dma_start3A_139 : memref<1x128xi32, #tpu.memory_space<vmem>> -> memref<128xi32, #tpu.memory_space<vmem>>
          %dma_start3A_141 = arith.constant 0 : i32
          %dma_start3A_142 = arith.constant 0 : i32
          %dma_start3A_143 = tpu.memref_slice %arg3[%dma_start3A_141, %dma_start3A_142] : memref<10000x64xf32, #tpu.memory_space<hbm>> -> memref<10000x64xf32, #tpu.memory_space<hbm>>
          tpu.enqueue_indirect_dma source(%dma_start3A_143 : memref<10000x64xf32, #tpu.memory_space<hbm>>) target(%arg12 : memref<128x64xf32, #tpu.memory_space<vmem>>) offsets(%dma_start3A_140 : memref<128xi32, #tpu.memory_space<vmem>>) semaphore(%arg16 : memref<!tpu.dma_semaphore, #tpu.memory_space<semaphore_mem>>)
        } else {
        }
      }
      %scan3A_54 = arith.constant 39 : i32
      %gt3A_55 = arith.constant 156 : i32
      %gt3A_56 = arith.cmpi sgt, %select_n3A, %gt3A_55 : i32
      %convert_element_type3A_57 = arith.extui %gt3A_56 : i1 to i32
      %cond3A_58 = arith.constant 0 : i32
      %cond3A_59 = arith.cmpi ne, %convert_element_type3A_57, %cond3A_58 : i32
      scf.if %cond3A_59 {
        %dma_wait3A = arith.constant 156 : i32
        %dma_wait3A_60 = arith.constant 0 : i32
        %dma_wait3A_61 = tpu.memref_slice %arg7[%dma_wait3A, %dma_wait3A_60] : memref<157x128xi32, #tpu.memory_space<vmem>> -> memref<1x128xi32, #tpu.memory_space<vmem>>
        %dma_wait3A_62 = tpu.memref_squeeze %dma_wait3A_61 : memref<1x128xi32, #tpu.memory_space<vmem>> -> memref<128xi32, #tpu.memory_space<vmem>>
        %dma_wait3A_63 = arith.constant 0 : i32
        %dma_wait3A_64 = arith.constant 0 : i32
        %dma_wait3A_65 = tpu.memref_slice %arg3[%dma_wait3A_63, %dma_wait3A_64] : memref<10000x64xf32, #tpu.memory_space<hbm>> -> memref<10000x64xf32, #tpu.memory_space<hbm>>
        tpu.wait_indirect_dma semaphore(%arg13 : memref<!tpu.dma_semaphore, #tpu.memory_space<semaphore_mem>>) src(%dma_wait3A_65 : memref<10000x64xf32, #tpu.memory_space<hbm>>) dst(%arg9 : memref<128x64xf32, #tpu.memory_space<vmem>>)
        %run_scoped3A_66 = arith.constant 156 : i32
        "tpu.region"() ({
          %run_scoped3A_67 = tpu.sem_alloc : memref<!tpu.dma_semaphore, #tpu.memory_space<semaphore_mem>>
          %dma_start3A_68 = arith.constant 0 : i32
          %dma_start3A_69 = tpu.memref_slice %arg8[%run_scoped3A_66, %dma_start3A_68] : memref<157x128xi32, #tpu.memory_space<vmem>> -> memref<1x128xi32, #tpu.memory_space<vmem>>
          %dma_start3A_70 = tpu.memref_squeeze %dma_start3A_69 : memref<1x128xi32, #tpu.memory_space<vmem>> -> memref<128xi32, #tpu.memory_space<vmem>>
          %dma_start3A_71 = arith.constant 0 : i32
          %dma_start3A_72 = arith.constant 0 : i32
          %dma_start3A_73 = tpu.memref_slice %arg17[%dma_start3A_71, %dma_start3A_72] : memref<10240x64xf32, #tpu.memory_space<vmem_shared>> -> memref<10240x64xf32, #tpu.memory_space<vmem_shared>>
          tpu.enqueue_indirect_dma source(%arg9 : memref<128x64xf32, #tpu.memory_space<vmem>>) target(%dma_start3A_73 : memref<10240x64xf32, #tpu.memory_space<vmem_shared>>) offsets(%dma_start3A_70 : memref<128xi32, #tpu.memory_space<vmem>>) semaphore(%run_scoped3A_67 : memref<!tpu.dma_semaphore, #tpu.memory_space<semaphore_mem>>) {add = true}
          %dma_wait3A_74 = arith.constant 0 : i32
          %dma_wait3A_75 = tpu.memref_slice %arg8[%run_scoped3A_66, %dma_wait3A_74] : memref<157x128xi32, #tpu.memory_space<vmem>> -> memref<1x128xi32, #tpu.memory_space<vmem>>
          %dma_wait3A_76 = tpu.memref_squeeze %dma_wait3A_75 : memref<1x128xi32, #tpu.memory_space<vmem>> -> memref<128xi32, #tpu.memory_space<vmem>>
          %dma_wait3A_77 = arith.constant 0 : i32
          %dma_wait3A_78 = arith.constant 0 : i32
          %dma_wait3A_79 = tpu.memref_slice %arg17[%dma_wait3A_77, %dma_wait3A_78] : memref<10240x64xf32, #tpu.memory_space<vmem_shared>> -> memref<10240x64xf32, #tpu.memory_space<vmem_shared>>
          tpu.wait_indirect_dma semaphore(%run_scoped3A_67 : memref<!tpu.dma_semaphore, #tpu.memory_space<semaphore_mem>>) src(%arg9 : memref<128x64xf32, #tpu.memory_space<vmem>>) dst(%dma_wait3A_79 : memref<10240x64xf32, #tpu.memory_space<vmem_shared>>)
          tpu.yield
        }) : () -> ()
      } else {
      }
    } else {
    }
    %barrier3A_18 = arith.constant 0 : index
    tpu.barrier barrier_id(%barrier3A_18)
    %mul3A_19 = arith.constant 640 : i32
    %mul3A_20 = arith.muli %arg1, %mul3A_19 : i32
    %mul3A_21 = arith.constant 640 : i32
    %mul3A_22 = arith.muli %arg1, %mul3A_21 : i32
    "tpu.region"() ({
      %run_scoped3A_23 = tpu.sem_alloc : memref<!tpu.dma_semaphore, #tpu.memory_space<semaphore_mem>>
      %dma_start3A = arith.constant 0 : i32
      %dma_start3A_24 = tpu.memref_slice %arg6[%arg0, %mul3A_22, %dma_start3A] : memref<2x10240x64xf32, #tpu.memory_space<hbm>> -> memref<1x640x64xf32, #tpu.memory_space<hbm>>
      %dma_start3A_25 = tpu.memref_squeeze %dma_start3A_24 : memref<1x640x64xf32, #tpu.memory_space<hbm>> -> memref<640x64xf32, #tpu.memory_space<hbm>>
      %dma_start3A_26 = arith.constant 0 : i32
      %dma_start3A_27 = tpu.memref_slice %arg17[%mul3A_20, %dma_start3A_26] : memref<10240x64xf32, #tpu.memory_space<vmem_shared>> -> memref<640x64xf32, #tpu.memory_space<vmem_shared>>
      tpu.enqueue_dma source(%dma_start3A_27 : memref<640x64xf32, #tpu.memory_space<vmem_shared>>) target(%dma_start3A_25 : memref<640x64xf32, #tpu.memory_space<hbm>>) target_semaphore(%run_scoped3A_23 : memref<!tpu.dma_semaphore, #tpu.memory_space<semaphore_mem>>)
      %dma_wait3A = arith.constant 0 : i32
      %dma_wait3A_28 = tpu.memref_slice %arg6[%arg0, %mul3A_22, %dma_wait3A] : memref<2x10240x64xf32, #tpu.memory_space<hbm>> -> memref<1x640x64xf32, #tpu.memory_space<hbm>>
      %dma_wait3A_29 = tpu.memref_squeeze %dma_wait3A_28 : memref<1x640x64xf32, #tpu.memory_space<hbm>> -> memref<640x64xf32, #tpu.memory_space<hbm>>
      %dma_wait3A_30 = arith.constant 0 : i32
      %dma_wait3A_31 = tpu.memref_slice %arg17[%mul3A_20, %dma_wait3A_30] : memref<10240x64xf32, #tpu.memory_space<vmem_shared>> -> memref<640x64xf32, #tpu.memory_space<vmem_shared>>
      tpu.wait_dma2 semaphore(%run_scoped3A_23 : memref<!tpu.dma_semaphore, #tpu.memory_space<semaphore_mem>>) src(%dma_wait3A_31 : memref<640x64xf32, #tpu.memory_space<vmem_shared>>) dst(%dma_wait3A_29 : memref<640x64xf32, #tpu.memory_space<hbm>>)
      tpu.yield
    }) : () -> ()
    return
  }
}

module attributes {stable_mosaic.version = 14 : i64} {
  func.func @_tc_mm_body(%arg0: i32, %arg1: memref<2000x128xf32, #tpu.memory_space<vmem>>, %arg2: memref<128x128xf32, #tpu.memory_space<vmem>>, %arg3: memref<2000x128xf32, #tpu.memory_space<vmem>>) attributes {dimension_semantics = [#tpu.dimension_semantics<arbitrary>], iteration_bounds = array<i64: 5>, scalar_prefetch = 0 : i64, scratch_operands = 0 : i64, tpu.core_type = #tpu.core_type<tc>, window_params = [{transform_indices = @transform_0, window_bounds = array<i64: 2000, 128>}, {pipeline_mode = #tpu.pipeline_mode<synchronous>, transform_indices = @transform_1, window_bounds = array<i64: 128, 128>}, {transform_indices = @transform_2, window_bounds = array<i64: 2000, 128>}]} {
    %get3A = arith.constant 0 : index
    %get3A_0 = arith.constant 0 : index
    %get3A_1 = vector.load %arg1[%get3A, %get3A_0] : memref<2000x128xf32, #tpu.memory_space<vmem>>, vector<2000x128xf32>
    %get3A_2 = arith.constant 0 : index
    %get3A_3 = arith.constant 0 : index
    %get3A_4 = vector.load %arg2[%get3A_2, %get3A_3] : memref<128x128xf32, #tpu.memory_space<vmem>>, vector<128x128xf32>
    %dot_general3A = arith.constant dense<0.000000e+00> : vector<2000x128xf32>
    %dot_general3A_5 = tpu.matmul %get3A_1, %get3A_4, %dot_general3A {dimension_numbers = #tpu.dot_dimension_numbers<[1], [0], [0], [1], [0, 0, 1, 1], [], []>, transpose_lhs_hint = false} : vector<2000x128xf32>, vector<128x128xf32>, vector<2000x128xf32> -> vector<2000x128xf32>
    %swap3A = arith.constant 0 : index
    %swap3A_6 = arith.constant 0 : index
    %swap3A_7 = vector.load %arg3[%swap3A, %swap3A_6] : memref<2000x128xf32, #tpu.memory_space<vmem>>, vector<2000x128xf32>
    tpu.vector_store %arg3[%swap3A, %swap3A_6], %dot_general3A_5 {strides = array<i32>} : memref<2000x128xf32, #tpu.memory_space<vmem>>, vector<2000x128xf32>,
    return
  }
  func.func @transform_0(%arg0: i32) -> (i32, i32) {
    %c0_i32 = arith.constant 0 : i32
    %c0_i32_0 = arith.constant 0 : i32
    return %arg0, %c0_i32 : i32, i32
  }
  func.func @transform_1(%arg0: i32) -> (i32, i32) {
    %c0_i32 = arith.constant 0 : i32
    %c0_i32_0 = arith.constant 0 : i32
    %c0_i32_1 = arith.constant 0 : i32
    return %c0_i32, %c0_i32_0 : i32, i32
  }
  func.func @transform_2(%arg0: i32) -> (i32, i32) {
    %c0_i32 = arith.constant 0 : i32
    %c0_i32_0 = arith.constant 0 : i32
    return %arg0, %c0_i32 : i32, i32
  }
}

module attributes {stable_mosaic.version = 14 : i64} {
  func.func @_tc_a_body(%arg0: i32, %arg1: memref<2000x128xf32, #tpu.memory_space<vmem>>, %arg2: memref<2x2000x16xf32, #tpu.memory_space<vmem>>, %arg3: memref<2000x64xf32, #tpu.memory_space<vmem>>, %arg4: memref<2000x64xf32, #tpu.memory_space<vmem>>) attributes {dimension_semantics = [#tpu.dimension_semantics<arbitrary>], iteration_bounds = array<i64: 5>, scalar_prefetch = 0 : i64, scratch_operands = 0 : i64, tpu.core_type = #tpu.core_type<tc>, window_params = [{transform_indices = @transform_0, window_bounds = array<i64: 2000, 128>}, {transform_indices = @transform_1, window_bounds = array<i64: 2, 2000, 16>}, {transform_indices = @transform_2, window_bounds = array<i64: 2000, 64>}, {transform_indices = @transform_3, window_bounds = array<i64: 2000, 64>}]} {
    %get3A = arith.constant 0 : index
    %get3A_0 = arith.constant 0 : index
    %get3A_1 = vector.load %arg1[%get3A, %get3A_0] : memref<2000x128xf32, #tpu.memory_space<vmem>>, vector<2000x128xf32>
    %get3A_2 = arith.constant 0 : index
    %get3A_3 = arith.constant 0 : index
    %get3A_4 = arith.constant 0 : index
    %get3A_5 = vector.load %arg2[%get3A_2, %get3A_3, %get3A_4] : memref<2x2000x16xf32, #tpu.memory_space<vmem>>, vector<1x2000x1xf32>
    %get3A_6 = vector.shape_cast %get3A_5 : vector<1x2000x1xf32> to vector<2000xf32>
    %add3A = arith.constant 1.000000e+00 : f32
    %add3A_7 = vector.broadcast %add3A : f32 to vector<2000xf32>
    %add3A_8 = arith.addf %add3A_7, %get3A_6 : vector<2000xf32>
    %get3A_9 = arith.constant 1 : index
    %get3A_10 = arith.constant 0 : index
    %get3A_11 = arith.constant 0 : index
    %get3A_12 = vector.load %arg2[%get3A_9, %get3A_10, %get3A_11] : memref<2x2000x16xf32, #tpu.memory_space<vmem>>, vector<1x2000x1xf32>
    %get3A_13 = vector.shape_cast %get3A_12 : vector<1x2000x1xf32> to vector<2000xf32>
    %add3A_14 = arith.addf %add3A_8, %get3A_13 : vector<2000xf32>
    %rsqrt3A = math.rsqrt %add3A_14 : vector<2000xf32>
    %broadcast_in_dim3A = vector.shape_cast %rsqrt3A : vector<2000xf32> to vector<2000x1xf32>
    %mul3A = vector.broadcast %broadcast_in_dim3A : vector<2000x1xf32> to vector<2000x128xf32>
    %mul3A_15 = arith.mulf %get3A_1, %mul3A : vector<2000x128xf32>
    %slice3A = vector.extract_strided_slice %mul3A_15 {offsets = [0, 0], sizes = [2000, 64], strides = [1, 1]} : vector<2000x128xf32> to vector<2000x64xf32>
    %swap3A = arith.constant 0 : index
    %swap3A_16 = arith.constant 0 : index
    %swap3A_17 = vector.load %arg3[%swap3A, %swap3A_16] : memref<2000x64xf32, #tpu.memory_space<vmem>>, vector<2000x64xf32>
    tpu.vector_store %arg3[%swap3A, %swap3A_16], %slice3A {strides = array<i32>} : memref<2000x64xf32, #tpu.memory_space<vmem>>, vector<2000x64xf32>,
    %slice3A_18 = vector.extract_strided_slice %mul3A_15 {offsets = [0, 64], sizes = [2000, 64], strides = [1, 1]} : vector<2000x128xf32> to vector<2000x64xf32>
    %swap3A_19 = arith.constant 0 : index
    %swap3A_20 = arith.constant 0 : index
    %swap3A_21 = vector.load %arg4[%swap3A_19, %swap3A_20] : memref<2000x64xf32, #tpu.memory_space<vmem>>, vector<2000x64xf32>
    tpu.vector_store %arg4[%swap3A_19, %swap3A_20], %slice3A_18 {strides = array<i32>} : memref<2000x64xf32, #tpu.memory_space<vmem>>, vector<2000x64xf32>,
    return
  }
  func.func @transform_0(%arg0: i32) -> (i32, i32) {
    %c0_i32 = arith.constant 0 : i32
    %c0_i32_0 = arith.constant 0 : i32
    return %arg0, %c0_i32 : i32, i32
  }
  func.func @transform_1(%arg0: i32) -> (i32, i32, i32) {
    %c0_i32 = arith.constant 0 : i32
    %c0_i32_0 = arith.constant 0 : i32
    %c0_i32_1 = arith.constant 0 : i32
    return %c0_i32, %arg0, %c0_i32_0 : i32, i32, i32
  }
  func.func @transform_2(%arg0: i32) -> (i32, i32) {
    %c0_i32 = arith.constant 0 : i32
    %c0_i32_0 = arith.constant 0 : i32
    return %arg0, %c0_i32 : i32, i32
  }
  func.func @transform_3(%arg0: i32) -> (i32, i32) {
    %c0_i32 = arith.constant 0 : i32
    %c0_i32_0 = arith.constant 0 : i32
    return %arg0, %c0_i32 : i32, i32
  }
}

module attributes {stable_mosaic.version = 14 : i64} {
  func.func @_tc_mid_body(%arg0: i32, %arg1: memref<2x2000x16xf32, #tpu.memory_space<vmem>>, %arg2: memref<2x2000x64xf32, #tpu.memory_space<vmem>>, %arg3: memref<2000x64xf32, #tpu.memory_space<vmem>>, %arg4: memref<2000x64xf32, #tpu.memory_space<vmem>>, %arg5: memref<1x128xf32, #tpu.memory_space<vmem>>, %arg6: memref<128x128xf32, #tpu.memory_space<vmem>>, %arg7: memref<2000x64xf32, #tpu.memory_space<vmem>>, %arg8: memref<2000x64xf32, #tpu.memory_space<vmem>>) attributes {dimension_semantics = [#tpu.dimension_semantics<arbitrary>], iteration_bounds = array<i64: 5>, scalar_prefetch = 0 : i64, scratch_operands = 0 : i64, tpu.core_type = #tpu.core_type<tc>, window_params = [{transform_indices = @transform_0, window_bounds = array<i64: 2, 2000, 16>}, {transform_indices = @transform_1, window_bounds = array<i64: 2, 2000, 64>}, {transform_indices = @transform_2, window_bounds = array<i64: 2000, 64>}, {transform_indices = @transform_3, window_bounds = array<i64: 2000, 64>}, {pipeline_mode = #tpu.pipeline_mode<synchronous>, transform_indices = @transform_4, window_bounds = array<i64: 1, 128>}, {pipeline_mode = #tpu.pipeline_mode<synchronous>, transform_indices = @transform_5, window_bounds = array<i64: 128, 128>}, {transform_indices = @transform_6, window_bounds = array<i64: 2000, 64>}, {transform_indices = @transform_7, window_bounds = array<i64: 2000, 64>}]} {
    %get3A = arith.constant 0 : index
    %get3A_0 = arith.constant 0 : index
    %get3A_1 = arith.constant 0 : index
    %get3A_2 = vector.load %arg1[%get3A, %get3A_0, %get3A_1] : memref<2x2000x16xf32, #tpu.memory_space<vmem>>, vector<1x2000x1xf32>
    %get3A_3 = vector.shape_cast %get3A_2 : vector<1x2000x1xf32> to vector<2000xf32>
    %add3A = arith.constant 1.000000e+00 : f32
    %add3A_4 = vector.broadcast %add3A : f32 to vector<2000xf32>
    %add3A_5 = arith.addf %add3A_4, %get3A_3 : vector<2000xf32>
    %get3A_6 = arith.constant 1 : index
    %get3A_7 = arith.constant 0 : index
    %get3A_8 = arith.constant 0 : index
    %get3A_9 = vector.load %arg1[%get3A_6, %get3A_7, %get3A_8] : memref<2x2000x16xf32, #tpu.memory_space<vmem>>, vector<1x2000x1xf32>
    %get3A_10 = vector.shape_cast %get3A_9 : vector<1x2000x1xf32> to vector<2000xf32>
    %add3A_11 = arith.addf %add3A_5, %get3A_10 : vector<2000xf32>
    %rsqrt3A = math.rsqrt %add3A_11 : vector<2000xf32>
    %broadcast_in_dim3A = vector.shape_cast %rsqrt3A : vector<2000xf32> to vector<2000x1xf32>
    %get3A_12 = arith.constant 0 : index
    %get3A_13 = arith.constant 0 : index
    %get3A_14 = arith.constant 0 : index
    %get3A_15 = vector.load %arg2[%get3A_12, %get3A_13, %get3A_14] : memref<2x2000x64xf32, #tpu.memory_space<vmem>>, vector<1x2000x64xf32>
    %get3A_16 = vector.shape_cast %get3A_15 : vector<1x2000x64xf32> to vector<2000x64xf32>
    %get3A_17 = arith.constant 0 : index
    %get3A_18 = arith.constant 0 : index
    %get3A_19 = vector.load %arg3[%get3A_17, %get3A_18] : memref<2000x64xf32, #tpu.memory_space<vmem>>, vector<2000x64xf32>
    %add3A_20 = arith.addf %get3A_16, %get3A_19 : vector<2000x64xf32>
    %get3A_21 = arith.constant 1 : index
    %get3A_22 = arith.constant 0 : index
    %get3A_23 = arith.constant 0 : index
    %get3A_24 = vector.load %arg2[%get3A_21, %get3A_22, %get3A_23] : memref<2x2000x64xf32, #tpu.memory_space<vmem>>, vector<1x2000x64xf32>
    %get3A_25 = vector.shape_cast %get3A_24 : vector<1x2000x64xf32> to vector<2000x64xf32>
    %get3A_26 = arith.constant 0 : index
    %get3A_27 = arith.constant 0 : index
    %get3A_28 = vector.load %arg4[%get3A_26, %get3A_27] : memref<2000x64xf32, #tpu.memory_space<vmem>>, vector<2000x64xf32>
    %add3A_29 = arith.addf %get3A_25, %get3A_28 : vector<2000x64xf32>
    %concatenate3A = tpu.concatenate %add3A_20, %add3A_29 in 1 : vector<2000x64xf32>, vector<2000x64xf32> -> vector<2000x128xf32>
    %mul3A = vector.broadcast %broadcast_in_dim3A : vector<2000x1xf32> to vector<2000x128xf32>
    %mul3A_30 = arith.mulf %concatenate3A, %mul3A : vector<2000x128xf32>
    %get3A_31 = arith.constant 0 : index
    %get3A_32 = arith.constant 0 : index
    %get3A_33 = vector.load %arg5[%get3A_31, %get3A_32] : memref<1x128xf32, #tpu.memory_space<vmem>>, vector<1x128xf32>
    %add3A_34 = vector.broadcast %get3A_33 : vector<1x128xf32> to vector<2000x128xf32>
    %add3A_35 = arith.addf %mul3A_30, %add3A_34 : vector<2000x128xf32>
    %max3A = arith.constant 0.000000e+00 : f32
    %max3A_36 = vector.broadcast %max3A : f32 to vector<2000x128xf32>
    %max3A_37 = arith.maximumf %add3A_35, %max3A_36 : vector<2000x128xf32>
    %get3A_38 = arith.constant 0 : index
    %get3A_39 = arith.constant 0 : index
    %get3A_40 = vector.load %arg6[%get3A_38, %get3A_39] : memref<128x128xf32, #tpu.memory_space<vmem>>, vector<128x128xf32>
    %dot_general3A = arith.constant dense<0.000000e+00> : vector<2000x128xf32>
    %dot_general3A_41 = tpu.matmul %max3A_37, %get3A_40, %dot_general3A {dimension_numbers = #tpu.dot_dimension_numbers<[1], [0], [0], [1], [0, 0, 1, 1], [], []>, transpose_lhs_hint = false} : vector<2000x128xf32>, vector<128x128xf32>, vector<2000x128xf32> -> vector<2000x128xf32>
    %mul3A_42 = vector.broadcast %broadcast_in_dim3A : vector<2000x1xf32> to vector<2000x128xf32>
    %mul3A_43 = arith.mulf %dot_general3A_41, %mul3A_42 : vector<2000x128xf32>
    %slice3A = vector.extract_strided_slice %mul3A_43 {offsets = [0, 0], sizes = [2000, 64], strides = [1, 1]} : vector<2000x128xf32> to vector<2000x64xf32>
    %swap3A = arith.constant 0 : index
    %swap3A_44 = arith.constant 0 : index
    %swap3A_45 = vector.load %arg7[%swap3A, %swap3A_44] : memref<2000x64xf32, #tpu.memory_space<vmem>>, vector<2000x64xf32>
    tpu.vector_store %arg7[%swap3A, %swap3A_44], %slice3A {strides = array<i32>} : memref<2000x64xf32, #tpu.memory_space<vmem>>, vector<2000x64xf32>,
    %slice3A_46 = vector.extract_strided_slice %mul3A_43 {offsets = [0, 64], sizes = [2000, 64], strides = [1, 1]} : vector<2000x128xf32> to vector<2000x64xf32>
    %swap3A_47 = arith.constant 0 : index
    %swap3A_48 = arith.constant 0 : index
    %swap3A_49 = vector.load %arg8[%swap3A_47, %swap3A_48] : memref<2000x64xf32, #tpu.memory_space<vmem>>, vector<2000x64xf32>
    tpu.vector_store %arg8[%swap3A_47, %swap3A_48], %slice3A_46 {strides = array<i32>} : memref<2000x64xf32, #tpu.memory_space<vmem>>, vector<2000x64xf32>,
    return
  }
  func.func @transform_0(%arg0: i32) -> (i32, i32, i32) {
    %c0_i32 = arith.constant 0 : i32
    %c0_i32_0 = arith.constant 0 : i32
    %c0_i32_1 = arith.constant 0 : i32
    return %c0_i32, %arg0, %c0_i32_0 : i32, i32, i32
  }
  func.func @transform_1(%arg0: i32) -> (i32, i32, i32) {
    %c0_i32 = arith.constant 0 : i32
    %c0_i32_0 = arith.constant 0 : i32
    %c0_i32_1 = arith.constant 0 : i32
    return %c0_i32, %arg0, %c0_i32_0 : i32, i32, i32
  }
  func.func @transform_2(%arg0: i32) -> (i32, i32) {
    %c0_i32 = arith.constant 0 : i32
    %c0_i32_0 = arith.constant 0 : i32
    return %arg0, %c0_i32 : i32, i32
  }
  func.func @transform_3(%arg0: i32) -> (i32, i32) {
    %c0_i32 = arith.constant 0 : i32
    %c0_i32_0 = arith.constant 0 : i32
    return %arg0, %c0_i32 : i32, i32
  }
  func.func @transform_4(%arg0: i32) -> (i32, i32) {
    %c0_i32 = arith.constant 0 : i32
    %c0_i32_0 = arith.constant 0 : i32
    %c0_i32_1 = arith.constant 0 : i32
    return %c0_i32, %c0_i32_0 : i32, i32
  }
  func.func @transform_5(%arg0: i32) -> (i32, i32) {
    %c0_i32 = arith.constant 0 : i32
    %c0_i32_0 = arith.constant 0 : i32
    %c0_i32_1 = arith.constant 0 : i32
    return %c0_i32, %c0_i32_0 : i32, i32
  }
  func.func @transform_6(%arg0: i32) -> (i32, i32) {
    %c0_i32 = arith.constant 0 : i32
    %c0_i32_0 = arith.constant 0 : i32
    return %arg0, %c0_i32 : i32, i32
  }
  func.func @transform_7(%arg0: i32) -> (i32, i32) {
    %c0_i32 = arith.constant 0 : i32
    %c0_i32_0 = arith.constant 0 : i32
    return %arg0, %c0_i32 : i32, i32
  }
}

module attributes {stable_mosaic.version = 14 : i64} {
  func.func @_tc_out_body(%arg0: i32, %arg1: memref<2x2000x16xf32, #tpu.memory_space<vmem>>, %arg2: memref<2x2000x64xf32, #tpu.memory_space<vmem>>, %arg3: memref<2000x64xf32, #tpu.memory_space<vmem>>, %arg4: memref<2000x64xf32, #tpu.memory_space<vmem>>, %arg5: memref<1x128xf32, #tpu.memory_space<vmem>>, %arg6: memref<128x7xf32, #tpu.memory_space<vmem>>, %arg7: memref<1x7xf32, #tpu.memory_space<vmem>>, %arg8: memref<2000x7xf32, #tpu.memory_space<vmem>>) attributes {dimension_semantics = [#tpu.dimension_semantics<arbitrary>], iteration_bounds = array<i64: 5>, scalar_prefetch = 0 : i64, scratch_operands = 0 : i64, tpu.core_type = #tpu.core_type<tc>, window_params = [{transform_indices = @transform_0, window_bounds = array<i64: 2, 2000, 16>}, {transform_indices = @transform_1, window_bounds = array<i64: 2, 2000, 64>}, {transform_indices = @transform_2, window_bounds = array<i64: 2000, 64>}, {transform_indices = @transform_3, window_bounds = array<i64: 2000, 64>}, {pipeline_mode = #tpu.pipeline_mode<synchronous>, transform_indices = @transform_4, window_bounds = array<i64: 1, 128>}, {pipeline_mode = #tpu.pipeline_mode<synchronous>, transform_indices = @transform_5, window_bounds = array<i64: 128, 7>}, {pipeline_mode = #tpu.pipeline_mode<synchronous>, transform_indices = @transform_6, window_bounds = array<i64: 1, 7>}, {transform_indices = @transform_7, window_bounds = array<i64: 2000, 7>}]} {
    %get3A = arith.constant 0 : index
    %get3A_0 = arith.constant 0 : index
    %get3A_1 = arith.constant 0 : index
    %get3A_2 = vector.load %arg1[%get3A, %get3A_0, %get3A_1] : memref<2x2000x16xf32, #tpu.memory_space<vmem>>, vector<1x2000x1xf32>
    %get3A_3 = vector.shape_cast %get3A_2 : vector<1x2000x1xf32> to vector<2000xf32>
    %add3A = arith.constant 1.000000e+00 : f32
    %add3A_4 = vector.broadcast %add3A : f32 to vector<2000xf32>
    %add3A_5 = arith.addf %add3A_4, %get3A_3 : vector<2000xf32>
    %get3A_6 = arith.constant 1 : index
    %get3A_7 = arith.constant 0 : index
    %get3A_8 = arith.constant 0 : index
    %get3A_9 = vector.load %arg1[%get3A_6, %get3A_7, %get3A_8] : memref<2x2000x16xf32, #tpu.memory_space<vmem>>, vector<1x2000x1xf32>
    %get3A_10 = vector.shape_cast %get3A_9 : vector<1x2000x1xf32> to vector<2000xf32>
    %add3A_11 = arith.addf %add3A_5, %get3A_10 : vector<2000xf32>
    %rsqrt3A = math.rsqrt %add3A_11 : vector<2000xf32>
    %broadcast_in_dim3A = vector.shape_cast %rsqrt3A : vector<2000xf32> to vector<2000x1xf32>
    %get3A_12 = arith.constant 0 : index
    %get3A_13 = arith.constant 0 : index
    %get3A_14 = arith.constant 0 : index
    %get3A_15 = vector.load %arg2[%get3A_12, %get3A_13, %get3A_14] : memref<2x2000x64xf32, #tpu.memory_space<vmem>>, vector<1x2000x64xf32>
    %get3A_16 = vector.shape_cast %get3A_15 : vector<1x2000x64xf32> to vector<2000x64xf32>
    %get3A_17 = arith.constant 0 : index
    %get3A_18 = arith.constant 0 : index
    %get3A_19 = vector.load %arg3[%get3A_17, %get3A_18] : memref<2000x64xf32, #tpu.memory_space<vmem>>, vector<2000x64xf32>
    %add3A_20 = arith.addf %get3A_16, %get3A_19 : vector<2000x64xf32>
    %get3A_21 = arith.constant 1 : index
    %get3A_22 = arith.constant 0 : index
    %get3A_23 = arith.constant 0 : index
    %get3A_24 = vector.load %arg2[%get3A_21, %get3A_22, %get3A_23] : memref<2x2000x64xf32, #tpu.memory_space<vmem>>, vector<1x2000x64xf32>
    %get3A_25 = vector.shape_cast %get3A_24 : vector<1x2000x64xf32> to vector<2000x64xf32>
    %get3A_26 = arith.constant 0 : index
    %get3A_27 = arith.constant 0 : index
    %get3A_28 = vector.load %arg4[%get3A_26, %get3A_27] : memref<2000x64xf32, #tpu.memory_space<vmem>>, vector<2000x64xf32>
    %add3A_29 = arith.addf %get3A_25, %get3A_28 : vector<2000x64xf32>
    %concatenate3A = tpu.concatenate %add3A_20, %add3A_29 in 1 : vector<2000x64xf32>, vector<2000x64xf32> -> vector<2000x128xf32>
    %mul3A = vector.broadcast %broadcast_in_dim3A : vector<2000x1xf32> to vector<2000x128xf32>
    %mul3A_30 = arith.mulf %concatenate3A, %mul3A : vector<2000x128xf32>
    %get3A_31 = arith.constant 0 : index
    %get3A_32 = arith.constant 0 : index
    %get3A_33 = vector.load %arg5[%get3A_31, %get3A_32] : memref<1x128xf32, #tpu.memory_space<vmem>>, vector<1x128xf32>
    %add3A_34 = vector.broadcast %get3A_33 : vector<1x128xf32> to vector<2000x128xf32>
    %add3A_35 = arith.addf %mul3A_30, %add3A_34 : vector<2000x128xf32>
    %max3A = arith.constant 0.000000e+00 : f32
    %max3A_36 = vector.broadcast %max3A : f32 to vector<2000x128xf32>
    %max3A_37 = arith.maximumf %add3A_35, %max3A_36 : vector<2000x128xf32>
    %get3A_38 = arith.constant 0 : index
    %get3A_39 = arith.constant 0 : index
    %get3A_40 = vector.load %arg6[%get3A_38, %get3A_39] : memref<128x7xf32, #tpu.memory_space<vmem>>, vector<128x7xf32>
    %dot_general3A = arith.constant dense<0.000000e+00> : vector<2000x7xf32>
    %dot_general3A_41 = tpu.matmul %max3A_37, %get3A_40, %dot_general3A {dimension_numbers = #tpu.dot_dimension_numbers<[1], [0], [0], [1], [0, 0, 1, 1], [], []>, transpose_lhs_hint = false} : vector<2000x128xf32>, vector<128x7xf32>, vector<2000x7xf32> -> vector<2000x7xf32>
    %get3A_42 = arith.constant 0 : index
    %get3A_43 = arith.constant 0 : index
    %get3A_44 = vector.load %arg7[%get3A_42, %get3A_43] : memref<1x7xf32, #tpu.memory_space<vmem>>, vector<1x7xf32>
    %add3A_45 = vector.broadcast %get3A_44 : vector<1x7xf32> to vector<2000x7xf32>
    %add3A_46 = arith.addf %dot_general3A_41, %add3A_45 : vector<2000x7xf32>
    %swap3A = arith.constant 0 : index
    %swap3A_47 = arith.constant 0 : index
    %swap3A_48 = vector.load %arg8[%swap3A, %swap3A_47] : memref<2000x7xf32, #tpu.memory_space<vmem>>, vector<2000x7xf32>
    tpu.vector_store %arg8[%swap3A, %swap3A_47], %add3A_46 {strides = array<i32>} : memref<2000x7xf32, #tpu.memory_space<vmem>>, vector<2000x7xf32>,
    return
  }
  func.func @transform_0(%arg0: i32) -> (i32, i32, i32) {
    %c0_i32 = arith.constant 0 : i32
    %c0_i32_0 = arith.constant 0 : i32
    %c0_i32_1 = arith.constant 0 : i32
    return %c0_i32, %arg0, %c0_i32_0 : i32, i32, i32
  }
  func.func @transform_1(%arg0: i32) -> (i32, i32, i32) {
    %c0_i32 = arith.constant 0 : i32
    %c0_i32_0 = arith.constant 0 : i32
    %c0_i32_1 = arith.constant 0 : i32
    return %c0_i32, %arg0, %c0_i32_0 : i32, i32, i32
  }
  func.func @transform_2(%arg0: i32) -> (i32, i32) {
    %c0_i32 = arith.constant 0 : i32
    %c0_i32_0 = arith.constant 0 : i32
    return %arg0, %c0_i32 : i32, i32
  }
  func.func @transform_3(%arg0: i32) -> (i32, i32) {
    %c0_i32 = arith.constant 0 : i32
    %c0_i32_0 = arith.constant 0 : i32
    return %arg0, %c0_i32 : i32, i32
  }
  func.func @transform_4(%arg0: i32) -> (i32, i32) {
    %c0_i32 = arith.constant 0 : i32
    %c0_i32_0 = arith.constant 0 : i32
    %c0_i32_1 = arith.constant 0 : i32
    return %c0_i32, %c0_i32_0 : i32, i32
  }
  func.func @transform_5(%arg0: i32) -> (i32, i32) {
    %c0_i32 = arith.constant 0 : i32
    %c0_i32_0 = arith.constant 0 : i32
    %c0_i32_1 = arith.constant 0 : i32
    return %c0_i32, %c0_i32_0 : i32, i32
  }
  func.func @transform_6(%arg0: i32) -> (i32, i32) {
    %c0_i32 = arith.constant 0 : i32
    %c0_i32_0 = arith.constant 0 : i32
    %c0_i32_1 = arith.constant 0 : i32
    return %c0_i32, %c0_i32_0 : i32, i32
  }
  func.func @transform_7(%arg0: i32) -> (i32, i32) {
    %c0_i32 = arith.constant 0 : i32
    %c0_i32_0 = arith.constant 0 : i32
    return %arg0, %c0_i32 : i32, i32
  }
}

</mosaic_0001>

<sc_bundles>
// kernel: kernel.12.cloned.1.call-start
scs
__scs_entry_jumppad:
0x0: {  	(pc) =	sbr.rel $0x88, $3  }
0x1: {  	(tag) =	ssettag $0x0;
	lr =	simm.s32 $0x1  }
0x2: {  	[smem:$0x3F99] =	sst lr;
	_ =	strace $0xD0000000  }
0x3: {  	_ = 	snop  }
0x4: {  	_ = 	snop  }
0x5: {  	_ = 	snop  }
0x6: {  	_ = 	snop  }
0x7: {  	_ = 	snop  }
__scs_overlays_trampoline_lowered:
0x8: {  	[smem:$0x3FA8] =	sst s0  }
0x9: {  	[smem:$0x3FA9] =	sst s1  }
0xa: {  	[smem:$0x3FAA] =	sst s2  }
0xb: {  	[smem:$0x3FAB] =	sst s3  }
0xc: {  	[smem:$0x3FAC] =	sst s4  }
0xd: {  	[smem:$0x3FAD] =	sst s5  }
0xe: {  	[smem:$0x3FAE] =	sst s6  }
0xf: {  	[smem:$0x3FAF] =	sst s7  }
0x10: {  	[smem:$0x3FB0] =	sst s8  }
0x11: {  	[smem:$0x3FB1] =	sst s9;
	s0 =	simm.s32 @!p0 $0x0  }
0x12: {  	s1 =	sld [smem:$0x3F97];
	s0 =	simm.s32 @p0 $0x1  }
0x13: {  	[smem:$0x3FB2] =	sst s0;
	s0 =	simm.s32 @!p1 $0x0  }
0x14: {  	s2 =	sld [smem:$0x3F96];
	s0 =	simm.s32 @p1 $0x1  }
0x15: {  	[smem:$0x3FB3] =	sst s0;
	s0 =	simm.s32 @!p2 $0x0  }
0x16: {  	s3 =	sld [smem:$0x3FDB];
	s0 =	simm.s32 @p2 $0x1  }
0x17: {  	s4 =	simm.s32 $0x1BF5;
	[smem:$0x3FB5] =	sst s0  }
0x18: {  	s0 =	sld [smem:$0x3F98];
	_ =	swait.ge [sflag:s4], $0x0  }
0x19: {  	s7 =	sld [smem:$0x3F99]  }
0x1a: {  	s8 =	sadd.s32 $0xFFFFE003, lr  }
0x1b: {  	s9 =	sadd.s32 $0xFFFFFEF7, lr;
	s5 =	simm.s32 $0xFFFFFFFF;
	p2 =	slt.u32 s8, $0xFFFFF086  }
0x1c: {  	p1 =	slt.u32 s9, $0xF7A;
	s5 =	simm.s32 @!p2 $0x0  }
0x1d: {  	s5 =	simm.s32 @p1 $0x1;
	p0 =	seq.s32 s7, s2  }
0x1e: {  	s7 =	smul.u32 @!p0 $0xF7A, s2;
	p2 =	seq.s32 @!p0 s5, $0x0  }
0x1f: {  	s9 =	smul.u32 $0xF7A, s1;
	s8 =	simm.s32 @!p0 $0x1BF5;
	p2 =	por !p2, p0  }
0x20: {  	[sflag:s8] =	ssyncset.s32 @!p0 $0xFFFFF086;
	s6 =	sadd.s32 @!p0 s3, s7;
	s7 =	simm.s32 @!p0 $0x108  }
0x21: {  	s3 =	sadd.s32 s3, s9;
	s6 =	sadd.s32 @!p0 $0x88, s6;
	s7 =	simm.s32 @p2 $0x1082  }
0x22: {  	[simem:s7], [sflag:s8] =	dma.local @!p0 [hbm:s6], $0xF7A  }
0x23: {  	s9 =	sor.u32 $0xD0000000, s2;
	s6 =	simm.s32 $0x108;
	_ =	swait.ge @!p0 [sflag:s8], $0x0  }
0x24: {  	s3 =	sadd.s32 $0x88, s3;
	s6 =	simm.s32 @!p1 $0x1082;
	[sflag:s4] =	ssyncset.s32 $0xFFFFF086  }
0x25: {  	[simem:s6], [sflag:s4] =	dma.local [hbm:s3], $0xF7A  }
0x26: {  	[smem:$0x3F99] =	sst s1;
	(tag) =	ssettag s2;
	_ =	strace s9  }
0x27: {  	s1 =	sld [smem:$0x3FA9]  }
0x28: {  	s2 =	sld [smem:$0x3FAA]  }
0x29: {  	s4 =	sld [smem:$0x3FAC]  }
0x2a: {  	p0 =	seq.s32 s5, $0x0;
	s5 =	sld [smem:$0x3FAD]  }
0x2b: {  	s6 =	sld [smem:$0x3FAE]  }
0x2c: {  	s7 =	sld [smem:$0x3FAF]  }
0x2d: {  	s3 =	simm.s32 $0x108;
	s8 =	sld [smem:$0x3FB0]  }
0x2e: {  	s3 =	simm.s32 @!p0 $0x1082;
	s9 =	sld [smem:$0x3FB1]  }
0x2f: {  	lr =	sadd.s32 s0, s3;
	s0 =	sld [smem:$0x3FA8]  }
0x30: {  	s3 =	sld [smem:$0x3FAB]  }
0x31: {  	[smem:$0x3FB4] =	sst s10  }
0x32: {  	s10 =	sld [smem:$0x3FB2];
	_ =	sdelay $0x3  }
0x33: {  	p0 =	seq.s32 s10, $0x1;
	s10 =	sld [smem:$0x3FB4];
	_ =	sdelay $0x3  }
0x34: {  	[smem:$0x3FB4] =	sst s10  }
0x35: {  	s10 =	sld [smem:$0x3FB3];
	_ =	sdelay $0x3  }
0x36: {  	p1 =	seq.s32 s10, $0x1;
	s10 =	sld [smem:$0x3FB4];
	_ =	sdelay $0x3  }
0x37: {  	[smem:$0x3FB4] =	sst s10  }
0x38: {  	s10 =	sld [smem:$0x3FB5]  }
0x39: {  	_ = 	snop;
	(pc) =	sbr.ind lr, $3  }
0x3a: {  	_ = 	snop  }
0x3b: {  	_ = 	snop  }
0x3c: {  	p2 =	seq.s32 s10, $0x1;
	s10 =	sld [smem:$0x3FB4]  }
0x3d: {  	_ =	shalt  }
0x3e: {  	_ =	shalt  }
0x3f: {  	_ =	shalt  }
0x40: {  	_ =	shalt  }
0x41: {  	_ =	shalt  }
0x42: {  	_ =	shalt  }
0x43: {  	_ =	shalt  }
0x44: {  	_ =	shalt  }
0x45: {  	_ =	shalt  }
0x46: {  	_ =	shalt  }
0x47: {  	_ =	shalt  }
0x48: {  	_ =	shalt  }
0x49: {  	_ =	shalt  }
0x4a: {  	_ =	shalt  }
0x4b: {  	_ =	shalt  }
0x4c: {  	_ =	shalt  }
0x4d: {  	_ =	shalt  }
0x4e: {  	_ =	shalt  }
0x4f: {  	_ =	shalt  }
0x50: {  	_ =	shalt  }
0x51: {  	_ =	shalt  }
0x52: {  	_ =	shalt  }
0x53: {  	_ =	shalt  }
0x54: {  	_ =	shalt  }
0x55: {  	_ =	shalt  }
0x56: {  	_ =	shalt  }
0x57: {  	_ =	shalt  }
0x58: {  	_ =	shalt  }
0x59: {  	_ =	shalt  }
0x5a: {  	_ =	shalt  }
0x5b: {  	_ =	shalt  }
0x5c: {  	_ =	shalt  }
0x5d: {  	_ =	shalt  }
0x5e: {  	_ =	shalt  }
0x5f: {  	_ =	shalt  }
0x60: {  	_ =	shalt  }
0x61: {  	_ =	shalt  }
0x62: {  	_ =	shalt  }
0x63: {  	_ =	shalt  }
0x64: {  	_ =	shalt  }
0x65: {  	_ =	shalt  }
0x66: {  	_ =	shalt  }
0x67: {  	_ =	shalt  }
0x68: {  	_ =	shalt  }
0x69: {  	_ =	shalt  }
0x6a: {  	_ =	shalt  }
0x6b: {  	_ =	shalt  }
0x6c: {  	_ =	shalt  }
0x6d: {  	_ =	shalt  }
0x6e: {  	_ =	shalt  }
0x6f: {  	_ =	shalt  }
0x70: {  	_ =	shalt  }
0x71: {  	_ =	shalt  }
0x72: {  	_ =	shalt  }
0x73: {  	_ =	shalt  }
0x74: {  	_ =	shalt  }
0x75: {  	_ =	shalt  }
0x76: {  	_ =	shalt  }
0x77: {  	_ =	shalt  }
0x78: {  	_ =	shalt  }
0x79: {  	_ =	shalt  }
0x7a: {  	_ =	shalt  }
0x7b: {  	_ =	shalt  }
0x7c: {  	_ =	shalt  }
0x7d: {  	_ =	shalt  }
0x7e: {  	_ =	shalt  }
0x7f: {  	_ =	shalt  }
0x80: {  	_ =	shalt  }
0x81: {  	_ =	shalt  }
0x82: {  	_ =	shalt  }
0x83: {  	_ =	shalt  }
0x84: {  	_ =	shalt  }
0x85: {  	_ =	shalt  }
0x86: {  	_ =	shalt  }
0x87: {  	_ =	shalt  }
.Lfunc_end0:
.L_simem_size_0:
called_computation.1_lowered:
.L_overlay_start_0:
0x88: {  	s2 =	sld [smem:$0x3FD9]  }
0x89: {  	s3 =	sld [smem:$0x3FFE];
	_ =	sdelay $0x1  }
0x8a: {  	s1 =	srdreg.scid  }
0x8b: {  	s0 =	sand.u32 $0x1, s1  }
0x8c: {  	s17 =	sshll.u32 s0, $0xA;
	s2 =	sadd.s32 s3, s2  }
0x8d: {  	s2 =	sadd.s32 s2, s17  }
0x8e: {  	[smem:$0x3FC0] =	sst s2  }
0x8f: {  	_ = 	snop  }
0x90: {  	s2 =	sld [smem:$0x3FD0];
	(tm) =	ssettm $0x1  }
0x91: {  	s18 =	sld [smem:$0x3FFB];
	_ =	sdelay $0x3  }
0x92: {  	_ =	strace s18  }
0x93: {  	s3 =	sld [smem:$0x3FFC];
	_ =	sdelay $0x3  }
0x94: {  	_ =	strace s3  }
0x95: {  	s3 =	sld [smem:$0x3FFD];
	_ =	sdelay $0x3  }
0x96: {  	_ =	strace s3  }
0x97: {  	_ =	strace $0x8FFFFFFF  }
0x98: {  	s19 =	sld [smem:$0x3FDB];
	_ =	sdelay $0x1  }
0x99: {  	s4 =	simm.s32 $_scs_section_size  }
0x9a: {  	s5 =	simm.s32 $_size__tile_overlayer_lowered;
	s6 =	simm.s32 $_tile_overlayer_lowered  }
0x9b: {  	s22 =	simm.s32 $0x1BFF;
	s21 =	sshll.u32 s6, $0x1;
	s3 =	sadd.s32 s4, s19  }
0x9c: {  	s7 =	simm.s32 $0x0;
	s20 =	sshll.u32 s5, $0x1;
	s5 =	sadd.s32 s21, s3  }
0x9d: {  	[timem:s7], [sflag:s22] =	dma.local [hbm:s5], s20  }
0x9e: {  	_ =	swait.ge [sflag:s22], s20  }
0x9f: {  	s4 =	ssub.s32 $0x0, s20;
	[sflag:s22] =	ssyncset.done $0x0  }
0xa0: {  	[sflag:s22] =	ssyncadd.s32 s4;
	_ =	sdelay $0x1  }
0xa1: {  	s23 =	simm.s32 $0x1B8B  }
0xa2: {  	_ =	swait.ge [sflag:s23], $0x1  }
0xa3: {  	[sflag:s23] =	ssyncset.done $0x0  }
0xa4: {  	s25 =	simm.s32 $0x1B8E;
	s24 =	sld [smem:$0x3FFE];
	[sflag:s23] =	ssyncadd.s32 $0xFFFFFFFF  }
0xa5: {  	s26 =	simm.s32 $execute0_lowered;
	[smem:$0x3FD2] =	sst s25  }
0xa6: {  	s5 =	sshll.u32 s26, $0x1;
	_ =	strace $0x80000049;
	[dreg:$0x1] =	wrdreg $0xFFFFFFFF  }
0xa7: {  	s28 =	simm.s32 $_size_execute0_lowered;
	s3 =	sadd.s32 s3, s5;
	[dreg:$0x0] =	wrdreg $0x0  }
0xa8: {  	s5 =	sshll.u32 s28, $0x1;
	[dreg:$0x2] =	wrdreg s3  }
0xa9: {  	[dreg:$0x3] =	wrdreg s5  }
0xaa: {  	[dreg:$0x4] =	wrdreg $0xC0  }
0xab: {  	_ =	task [dreg:s7], $0x5FFFF  }
0xac: {  	[dreg:$0x1] =	wrdreg $0xFFFFFFFF  }
0xad: {  	[dreg:$0x0] =	wrdreg $0x60  }
0xae: {  	[dreg:$0x2] =	wrdreg s24  }
0xaf: {  	[dreg:$0x3] =	wrdreg s2  }
0xb0: {  	[dreg:$0x4] =	wrdreg $0x11D000  }
0xb1: {  	[dreg:$0x5] =	wrdreg $0x9  }
0xb2: {  	_ =	task.clear_ibuf [dreg:s7], $0x6FFFF;
	_ =	strace $0x90000049  }
0xb3: {  	s29 =	simm.s32 $0x9;
	_ =	strace $0x8000004B  }
0xb4: {  	_ =	swait.ge [sflag:s29], $0x1  }
0xb5: {  	[sflag:s29] =	ssyncadd.s32 $0xFFFFFFFF  }
0xb6: {  	_ =	strace $0x9000004B  }
0xb7: {  	_ =	sfence  }
0xb8: {  	s30 =	sld [smem:$0x0];
	_ =	sdelay $0x2  }
0xb9: {  	s31 =	sshll.u32 s1, $0xD;
	s1 =	sshrl.u32 s1, $0x2  }
0xba: {  	s3 =	sand.u32 $0x4000, s31;
	s1 =	sadd.s32 s1, s30  }
0xbb: {  	s0 =	sor.u32 s3, s0;
	s1 =	sshll.u32 s1, $0x11  }
0xbc: {  	s0 =	sor.u32 s1, s0  }
0xbd: {  	s0 =	sadd.s32 $0x8F2B, s0  }
0xbe: {  	[sflag:s0] =	ssyncadd.remote.s32 $0x1  }
0xbf: {  	_ =	sfence.sel $0xFFFF  }
0xc0: {  	[dreg:$0x0] =	wrdreg $0xFFFFFFFF;
	(pc) =	sbr.abs _section_cstart, $3  }
0xc1: {  	[dreg:$0x1] =	wrdreg $0xFFFFFFFF  }
0xc2: {  	_ =	task.clear_ibuf [dreg:s7], $0x2FFFF;
	_ =	strace $0x9FFFFFFF  }
0xc3: {  	(tm) =	ssettm $0x7FFFFFFF  }
tec
execute0_lowered:
.L_overlay_start_1:
0x0: {  	(tag) =	ssettag $0x1  }
0x1: {  	s0 =	rddreg [dreg:$0x0]  }
0x2: {  	s3 =	rddreg [dreg:$0x2]  }
0x3: {  	s20 =	stileid.u32;
	s2 =	srdreg.scid;
	s4 =	simm.s32 $0x0  }
0x4: {  	s13 =	simm.s32 $0x5;
	s17 =	simm.s32 $0x80;
	s18 =	simm.s32 $0x9D00  }
0x5: {  	s19 =	simm.s32 $0xBD00;
	s21 =	simm.s32 $0xDD00;
	s22 =	simm.s32 $0x180  }
0x6: {  	s23 =	simm.s32 $0xFD00;
	s28 =	simm.s32 $0x4;
	s29 =	simm.s32 $0x9A80  }
0x7: {  	s30 =	simm.s32 $0x9B00;
	s31 =	simm.s32 $0x9B80;
	s1 =	smul.u32 $0x9C, s20  }
0x8: {  	s2 =	sand.u32 $0x1, s2;
	s9 =	smul.u32 $0xA000, s20;
	[smem:$0x7FF] =	sst s4  }
0x9: {  	s5 =	sadd.s32 $0x83A00, s0;
	s8 =	smin.u32 s20, $0x4;
	s6 =	sadd.s32 $0x70000, s0  }
0xa: {  	p1 =	sgt.u32 s20, $0x3;
	s26 =	sshll.u32 s20, $0x6;
	p2 =	slt.u32 s20, $0x4  }
0xb: {  	s7 =	smul.u32 $0xA0000, s2;
	_ =	strace $0x8000004A;
	s24 =	ssub.s32 $0x2, s2  }
0xc: {  	p0 =	seq.s32 s2, $0x1;
	s15 =	sor.u32 $0x1C05, s26;
	s26 =	simm.s32 $0x3  }
0xd: {  	s1 =	sadd.s32 s8, s1;
	s25 =	sshrl.u32 s24, $0x1;
	s14 =	sadd.s32 s9, s3  }
0xe: {  	s7 =	sadd.s32 s9, s7;
	s1 =	sshll.u32 s1, $0x4;
	s12 =	ssub.s32 s24, s25  }
.Ltmp0:
0xf: {  	s16 =	sshrl.u32 s14, $0x3;
	s24 =	simm.s32 $0x1;
	(pc) =	sbr.rel .LBB2_1-.Ltmp0, $4  }
0x10: {  	s25 =	simm.s32 $0x2;
	s7 =	sshrl.u32 s7, $0x3;
	s1 =	sadd.s32 s1, s0  }
0x11: {  	s12 =	smax.u32 s12, $0x1;
	s0 =	sadd.s32 s7, s0;
	s7 =	sadd.s32 $0x2400, s1  }
0x12: {  	s8 =	sadd.s32 $0xC040, s1;
	s9 =	sadd.s32 $0x2DC0, s1;
	s10 =	sadd.s32 $0xCA00, s1  }
0x13: {  	s1 =	simm.s32 $0x0;
	s11 =	sadd.s32 $0x97400, s0;
	s0 =	simm.s32 $0x9C00  }
.LBB2_8:
0x14: {  	_ =	swait.ge [sflag:s24], $0x2000  }
0x15: {  	[sflag:s24] =	ssyncset.done $0x0  }
0x16: {  	s2 =	simm.s32 $0x9C80;
	[sflag:s24] =	ssyncadd.s32 $0xFFFFE000  }
0x17: {  	[spmem:s3] =	stream.indirect.scatter.add.f32 [tilespmem:s18], [sflag:$0x5], $0x40, s2, s17, $0xb8;
	[tilespmem:$0x1BD00] =	vst v63  }
0x18: {  	_ =	swait.ge [sflag:s13], $0x2000  }
0x19: {  	[sflag:s13] =	ssyncset.done $0x0  }
0x1a: {  	[sflag:s13] =	ssyncadd.s32 $0xFFFFE000  }
.LBB2_9:
0x1b: {  	s1 =	sadd.s32 $0x1, s1  }
0x1c: {  	p3 =	sne.s32 s1, s12  }
.Ltmp1:
0x1d: {  	[bflag:$0x0] =	sbarrier.arrive $0xFFFF;
	(pc) =	sbr.rel @!p3 .LBB2_10-.Ltmp1, $4  }
0x1e: {  	[hbm:s11], [sflag:s15] =	dma.local [spmem:s16], $0x1400  }
0x1f: {  	_ =	swait.ge [sflag:s13], $0x1400  }
0x20: {  	[sflag:s13] =	ssyncset.done $0x0  }
0x21: {  	[sflag:s13] =	ssyncadd.s32 $0xFFFFEC00  }
.LBB2_1:
0x22: {  	[tilespmem:s4], [sflag:$0x5] =	stream.linear.gather [hbm4b:s7+s4], $0x4E00, $0x38;
	[tilespmem:$0x1BD00] =	vst v63  }
0x23: {  	_ =	swait.ge [sflag:s13], $0x4E00  }
0x24: {  	[sflag:s13] =	ssyncset.done $0x0  }
0x25: {  	s2 =	simm.s32 $0x4E80;
	[sflag:s13] =	ssyncadd.s32 $0xFFFFB200  }
0x26: {  	[tilespmem:s2], [sflag:$0x5] =	stream.linear.gather [hbm4b:s8+s4], $0x4E00, $0x38;
	[tilespmem:$0x1BD00] =	vst v63  }
0x27: {  	_ =	swait.ge [sflag:s13], $0x4E00  }
0x28: {  	[sflag:s13] =	ssyncset.done $0x0  }
0x29: {  	[sflag:s13] =	ssyncadd.s32 $0xFFFFB200  }
0x2a: {  	s20 =	rddreg [dreg:$0x1]  }
0x2b: {  	[spmem:s16], [sflag:s15] =	dma.local [hbm:s20], $0x1400  }
0x2c: {  	_ =	swait.ge [sflag:s13], $0x1400  }
0x2d: {  	[sflag:s13] =	ssyncset.done $0x0  }
0x2e: {  	s14 =	simm.s32 @!p1 $0x4E00;
	s2 =	simm.s32 @!p1 $0x0;
	[sflag:s13] =	ssyncadd.s32 $0xFFFFEC00  }
0x2f: {  	[tilespmem:s14], [sflag:$0x5] =	stream.linear.gather @!p1 [hbm4b:s9+s2], $0x80, $0x38;
	[tilespmem:$0x1BD00] =	vst v63  }
0x30: {  	s14 =	simm.s32 @!p1 $0x5  }
0x31: {  	_ =	swait.ge @!p1 [sflag:s14], $0x80  }
0x32: {  	[sflag:s14] =	ssyncset.done @!p1 $0x0  }
0x33: {  	s20 =	simm.s32 @!p1 $0x9C80;
	[sflag:s14] =	ssyncadd.s32 @!p1 $0xFFFFFF80  }
0x34: {  	[tilespmem:s20], [sflag:$0x5] =	stream.linear.gather @!p1 [hbm4b:s10+s2], $0x80, $0x38;
	[tilespmem:$0x1BD00] =	vst v63  }
.Ltmp2:
0x35: {  	_ =	swait.ge @!p1 [sflag:s14], $0x80;
	(pc) =	sbr.rel @!p0 .LBB2_2-.Ltmp2, $4  }
0x36: {  	[sflag:s14] =	ssyncset.done @!p1 $0x0  }
0x37: {  	[sflag:s14] =	ssyncadd.s32 @!p1 $0xFFFFFF80  }
0x38: {  	[bflag:$0x0] =	sbarrier.arrive $0xFFFF  }
0x39: {  	s2 =	simm.s32 $0x0  }
0x3a: {  	[tilespmem:s18], [sflag:$0x1] =	stream.indirect.gather [hbm4b:s6+s17], $0x40, s2, s17, $0xb8;
	[tilespmem:$0x1BD00] =	vst v63  }
0x3b: {  	_ = 	snop  }
0x3c: {  	[tilespmem:s19], [sflag:$0x2] =	stream.indirect.gather [hbm4b:s6+s17], $0x40, s17, s17, $0xb8;
	[tilespmem:$0x1BD00] =	vst v63  }
0x3d: {  	s14 =	simm.s32 $0x100  }
0x3e: {  	[tilespmem:s21], [sflag:$0x3] =	stream.indirect.gather [hbm4b:s6+s17], $0x40, s14, s17, $0xb8;
	[tilespmem:$0x1BD00] =	vst v63  }
0x3f: {  	_ = 	snop  }
0x40: {  	[tilespmem:s23], [sflag:$0x4] =	stream.indirect.gather [hbm4b:s6+s17], $0x40, s22, s17, $0xb8;
	[tilespmem:$0x1BD00] =	vst v63  }
0x41: {  	_ =	swait.ge [sflag:s24], $0x2000  }
0x42: {  	[sflag:s24] =	ssyncset.done $0x0  }
0x43: {  	s20 =	simm.s32 $0x4E80;
	[sflag:s24] =	ssyncadd.s32 $0xFFFFE000  }
0x44: {  	[spmem:s3] =	stream.indirect.scatter.add.f32 [tilespmem:s18], [sflag:$0x5], $0x40, s20, s17, $0xb8;
	[tilespmem:$0x1BD00] =	vst v63  }
0x45: {  	_ =	swait.ge [sflag:s13], $0x2000  }
0x46: {  	[sflag:s13] =	ssyncset.done $0x0  }
0x47: {  	s14 =	simm.s32 $0x200;
	[sflag:s13] =	ssyncadd.s32 $0xFFFFE000  }
0x48: {  	[tilespmem:s18], [sflag:$0x1] =	stream.indirect.gather [hbm4b:s6+s17], $0x40, s14, s17, $0xb8;
	[tilespmem:$0x1BD00] =	vst v63  }
0x49: {  	_ =	swait.ge [sflag:s25], $0x2000  }
0x4a: {  	[sflag:s25] =	ssyncset.done $0x0  }
0x4b: {  	s20 =	simm.s32 $0x4F00;
	[sflag:s25] =	ssyncadd.s32 $0xFFFFE000  }
0x4c: {  	[spmem:s3] =	stream.indirect.scatter.add.f32 [tilespmem:s19], [sflag:$0x5], $0x40, s20, s17, $0xb8;
	[tilespmem:$0x1BD00] =	vst v63  }
0x4d: {  	_ =	swait.ge [sflag:s13], $0x2000  }
0x4e: {  	[sflag:s13] =	ssyncset.done $0x0  }
0x4f: {  	s14 =	simm.s32 $0x280;
	[sflag:s13] =	ssyncadd.s32 $0xFFFFE000  }
0x50: {  	[tilespmem:s19], [sflag:$0x2] =	stream.indirect.gather [hbm4b:s6+s17], $0x40, s14, s17, $0xb8;
	[tilespmem:$0x1BD00] =	vst v63  }
0x51: {  	_ =	swait.ge [sflag:s26], $0x2000  }
0x52: {  	[sflag:s26] =	ssyncset.done $0x0  }
0x53: {  	s20 =	simm.s32 $0x4F80;
	[sflag:s26] =	ssyncadd.s32 $0xFFFFE000  }
0x54: {  	[spmem:s3] =	stream.indirect.scatter.add.f32 [tilespmem:s21], [sflag:$0x5], $0x40, s20, s17, $0xb8;
	[tilespmem:$0x1BD00] =	vst v63  }
0x55: {  	_ =	swait.ge [sflag:s13], $0x2000  }
0x56: {  	[sflag:s13] =	ssyncset.done $0x0  }
0x57: {  	s14 =	simm.s32 $0x300;
	[sflag:s13] =	ssyncadd.s32 $0xFFFFE000  }
0x58: {  	[tilespmem:s21], [sflag:$0x3] =	stream.indirect.gather [hbm4b:s6+s17], $0x40, s14, s17, $0xb8;
	[tilespmem:$0x1BD00] =	vst v63  }
0x59: {  	_ =	swait.ge [sflag:s28], $0x2000  }
0x5a: {  	[sflag:s28] =	ssyncset.done $0x0  }
0x5b: {  	s20 =	simm.s32 $0x5000;
	[sflag:s28] =	ssyncadd.s32 $0xFFFFE000  }
0x5c: {  	[spmem:s3] =	stream.indirect.scatter.add.f32 [tilespmem:s23], [sflag:$0x5], $0x40, s20, s17, $0xb8;
	[tilespmem:$0x1BD00] =	vst v63  }
0x5d: {  	_ =	swait.ge [sflag:s13], $0x2000  }
0x5e: {  	[sflag:s13] =	ssyncset.done $0x0  }
0x5f: {  	s2 =	simm.s32 $0x800;
	s14 =	simm.s32 $0x380;
	[sflag:s13] =	ssyncadd.s32 $0xFFFFE000  }
.LBB2_6:
0x60: {  	[tilespmem:s23], [sflag:$0x4] =	stream.indirect.gather [hbm4b:s6+s17], $0x40, s14, s17, $0xb8;
	[tilespmem:$0x1BD00] =	vst v63  }
0x61: {  	s14 =	smov.u32 s2  }
0x62: {  	p3 =	sne.s32 s2, $0x12800;
	s2 =	sadd.s32 $0x800, s2;
	_ =	swait.ge [sflag:s24], $0x2000  }
0x63: {  	s14 =	sshra.s32 s14, $0x2;
	[sflag:s24] =	ssyncset.done $0x0  }
0x64: {  	s20 =	sadd.s32 $0x4E80, s14;
	[sflag:s24] =	ssyncadd.s32 $0xFFFFE000  }
0x65: {  	[spmem:s3] =	stream.indirect.scatter.add.f32 [tilespmem:s18], [sflag:$0x5], $0x40, s20, s17, $0xb8;
	[tilespmem:$0x1BD00] =	vst v63  }
0x66: {  	_ =	swait.ge [sflag:s13], $0x2000  }
0x67: {  	[sflag:s13] =	ssyncset.done $0x0  }
0x68: {  	s20 =	sadd.s32 $0x200, s14;
	[sflag:s13] =	ssyncadd.s32 $0xFFFFE000  }
0x69: {  	[tilespmem:s18], [sflag:$0x1] =	stream.indirect.gather [hbm4b:s6+s17], $0x40, s20, s17, $0xb8;
	[tilespmem:$0x1BD00] =	vst v63  }
0x6a: {  	_ =	swait.ge [sflag:s25], $0x2000  }
0x6b: {  	[sflag:s25] =	ssyncset.done $0x0  }
0x6c: {  	s20 =	sadd.s32 $0x4F00, s14;
	[sflag:s25] =	ssyncadd.s32 $0xFFFFE000  }
0x6d: {  	[spmem:s3] =	stream.indirect.scatter.add.f32 [tilespmem:s19], [sflag:$0x5], $0x40, s20, s17, $0xb8;
	[tilespmem:$0x1BD00] =	vst v63  }
0x6e: {  	_ =	swait.ge [sflag:s13], $0x2000  }
0x6f: {  	[sflag:s13] =	ssyncset.done $0x0  }
0x70: {  	s20 =	sadd.s32 $0x280, s14;
	[sflag:s13] =	ssyncadd.s32 $0xFFFFE000  }
0x71: {  	[tilespmem:s19], [sflag:$0x2] =	stream.indirect.gather [hbm4b:s6+s17], $0x40, s20, s17, $0xb8;
	[tilespmem:$0x1BD00] =	vst v63  }
0x72: {  	_ =	swait.ge [sflag:s26], $0x2000  }
0x73: {  	[sflag:s26] =	ssyncset.done $0x0  }
0x74: {  	s20 =	sadd.s32 $0x4F80, s14;
	[sflag:s26] =	ssyncadd.s32 $0xFFFFE000  }
0x75: {  	[spmem:s3] =	stream.indirect.scatter.add.f32 [tilespmem:s21], [sflag:$0x5], $0x40, s20, s17, $0xb8;
	[tilespmem:$0x1BD00] =	vst v63  }
0x76: {  	_ =	swait.ge [sflag:s13], $0x2000  }
0x77: {  	[sflag:s13] =	ssyncset.done $0x0  }
0x78: {  	s20 =	sadd.s32 $0x300, s14;
	[sflag:s13] =	ssyncadd.s32 $0xFFFFE000  }
0x79: {  	[tilespmem:s21], [sflag:$0x3] =	stream.indirect.gather [hbm4b:s6+s17], $0x40, s20, s17, $0xb8;
	[tilespmem:$0x1BD00] =	vst v63  }
0x7a: {  	_ =	swait.ge [sflag:s28], $0x2000  }
0x7b: {  	[sflag:s28] =	ssyncset.done $0x0  }
.Ltmp3:
0x7c: {  	s20 =	sadd.s32 $0x5000, s14;
	[sflag:s28] =	ssyncadd.s32 $0xFFFFE000;
	(pc) =	sbr.rel @p3 .LBB2_6-.Ltmp3, $4  }
0x7d: {  	[spmem:s3] =	stream.indirect.scatter.add.f32 [tilespmem:s23], [sflag:$0x5], $0x40, s20, s17, $0xb8;
	[tilespmem:$0x1BD00] =	vst v63  }
0x7e: {  	_ =	swait.ge [sflag:s13], $0x2000  }
0x7f: {  	[sflag:s13] =	ssyncset.done $0x0  }
0x80: {  	s14 =	sadd.s32 $0x380, s14;
	[sflag:s13] =	ssyncadd.s32 $0xFFFFE000  }
0x81: {  	[tilespmem:s23], [sflag:$0x4] =	stream.indirect.gather [hbm4b:s6+s17], $0x40, s14, s17, $0xb8;
	[tilespmem:$0x1BD00] =	vst v63  }
0x82: {  	_ =	swait.ge [sflag:s24], $0x2000  }
0x83: {  	[sflag:s24] =	ssyncset.done $0x0  }
0x84: {  	[sflag:s24] =	ssyncadd.s32 $0xFFFFE000  }
0x85: {  	[spmem:s3] =	stream.indirect.scatter.add.f32 [tilespmem:s18], [sflag:$0x5], $0x40, s29, s17, $0xb8;
	[tilespmem:$0x1BD00] =	vst v63  }
0x86: {  	_ =	swait.ge [sflag:s13], $0x2000  }
0x87: {  	s2 =	simm.s32 @!p1 $0x80;
	[sflag:s13] =	ssyncset.done $0x0  }
0x88: {  	s14 =	simm.s32 @!p1 $0x4E00;
	s20 =	simm.s32 @!p1 $0x9D00;
	[sflag:s13] =	ssyncadd.s32 $0xFFFFE000  }
0x89: {  	[tilespmem:s20], [sflag:$0x1] =	stream.indirect.gather @!p1 [hbm4b:s6+s2], $0x40, s14, s2, $0xb8;
	[tilespmem:$0x1BD00] =	vst v63  }
0x8a: {  	_ =	swait.ge [sflag:s25], $0x2000  }
0x8b: {  	[sflag:s25] =	ssyncset.done $0x0  }
0x8c: {  	[sflag:s25] =	ssyncadd.s32 $0xFFFFE000  }
0x8d: {  	[spmem:s3] =	stream.indirect.scatter.add.f32 [tilespmem:s19], [sflag:$0x5], $0x40, s30, s17, $0xb8;
	[tilespmem:$0x1BD00] =	vst v63  }
0x8e: {  	_ =	swait.ge [sflag:s13], $0x2000  }
0x8f: {  	[sflag:s13] =	ssyncset.done $0x0  }
0x90: {  	[sflag:s13] =	ssyncadd.s32 $0xFFFFE000  }
0x91: {  	_ =	swait.ge [sflag:s26], $0x2000  }
0x92: {  	[sflag:s26] =	ssyncset.done $0x0  }
0x93: {  	[sflag:s26] =	ssyncadd.s32 $0xFFFFE000  }
0x94: {  	[spmem:s3] =	stream.indirect.scatter.add.f32 [tilespmem:s21], [sflag:$0x5], $0x40, s31, s17, $0xb8;
	[tilespmem:$0x1BD00] =	vst v63  }
0x95: {  	_ =	swait.ge [sflag:s13], $0x2000  }
0x96: {  	[sflag:s13] =	ssyncset.done $0x0  }
0x97: {  	[sflag:s13] =	ssyncadd.s32 $0xFFFFE000  }
0x98: {  	_ =	swait.ge [sflag:s28], $0x2000  }
0x99: {  	[sflag:s28] =	ssyncset.done $0x0  }
0x9a: {  	[sflag:s28] =	ssyncadd.s32 $0xFFFFE000  }
0x9b: {  	[spmem:s3] =	stream.indirect.scatter.add.f32 [tilespmem:s23], [sflag:$0x5], $0x40, s0, s17, $0xb8;
	[tilespmem:$0x1BD00] =	vst v63  }
.Ltmp4:
0x9c: {  	_ = 	snop;
	(pc) =	sbr.rel @p1 .LBB2_9-.Ltmp4, $4  }
.Ltmp5:
0x9d: {  	_ = 	snop;
	(pc) =	sbr.rel @!p1 .LBB2_8-.Ltmp5, $4  }
0x9e: {  	_ =	swait.ge [sflag:s13], $0x2000  }
0x9f: {  	[sflag:s13] =	ssyncset.done $0x0  }
0xa0: {  	[sflag:s13] =	ssyncadd.s32 $0xFFFFE000  }
0xa1: {  	_ = 	snop  }
.LBB2_2:
0xa2: {  	[tilespmem:s18], [sflag:$0x1] =	stream.indirect.gather [hbm4b:s5+s17], $0x40, s2, s17, $0xb8;
	[tilespmem:$0x1BD00] =	vst v63  }
0xa3: {  	_ = 	snop  }
0xa4: {  	[tilespmem:s19], [sflag:$0x2] =	stream.indirect.gather [hbm4b:s5+s17], $0x40, s17, s17, $0xb8;
	[tilespmem:$0x1BD00] =	vst v63  }
0xa5: {  	s14 =	simm.s32 $0x100  }
0xa6: {  	[tilespmem:s21], [sflag:$0x3] =	stream.indirect.gather [hbm4b:s5+s17], $0x40, s14, s17, $0xb8;
	[tilespmem:$0x1BD00] =	vst v63  }
0xa7: {  	_ = 	snop  }
0xa8: {  	[tilespmem:s23], [sflag:$0x4] =	stream.indirect.gather [hbm4b:s5+s17], $0x40, s22, s17, $0xb8;
	[tilespmem:$0x1BD00] =	vst v63  }
0xa9: {  	_ =	swait.ge [sflag:s24], $0x2000  }
0xaa: {  	[sflag:s24] =	ssyncset.done $0x0  }
0xab: {  	s20 =	simm.s32 $0x4E80;
	[sflag:s24] =	ssyncadd.s32 $0xFFFFE000  }
0xac: {  	[spmem:s3] =	stream.indirect.scatter.add.f32 [tilespmem:s18], [sflag:$0x5], $0x40, s20, s17, $0xb8;
	[tilespmem:$0x1BD00] =	vst v63  }
0xad: {  	_ =	swait.ge [sflag:s13], $0x2000  }
0xae: {  	[sflag:s13] =	ssyncset.done $0x0  }
0xaf: {  	s14 =	simm.s32 $0x200;
	[sflag:s13] =	ssyncadd.s32 $0xFFFFE000  }
0xb0: {  	[tilespmem:s18], [sflag:$0x1] =	stream.indirect.gather [hbm4b:s5+s17], $0x40, s14, s17, $0xb8;
	[tilespmem:$0x1BD00] =	vst v63  }
0xb1: {  	_ =	swait.ge [sflag:s25], $0x2000  }
0xb2: {  	[sflag:s25] =	ssyncset.done $0x0  }
0xb3: {  	s20 =	simm.s32 $0x4F00;
	[sflag:s25] =	ssyncadd.s32 $0xFFFFE000  }
0xb4: {  	[spmem:s3] =	stream.indirect.scatter.add.f32 [tilespmem:s19], [sflag:$0x5], $0x40, s20, s17, $0xb8;
	[tilespmem:$0x1BD00] =	vst v63  }
0xb5: {  	_ =	swait.ge [sflag:s13], $0x2000  }
0xb6: {  	[sflag:s13] =	ssyncset.done $0x0  }
0xb7: {  	s14 =	simm.s32 $0x280;
	[sflag:s13] =	ssyncadd.s32 $0xFFFFE000  }
0xb8: {  	[tilespmem:s19], [sflag:$0x2] =	stream.indirect.gather [hbm4b:s5+s17], $0x40, s14, s17, $0xb8;
	[tilespmem:$0x1BD00] =	vst v63  }
0xb9: {  	_ =	swait.ge [sflag:s26], $0x2000  }
0xba: {  	[sflag:s26] =	ssyncset.done $0x0  }
0xbb: {  	s20 =	simm.s32 $0x4F80;
	[sflag:s26] =	ssyncadd.s32 $0xFFFFE000  }
0xbc: {  	[spmem:s3] =	stream.indirect.scatter.add.f32 [tilespmem:s21], [sflag:$0x5], $0x40, s20, s17, $0xb8;
	[tilespmem:$0x1BD00] =	vst v63  }
0xbd: {  	_ =	swait.ge [sflag:s13], $0x2000  }
0xbe: {  	[sflag:s13] =	ssyncset.done $0x0  }
0xbf: {  	s14 =	simm.s32 $0x300;
	[sflag:s13] =	ssyncadd.s32 $0xFFFFE000  }
0xc0: {  	[tilespmem:s21], [sflag:$0x3] =	stream.indirect.gather [hbm4b:s5+s17], $0x40, s14, s17, $0xb8;
	[tilespmem:$0x1BD00] =	vst v63  }
0xc1: {  	_ =	swait.ge [sflag:s28], $0x2000  }
0xc2: {  	[sflag:s28] =	ssyncset.done $0x0  }
0xc3: {  	s20 =	simm.s32 $0x5000;
	[sflag:s28] =	ssyncadd.s32 $0xFFFFE000  }
0xc4: {  	[spmem:s3] =	stream.indirect.scatter.add.f32 [tilespmem:s23], [sflag:$0x5], $0x40, s20, s17, $0xb8;
	[tilespmem:$0x1BD00] =	vst v63  }
0xc5: {  	_ =	swait.ge [sflag:s13], $0x2000  }
0xc6: {  	[sflag:s13] =	ssyncset.done $0x0  }
0xc7: {  	s2 =	simm.s32 $0x800;
	s14 =	simm.s32 $0x380;
	[sflag:s13] =	ssyncadd.s32 $0xFFFFE000  }
.LBB2_3:
0xc8: {  	[tilespmem:s23], [sflag:$0x4] =	stream.indirect.gather [hbm4b:s5+s17], $0x40, s14, s17, $0xb8;
	[tilespmem:$0x1BD00] =	vst v63  }
0xc9: {  	s14 =	smov.u32 s2  }
0xca: {  	p3 =	sne.s32 s2, $0x12800;
	s2 =	sadd.s32 $0x800, s2;
	_ =	swait.ge [sflag:s24], $0x2000  }
0xcb: {  	s14 =	sshra.s32 s14, $0x2;
	[sflag:s24] =	ssyncset.done $0x0  }
0xcc: {  	s20 =	sadd.s32 $0x4E80, s14;
	[sflag:s24] =	ssyncadd.s32 $0xFFFFE000  }
0xcd: {  	[spmem:s3] =	stream.indirect.scatter.add.f32 [tilespmem:s18], [sflag:$0x5], $0x40, s20, s17, $0xb8;
	[tilespmem:$0x1BD00] =	vst v63  }
0xce: {  	_ =	swait.ge [sflag:s13], $0x2000  }
0xcf: {  	[sflag:s13] =	ssyncset.done $0x0  }
0xd0: {  	s20 =	sadd.s32 $0x200, s14;
	[sflag:s13] =	ssyncadd.s32 $0xFFFFE000  }
0xd1: {  	[tilespmem:s18], [sflag:$0x1] =	stream.indirect.gather [hbm4b:s5+s17], $0x40, s20, s17, $0xb8;
	[tilespmem:$0x1BD00] =	vst v63  }
0xd2: {  	_ =	swait.ge [sflag:s25], $0x2000  }
0xd3: {  	[sflag:s25] =	ssyncset.done $0x0  }
0xd4: {  	s20 =	sadd.s32 $0x4F00, s14;
	[sflag:s25] =	ssyncadd.s32 $0xFFFFE000  }
0xd5: {  	[spmem:s3] =	stream.indirect.scatter.add.f32 [tilespmem:s19], [sflag:$0x5], $0x40, s20, s17, $0xb8;
	[tilespmem:$0x1BD00] =	vst v63  }
0xd6: {  	_ =	swait.ge [sflag:s13], $0x2000  }
0xd7: {  	[sflag:s13] =	ssyncset.done $0x0  }
0xd8: {  	s20 =	sadd.s32 $0x280, s14;
	[sflag:s13] =	ssyncadd.s32 $0xFFFFE000  }
0xd9: {  	[tilespmem:s19], [sflag:$0x2] =	stream.indirect.gather [hbm4b:s5+s17], $0x40, s20, s17, $0xb8;
	[tilespmem:$0x1BD00] =	vst v63  }
0xda: {  	_ =	swait.ge [sflag:s26], $0x2000  }
0xdb: {  	[sflag:s26] =	ssyncset.done $0x0  }
0xdc: {  	s20 =	sadd.s32 $0x4F80, s14;
	[sflag:s26] =	ssyncadd.s32 $0xFFFFE000  }
0xdd: {  	[spmem:s3] =	stream.indirect.scatter.add.f32 [tilespmem:s21], [sflag:$0x5], $0x40, s20, s17, $0xb8;
	[tilespmem:$0x1BD00] =	vst v63  }
0xde: {  	_ =	swait.ge [sflag:s13], $0x2000  }
0xdf: {  	[sflag:s13] =	ssyncset.done $0x0  }
0xe0: {  	s20 =	sadd.s32 $0x300, s14;
	[sflag:s13] =	ssyncadd.s32 $0xFFFFE000  }
0xe1: {  	[tilespmem:s21], [sflag:$0x3] =	stream.indirect.gather [hbm4b:s5+s17], $0x40, s20, s17, $0xb8;
	[tilespmem:$0x1BD00] =	vst v63  }
0xe2: {  	_ =	swait.ge [sflag:s28], $0x2000  }
0xe3: {  	[sflag:s28] =	ssyncset.done $0x0  }
.Ltmp6:
0xe4: {  	s20 =	sadd.s32 $0x5000, s14;
	[sflag:s28] =	ssyncadd.s32 $0xFFFFE000;
	(pc) =	sbr.rel @p3 .LBB2_3-.Ltmp6, $4  }
0xe5: {  	[spmem:s3] =	stream.indirect.scatter.add.f32 [tilespmem:s23], [sflag:$0x5], $0x40, s20, s17, $0xb8;
	[tilespmem:$0x1BD00] =	vst v63  }
0xe6: {  	_ =	swait.ge [sflag:s13], $0x2000  }
0xe7: {  	[sflag:s13] =	ssyncset.done $0x0  }
0xe8: {  	s14 =	sadd.s32 $0x380, s14;
	[sflag:s13] =	ssyncadd.s32 $0xFFFFE000  }
0xe9: {  	[tilespmem:s23], [sflag:$0x4] =	stream.indirect.gather [hbm4b:s5+s17], $0x40, s14, s17, $0xb8;
	[tilespmem:$0x1BD00] =	vst v63  }
0xea: {  	_ =	swait.ge [sflag:s24], $0x2000  }
0xeb: {  	[sflag:s24] =	ssyncset.done $0x0  }
0xec: {  	[sflag:s24] =	ssyncadd.s32 $0xFFFFE000  }
0xed: {  	[spmem:s3] =	stream.indirect.scatter.add.f32 [tilespmem:s18], [sflag:$0x5], $0x40, s29, s17, $0xb8;
	[tilespmem:$0x1BD00] =	vst v63  }
0xee: {  	_ =	swait.ge [sflag:s13], $0x2000  }
0xef: {  	s2 =	simm.s32 @!p1 $0x80;
	[sflag:s13] =	ssyncset.done $0x0  }
0xf0: {  	s14 =	simm.s32 @!p1 $0x4E00;
	s20 =	simm.s32 @!p1 $0x9D00;
	[sflag:s13] =	ssyncadd.s32 $0xFFFFE000  }
0xf1: {  	[tilespmem:s20], [sflag:$0x1] =	stream.indirect.gather @!p1 [hbm4b:s5+s2], $0x40, s14, s2, $0xb8;
	[tilespmem:$0x1BD00] =	vst v63  }
0xf2: {  	_ =	swait.ge [sflag:s25], $0x2000  }
0xf3: {  	[sflag:s25] =	ssyncset.done $0x0  }
0xf4: {  	[sflag:s25] =	ssyncadd.s32 $0xFFFFE000  }
0xf5: {  	[spmem:s3] =	stream.indirect.scatter.add.f32 [tilespmem:s19], [sflag:$0x5], $0x40, s30, s17, $0xb8;
	[tilespmem:$0x1BD00] =	vst v63  }
0xf6: {  	_ =	swait.ge [sflag:s13], $0x2000  }
0xf7: {  	[sflag:s13] =	ssyncset.done $0x0  }
0xf8: {  	[sflag:s13] =	ssyncadd.s32 $0xFFFFE000  }
0xf9: {  	_ =	swait.ge [sflag:s26], $0x2000  }
0xfa: {  	[sflag:s26] =	ssyncset.done $0x0  }
0xfb: {  	[sflag:s26] =	ssyncadd.s32 $0xFFFFE000  }
0xfc: {  	[spmem:s3] =	stream.indirect.scatter.add.f32 [tilespmem:s21], [sflag:$0x5], $0x40, s31, s17, $0xb8;
	[tilespmem:$0x1BD00] =	vst v63  }
0xfd: {  	_ =	swait.ge [sflag:s13], $0x2000  }
0xfe: {  	[sflag:s13] =	ssyncset.done $0x0  }
0xff: {  	[sflag:s13] =	ssyncadd.s32 $0xFFFFE000  }
0x100: {  	_ =	swait.ge [sflag:s28], $0x2000  }
0x101: {  	[sflag:s28] =	ssyncset.done $0x0  }
0x102: {  	[sflag:s28] =	ssyncadd.s32 $0xFFFFE000  }
0x103: {  	[spmem:s3] =	stream.indirect.scatter.add.f32 [tilespmem:s23], [sflag:$0x5], $0x40, s0, s17, $0xb8;
	[tilespmem:$0x1BD00] =	vst v63  }
.Ltmp7:
0x104: {  	_ = 	snop;
	(pc) =	sbr.rel @p2 .LBB2_8-.Ltmp7, $4  }
.Ltmp8:
0x105: {  	_ = 	snop;
	(pc) =	sbr.rel @!p2 .LBB2_9-.Ltmp8, $4  }
0x106: {  	_ =	swait.ge [sflag:s13], $0x2000  }
0x107: {  	[sflag:s13] =	ssyncset.done $0x0  }
0x108: {  	[sflag:s13] =	ssyncadd.s32 $0xFFFFE000  }
0x109: {  	_ = 	snop  }
.LBB2_10:
0x10a: {  	_ =	sfence.sel $0x180000  }
0x10b: {  	[bflag:$0x0] =	sbarrier.arrive $0xFFFF  }
0x10c: {  	_ =	strace $0x9000004A  }
0x10d: {  	s0 =	stileid.u32;
	[bflag:$0x2] =	sbarrier.arrive $0xFFFF  }
0x10e: {  	p0 =	sne.s32 s0, $0x0;
	s0 =	rddreg [dreg:$0x3]  }
0x10f: {  	s0 =	sadd.s32 @!p0 $0x100000, s0  }
0x110: {  	[sflag:s0] =	ssyncadd.tile.s32 @!p0 $0x1;
	_ =	shalt  }
.Lfunc_end2:
_tile_overlayer_lowered:
.L_overlay_start_2:
0x111: {  	(tag) =	ssettag $0x2  }
0x112: {  	s0 =	rddreg [dreg:$0x0];
	s2 =	stileid.u32  }
0x113: {  	s1 =	rddreg [dreg:$0x1];
	p0 =	sne.s32 s2, $0x0  }
0x114: {  	s3 =	rddreg [dreg:$0x2];
	[bflag:$0x3] =	sbarrier.arrive $0xFFFF;
	s2 =	simm.s32 @!p0 $0x1C05  }
0x115: {  	[timem:s3], [sflag:s2] =	dma.local @!p0 [hbm:s0], s1  }
0x116: {  	s0 =	simm.s32 @!p0 $0x5  }
0x117: {  	_ =	swait.ge @!p0 [sflag:s0], s1  }
0x118: {  	s1 =	ssub.s32 @!p0 $0x0, s1;
	[sflag:s0] =	ssyncset.done @!p0 $0x0  }
0x119: {  	[sflag:s0] =	ssyncadd.s32 @!p0 s1  }
0x11a: {  	[bflag:$0x3] =	sbarrier.arrive $0xFFFF  }
0x11b: {  	_ =	shalt  }

// kernel: kernel.15.cloned.1.call-start
scs
__scs_entry_jumppad:
0x0: {  	(pc) =	sbr.rel $0x88, $3  }
0x1: {  	(tag) =	ssettag $0x0;
	lr =	simm.s32 $0x1  }
0x2: {  	[smem:$0x3F99] =	sst lr;
	_ =	strace $0xD0000000  }
0x3: {  	_ = 	snop  }
0x4: {  	_ = 	snop  }
0x5: {  	_ = 	snop  }
0x6: {  	_ = 	snop  }
0x7: {  	_ = 	snop  }
__scs_overlays_trampoline_lowered:
0x8: {  	[smem:$0x3FA8] =	sst s0  }
0x9: {  	[smem:$0x3FA9] =	sst s1  }
0xa: {  	[smem:$0x3FAA] =	sst s2  }
0xb: {  	[smem:$0x3FAB] =	sst s3  }
0xc: {  	[smem:$0x3FAC] =	sst s4  }
0xd: {  	[smem:$0x3FAD] =	sst s5  }
0xe: {  	[smem:$0x3FAE] =	sst s6  }
0xf: {  	[smem:$0x3FAF] =	sst s7  }
0x10: {  	[smem:$0x3FB0] =	sst s8  }
0x11: {  	[smem:$0x3FB1] =	sst s9;
	s0 =	simm.s32 @!p0 $0x0  }
0x12: {  	s1 =	sld [smem:$0x3F97];
	s0 =	simm.s32 @p0 $0x1  }
0x13: {  	[smem:$0x3FB2] =	sst s0;
	s0 =	simm.s32 @!p1 $0x0  }
0x14: {  	s2 =	sld [smem:$0x3F96];
	s0 =	simm.s32 @p1 $0x1  }
0x15: {  	[smem:$0x3FB3] =	sst s0;
	s0 =	simm.s32 @!p2 $0x0  }
0x16: {  	s3 =	sld [smem:$0x3FDB];
	s0 =	simm.s32 @p2 $0x1  }
0x17: {  	s4 =	simm.s32 $0x1BF5;
	[smem:$0x3FB5] =	sst s0  }
0x18: {  	s0 =	sld [smem:$0x3F98];
	_ =	swait.ge [sflag:s4], $0x0  }
0x19: {  	s7 =	sld [smem:$0x3F99]  }
0x1a: {  	s8 =	sadd.s32 $0xFFFFE003, lr  }
0x1b: {  	s9 =	sadd.s32 $0xFFFFFEF7, lr;
	s5 =	simm.s32 $0xFFFFFFFF;
	p2 =	slt.u32 s8, $0xFFFFF086  }
0x1c: {  	p1 =	slt.u32 s9, $0xF7A;
	s5 =	simm.s32 @!p2 $0x0  }
0x1d: {  	s5 =	simm.s32 @p1 $0x1;
	p0 =	seq.s32 s7, s2  }
0x1e: {  	s7 =	smul.u32 @!p0 $0xF7A, s2;
	p2 =	seq.s32 @!p0 s5, $0x0  }
0x1f: {  	s9 =	smul.u32 $0xF7A, s1;
	s8 =	simm.s32 @!p0 $0x1BF5;
	p2 =	por !p2, p0  }
0x20: {  	[sflag:s8] =	ssyncset.s32 @!p0 $0xFFFFF086;
	s6 =	sadd.s32 @!p0 s3, s7;
	s7 =	simm.s32 @!p0 $0x108  }
0x21: {  	s3 =	sadd.s32 s3, s9;
	s6 =	sadd.s32 @!p0 $0x88, s6;
	s7 =	simm.s32 @p2 $0x1082  }
0x22: {  	[simem:s7], [sflag:s8] =	dma.local @!p0 [hbm:s6], $0xF7A  }
0x23: {  	s9 =	sor.u32 $0xD0000000, s2;
	s6 =	simm.s32 $0x108;
	_ =	swait.ge @!p0 [sflag:s8], $0x0  }
0x24: {  	s3 =	sadd.s32 $0x88, s3;
	s6 =	simm.s32 @!p1 $0x1082;
	[sflag:s4] =	ssyncset.s32 $0xFFFFF086  }
0x25: {  	[simem:s6], [sflag:s4] =	dma.local [hbm:s3], $0xF7A  }
0x26: {  	[smem:$0x3F99] =	sst s1;
	(tag) =	ssettag s2;
	_ =	strace s9  }
0x27: {  	s1 =	sld [smem:$0x3FA9]  }
0x28: {  	s2 =	sld [smem:$0x3FAA]  }
0x29: {  	s4 =	sld [smem:$0x3FAC]  }
0x2a: {  	p0 =	seq.s32 s5, $0x0;
	s5 =	sld [smem:$0x3FAD]  }
0x2b: {  	s6 =	sld [smem:$0x3FAE]  }
0x2c: {  	s7 =	sld [smem:$0x3FAF]  }
0x2d: {  	s3 =	simm.s32 $0x108;
	s8 =	sld [smem:$0x3FB0]  }
0x2e: {  	s3 =	simm.s32 @!p0 $0x1082;
	s9 =	sld [smem:$0x3FB1]  }
0x2f: {  	lr =	sadd.s32 s0, s3;
	s0 =	sld [smem:$0x3FA8]  }
0x30: {  	s3 =	sld [smem:$0x3FAB]  }
0x31: {  	[smem:$0x3FB4] =	sst s10  }
0x32: {  	s10 =	sld [smem:$0x3FB2];
	_ =	sdelay $0x3  }
0x33: {  	p0 =	seq.s32 s10, $0x1;
	s10 =	sld [smem:$0x3FB4];
	_ =	sdelay $0x3  }
0x34: {  	[smem:$0x3FB4] =	sst s10  }
0x35: {  	s10 =	sld [smem:$0x3FB3];
	_ =	sdelay $0x3  }
0x36: {  	p1 =	seq.s32 s10, $0x1;
	s10 =	sld [smem:$0x3FB4];
	_ =	sdelay $0x3  }
0x37: {  	[smem:$0x3FB4] =	sst s10  }
0x38: {  	s10 =	sld [smem:$0x3FB5]  }
0x39: {  	_ = 	snop;
	(pc) =	sbr.ind lr, $3  }
0x3a: {  	_ = 	snop  }
0x3b: {  	_ = 	snop  }
0x3c: {  	p2 =	seq.s32 s10, $0x1;
	s10 =	sld [smem:$0x3FB4]  }
0x3d: {  	_ =	shalt  }
0x3e: {  	_ =	shalt  }
0x3f: {  	_ =	shalt  }
0x40: {  	_ =	shalt  }
0x41: {  	_ =	shalt  }
0x42: {  	_ =	shalt  }
0x43: {  	_ =	shalt  }
0x44: {  	_ =	shalt  }
0x45: {  	_ =	shalt  }
0x46: {  	_ =	shalt  }
0x47: {  	_ =	shalt  }
0x48: {  	_ =	shalt  }
0x49: {  	_ =	shalt  }
0x4a: {  	_ =	shalt  }
0x4b: {  	_ =	shalt  }
0x4c: {  	_ =	shalt  }
0x4d: {  	_ =	shalt  }
0x4e: {  	_ =	shalt  }
0x4f: {  	_ =	shalt  }
0x50: {  	_ =	shalt  }
0x51: {  	_ =	shalt  }
0x52: {  	_ =	shalt  }
0x53: {  	_ =	shalt  }
0x54: {  	_ =	shalt  }
0x55: {  	_ =	shalt  }
0x56: {  	_ =	shalt  }
0x57: {  	_ =	shalt  }
0x58: {  	_ =	shalt  }
0x59: {  	_ =	shalt  }
0x5a: {  	_ =	shalt  }
0x5b: {  	_ =	shalt  }
0x5c: {  	_ =	shalt  }
0x5d: {  	_ =	shalt  }
0x5e: {  	_ =	shalt  }
0x5f: {  	_ =	shalt  }
0x60: {  	_ =	shalt  }
0x61: {  	_ =	shalt  }
0x62: {  	_ =	shalt  }
0x63: {  	_ =	shalt  }
0x64: {  	_ =	shalt  }
0x65: {  	_ =	shalt  }
0x66: {  	_ =	shalt  }
0x67: {  	_ =	shalt  }
0x68: {  	_ =	shalt  }
0x69: {  	_ =	shalt  }
0x6a: {  	_ =	shalt  }
0x6b: {  	_ =	shalt  }
0x6c: {  	_ =	shalt  }
0x6d: {  	_ =	shalt  }
0x6e: {  	_ =	shalt  }
0x6f: {  	_ =	shalt  }
0x70: {  	_ =	shalt  }
0x71: {  	_ =	shalt  }
0x72: {  	_ =	shalt  }
0x73: {  	_ =	shalt  }
0x74: {  	_ =	shalt  }
0x75: {  	_ =	shalt  }
0x76: {  	_ =	shalt  }
0x77: {  	_ =	shalt  }
0x78: {  	_ =	shalt  }
0x79: {  	_ =	shalt  }
0x7a: {  	_ =	shalt  }
0x7b: {  	_ =	shalt  }
0x7c: {  	_ =	shalt  }
0x7d: {  	_ =	shalt  }
0x7e: {  	_ =	shalt  }
0x7f: {  	_ =	shalt  }
0x80: {  	_ =	shalt  }
0x81: {  	_ =	shalt  }
0x82: {  	_ =	shalt  }
0x83: {  	_ =	shalt  }
0x84: {  	_ =	shalt  }
0x85: {  	_ =	shalt  }
0x86: {  	_ =	shalt  }
0x87: {  	_ =	shalt  }
.Lfunc_end0:
.L_simem_size_0:
called_computation.2_lowered:
.L_overlay_start_0:
0x88: {  	s2 =	sld [smem:$0x3FD9]  }
0x89: {  	s3 =	sld [smem:$0x3FFE];
	_ =	sdelay $0x1  }
0x8a: {  	s1 =	srdreg.scid  }
0x8b: {  	s0 =	sand.u32 $0x1, s1  }
0x8c: {  	s17 =	sshll.u32 s0, $0xA;
	s2 =	sadd.s32 s3, s2  }
0x8d: {  	s2 =	sadd.s32 s2, s17  }
0x8e: {  	[smem:$0x3FC0] =	sst s2  }
0x8f: {  	_ = 	snop  }
0x90: {  	s2 =	sld [smem:$0x3FD0];
	(tm) =	ssettm $0x1  }
0x91: {  	s18 =	sld [smem:$0x3FFB];
	_ =	sdelay $0x3  }
0x92: {  	_ =	strace s18  }
0x93: {  	s3 =	sld [smem:$0x3FFC];
	_ =	sdelay $0x3  }
0x94: {  	_ =	strace s3  }
0x95: {  	s3 =	sld [smem:$0x3FFD];
	_ =	sdelay $0x3  }
0x96: {  	_ =	strace s3  }
0x97: {  	_ =	strace $0x8FFFFFFF  }
0x98: {  	s19 =	sld [smem:$0x3FDB];
	_ =	sdelay $0x1  }
0x99: {  	s4 =	simm.s32 $_scs_section_size  }
0x9a: {  	s5 =	simm.s32 $_size__tile_overlayer_lowered;
	s6 =	simm.s32 $_tile_overlayer_lowered  }
0x9b: {  	s22 =	simm.s32 $0x1BFF;
	s21 =	sshll.u32 s6, $0x1;
	s3 =	sadd.s32 s4, s19  }
0x9c: {  	s7 =	simm.s32 $0x0;
	s20 =	sshll.u32 s5, $0x1;
	s5 =	sadd.s32 s21, s3  }
0x9d: {  	[timem:s7], [sflag:s22] =	dma.local [hbm:s5], s20  }
0x9e: {  	_ =	swait.ge [sflag:s22], s20  }
0x9f: {  	s4 =	ssub.s32 $0x0, s20;
	[sflag:s22] =	ssyncset.done $0x0  }
0xa0: {  	[sflag:s22] =	ssyncadd.s32 s4;
	_ =	sdelay $0x1  }
0xa1: {  	s23 =	simm.s32 $0x1B8B  }
0xa2: {  	_ =	swait.ge [sflag:s23], $0x1  }
0xa3: {  	[sflag:s23] =	ssyncset.done $0x0  }
0xa4: {  	s25 =	simm.s32 $0x1B8E;
	s24 =	sld [smem:$0x3FFE];
	[sflag:s23] =	ssyncadd.s32 $0xFFFFFFFF  }
0xa5: {  	s26 =	simm.s32 $execute0_lowered;
	[smem:$0x3FD2] =	sst s25  }
0xa6: {  	s5 =	sshll.u32 s26, $0x1;
	_ =	strace $0x8000004C;
	[dreg:$0x1] =	wrdreg $0xFFFFFFFF  }
0xa7: {  	s28 =	simm.s32 $_size_execute0_lowered;
	s3 =	sadd.s32 s3, s5;
	[dreg:$0x0] =	wrdreg $0x0  }
0xa8: {  	s5 =	sshll.u32 s28, $0x1;
	[dreg:$0x2] =	wrdreg s3  }
0xa9: {  	[dreg:$0x3] =	wrdreg s5  }
0xaa: {  	[dreg:$0x4] =	wrdreg $0xC0  }
0xab: {  	_ =	task [dreg:s7], $0x5FFFF  }
0xac: {  	[dreg:$0x1] =	wrdreg $0xFFFFFFFF  }
0xad: {  	[dreg:$0x0] =	wrdreg $0x60  }
0xae: {  	[dreg:$0x2] =	wrdreg s24  }
0xaf: {  	[dreg:$0x3] =	wrdreg s2  }
0xb0: {  	[dreg:$0x4] =	wrdreg $0x11D000  }
0xb1: {  	[dreg:$0x5] =	wrdreg $0x9  }
0xb2: {  	_ =	task.clear_ibuf [dreg:s7], $0x6FFFF;
	_ =	strace $0x9000004C  }
0xb3: {  	s29 =	simm.s32 $0x9;
	_ =	strace $0x8000004E  }
0xb4: {  	_ =	swait.ge [sflag:s29], $0x1  }
0xb5: {  	[sflag:s29] =	ssyncadd.s32 $0xFFFFFFFF  }
0xb6: {  	_ =	strace $0x9000004E  }
0xb7: {  	_ =	sfence  }
0xb8: {  	s30 =	sld [smem:$0x0];
	_ =	sdelay $0x2  }
0xb9: {  	s31 =	sshll.u32 s1, $0xD;
	s1 =	sshrl.u32 s1, $0x2  }
0xba: {  	s3 =	sand.u32 $0x4000, s31;
	s1 =	sadd.s32 s1, s30  }
0xbb: {  	s0 =	sor.u32 s3, s0;
	s1 =	sshll.u32 s1, $0x11  }
0xbc: {  	s0 =	sor.u32 s1, s0  }
0xbd: {  	s0 =	sadd.s32 $0x8F2B, s0  }
0xbe: {  	[sflag:s0] =	ssyncadd.remote.s32 $0x1  }
0xbf: {  	_ =	sfence.sel $0xFFFF  }
0xc0: {  	[dreg:$0x0] =	wrdreg $0xFFFFFFFF;
	(pc) =	sbr.abs _section_cstart, $3  }
0xc1: {  	[dreg:$0x1] =	wrdreg $0xFFFFFFFF  }
0xc2: {  	_ =	task.clear_ibuf [dreg:s7], $0x2FFFF;
	_ =	strace $0x9FFFFFFF  }
0xc3: {  	(tm) =	ssettm $0x7FFFFFFF  }
tec
execute0_lowered:
.L_overlay_start_1:
0x0: {  	(tag) =	ssettag $0x1  }
0x1: {  	s0 =	rddreg [dreg:$0x0]  }
0x2: {  	s3 =	rddreg [dreg:$0x2]  }
0x3: {  	s20 =	stileid.u32;
	s2 =	srdreg.scid;
	s4 =	simm.s32 $0x0  }
0x4: {  	s13 =	simm.s32 $0x5;
	s17 =	simm.s32 $0x80;
	s18 =	simm.s32 $0x9D00  }
0x5: {  	s19 =	simm.s32 $0xBD00;
	s21 =	simm.s32 $0xDD00;
	s22 =	simm.s32 $0x180  }
0x6: {  	s23 =	simm.s32 $0xFD00;
	s28 =	simm.s32 $0x4;
	s29 =	simm.s32 $0x9A80  }
0x7: {  	s30 =	simm.s32 $0x9B00;
	s31 =	simm.s32 $0x9B80;
	s1 =	smul.u32 $0x9C, s20  }
0x8: {  	s2 =	sand.u32 $0x1, s2;
	s9 =	smul.u32 $0xA000, s20;
	[smem:$0x7FF] =	sst s4  }
0x9: {  	s5 =	sadd.s32 $0x83A00, s0;
	s8 =	smin.u32 s20, $0x4;
	s6 =	sadd.s32 $0x70000, s0  }
0xa: {  	p1 =	sgt.u32 s20, $0x3;
	s26 =	sshll.u32 s20, $0x6;
	p2 =	slt.u32 s20, $0x4  }
0xb: {  	s7 =	smul.u32 $0xA0000, s2;
	_ =	strace $0x8000004D;
	s24 =	ssub.s32 $0x2, s2  }
0xc: {  	p0 =	seq.s32 s2, $0x1;
	s15 =	sor.u32 $0x1C05, s26;
	s26 =	simm.s32 $0x3  }
0xd: {  	s1 =	sadd.s32 s8, s1;
	s25 =	sshrl.u32 s24, $0x1;
	s14 =	sadd.s32 s9, s3  }
0xe: {  	s7 =	sadd.s32 s9, s7;
	s1 =	sshll.u32 s1, $0x4;
	s12 =	ssub.s32 s24, s25  }
.Ltmp0:
0xf: {  	s16 =	sshrl.u32 s14, $0x3;
	s24 =	simm.s32 $0x1;
	(pc) =	sbr.rel .LBB2_1-.Ltmp0, $4  }
0x10: {  	s25 =	simm.s32 $0x2;
	s7 =	sshrl.u32 s7, $0x3;
	s1 =	sadd.s32 s1, s0  }
0x11: {  	s12 =	smax.u32 s12, $0x1;
	s0 =	sadd.s32 s7, s0;
	s7 =	sadd.s32 $0x2400, s1  }
0x12: {  	s8 =	sadd.s32 $0xC040, s1;
	s9 =	sadd.s32 $0x2DC0, s1;
	s10 =	sadd.s32 $0xCA00, s1  }
0x13: {  	s1 =	simm.s32 $0x0;
	s11 =	sadd.s32 $0x97400, s0;
	s0 =	simm.s32 $0x9C00  }
.LBB2_8:
0x14: {  	_ =	swait.ge [sflag:s24], $0x2000  }
0x15: {  	[sflag:s24] =	ssyncset.done $0x0  }
0x16: {  	s2 =	simm.s32 $0x9C80;
	[sflag:s24] =	ssyncadd.s32 $0xFFFFE000  }
0x17: {  	[spmem:s3] =	stream.indirect.scatter.add.f32 [tilespmem:s18], [sflag:$0x5], $0x40, s2, s17, $0xb8;
	[tilespmem:$0x1BD00] =	vst v63  }
0x18: {  	_ =	swait.ge [sflag:s13], $0x2000  }
0x19: {  	[sflag:s13] =	ssyncset.done $0x0  }
0x1a: {  	[sflag:s13] =	ssyncadd.s32 $0xFFFFE000  }
.LBB2_9:
0x1b: {  	s1 =	sadd.s32 $0x1, s1  }
0x1c: {  	p3 =	sne.s32 s1, s12  }
.Ltmp1:
0x1d: {  	[bflag:$0x0] =	sbarrier.arrive $0xFFFF;
	(pc) =	sbr.rel @!p3 .LBB2_10-.Ltmp1, $4  }
0x1e: {  	[hbm:s11], [sflag:s15] =	dma.local [spmem:s16], $0x1400  }
0x1f: {  	_ =	swait.ge [sflag:s13], $0x1400  }
0x20: {  	[sflag:s13] =	ssyncset.done $0x0  }
0x21: {  	[sflag:s13] =	ssyncadd.s32 $0xFFFFEC00  }
.LBB2_1:
0x22: {  	[tilespmem:s4], [sflag:$0x5] =	stream.linear.gather [hbm4b:s7+s4], $0x4E00, $0x38;
	[tilespmem:$0x1BD00] =	vst v63  }
0x23: {  	_ =	swait.ge [sflag:s13], $0x4E00  }
0x24: {  	[sflag:s13] =	ssyncset.done $0x0  }
0x25: {  	s2 =	simm.s32 $0x4E80;
	[sflag:s13] =	ssyncadd.s32 $0xFFFFB200  }
0x26: {  	[tilespmem:s2], [sflag:$0x5] =	stream.linear.gather [hbm4b:s8+s4], $0x4E00, $0x38;
	[tilespmem:$0x1BD00] =	vst v63  }
0x27: {  	_ =	swait.ge [sflag:s13], $0x4E00  }
0x28: {  	[sflag:s13] =	ssyncset.done $0x0  }
0x29: {  	[sflag:s13] =	ssyncadd.s32 $0xFFFFB200  }
0x2a: {  	s20 =	rddreg [dreg:$0x1]  }
0x2b: {  	[spmem:s16], [sflag:s15] =	dma.local [hbm:s20], $0x1400  }
0x2c: {  	_ =	swait.ge [sflag:s13], $0x1400  }
0x2d: {  	[sflag:s13] =	ssyncset.done $0x0  }
0x2e: {  	s14 =	simm.s32 @!p1 $0x4E00;
	s2 =	simm.s32 @!p1 $0x0;
	[sflag:s13] =	ssyncadd.s32 $0xFFFFEC00  }
0x2f: {  	[tilespmem:s14], [sflag:$0x5] =	stream.linear.gather @!p1 [hbm4b:s9+s2], $0x80, $0x38;
	[tilespmem:$0x1BD00] =	vst v63  }
0x30: {  	s14 =	simm.s32 @!p1 $0x5  }
0x31: {  	_ =	swait.ge @!p1 [sflag:s14], $0x80  }
0x32: {  	[sflag:s14] =	ssyncset.done @!p1 $0x0  }
0x33: {  	s20 =	simm.s32 @!p1 $0x9C80;
	[sflag:s14] =	ssyncadd.s32 @!p1 $0xFFFFFF80  }
0x34: {  	[tilespmem:s20], [sflag:$0x5] =	stream.linear.gather @!p1 [hbm4b:s10+s2], $0x80, $0x38;
	[tilespmem:$0x1BD00] =	vst v63  }
.Ltmp2:
0x35: {  	_ =	swait.ge @!p1 [sflag:s14], $0x80;
	(pc) =	sbr.rel @!p0 .LBB2_2-.Ltmp2, $4  }
0x36: {  	[sflag:s14] =	ssyncset.done @!p1 $0x0  }
0x37: {  	[sflag:s14] =	ssyncadd.s32 @!p1 $0xFFFFFF80  }
0x38: {  	[bflag:$0x0] =	sbarrier.arrive $0xFFFF  }
0x39: {  	s2 =	simm.s32 $0x0  }
0x3a: {  	[tilespmem:s18], [sflag:$0x1] =	stream.indirect.gather [hbm4b:s6+s17], $0x40, s2, s17, $0xb8;
	[tilespmem:$0x1BD00] =	vst v63  }
0x3b: {  	_ = 	snop  }
0x3c: {  	[tilespmem:s19], [sflag:$0x2] =	stream.indirect.gather [hbm4b:s6+s17], $0x40, s17, s17, $0xb8;
	[tilespmem:$0x1BD00] =	vst v63  }
0x3d: {  	s14 =	simm.s32 $0x100  }
0x3e: {  	[tilespmem:s21], [sflag:$0x3] =	stream.indirect.gather [hbm4b:s6+s17], $0x40, s14, s17, $0xb8;
	[tilespmem:$0x1BD00] =	vst v63  }
0x3f: {  	_ = 	snop  }
0x40: {  	[tilespmem:s23], [sflag:$0x4] =	stream.indirect.gather [hbm4b:s6+s17], $0x40, s22, s17, $0xb8;
	[tilespmem:$0x1BD00] =	vst v63  }
0x41: {  	_ =	swait.ge [sflag:s24], $0x2000  }
0x42: {  	[sflag:s24] =	ssyncset.done $0x0  }
0x43: {  	s20 =	simm.s32 $0x4E80;
	[sflag:s24] =	ssyncadd.s32 $0xFFFFE000  }
0x44: {  	[spmem:s3] =	stream.indirect.scatter.add.f32 [tilespmem:s18], [sflag:$0x5], $0x40, s20, s17, $0xb8;
	[tilespmem:$0x1BD00] =	vst v63  }
0x45: {  	_ =	swait.ge [sflag:s13], $0x2000  }
0x46: {  	[sflag:s13] =	ssyncset.done $0x0  }
0x47: {  	s14 =	simm.s32 $0x200;
	[sflag:s13] =	ssyncadd.s32 $0xFFFFE000  }
0x48: {  	[tilespmem:s18], [sflag:$0x1] =	stream.indirect.gather [hbm4b:s6+s17], $0x40, s14, s17, $0xb8;
	[tilespmem:$0x1BD00] =	vst v63  }
0x49: {  	_ =	swait.ge [sflag:s25], $0x2000  }
0x4a: {  	[sflag:s25] =	ssyncset.done $0x0  }
0x4b: {  	s20 =	simm.s32 $0x4F00;
	[sflag:s25] =	ssyncadd.s32 $0xFFFFE000  }
0x4c: {  	[spmem:s3] =	stream.indirect.scatter.add.f32 [tilespmem:s19], [sflag:$0x5], $0x40, s20, s17, $0xb8;
	[tilespmem:$0x1BD00] =	vst v63  }
0x4d: {  	_ =	swait.ge [sflag:s13], $0x2000  }
0x4e: {  	[sflag:s13] =	ssyncset.done $0x0  }
0x4f: {  	s14 =	simm.s32 $0x280;
	[sflag:s13] =	ssyncadd.s32 $0xFFFFE000  }
0x50: {  	[tilespmem:s19], [sflag:$0x2] =	stream.indirect.gather [hbm4b:s6+s17], $0x40, s14, s17, $0xb8;
	[tilespmem:$0x1BD00] =	vst v63  }
0x51: {  	_ =	swait.ge [sflag:s26], $0x2000  }
0x52: {  	[sflag:s26] =	ssyncset.done $0x0  }
0x53: {  	s20 =	simm.s32 $0x4F80;
	[sflag:s26] =	ssyncadd.s32 $0xFFFFE000  }
0x54: {  	[spmem:s3] =	stream.indirect.scatter.add.f32 [tilespmem:s21], [sflag:$0x5], $0x40, s20, s17, $0xb8;
	[tilespmem:$0x1BD00] =	vst v63  }
0x55: {  	_ =	swait.ge [sflag:s13], $0x2000  }
0x56: {  	[sflag:s13] =	ssyncset.done $0x0  }
0x57: {  	s14 =	simm.s32 $0x300;
	[sflag:s13] =	ssyncadd.s32 $0xFFFFE000  }
0x58: {  	[tilespmem:s21], [sflag:$0x3] =	stream.indirect.gather [hbm4b:s6+s17], $0x40, s14, s17, $0xb8;
	[tilespmem:$0x1BD00] =	vst v63  }
0x59: {  	_ =	swait.ge [sflag:s28], $0x2000  }
0x5a: {  	[sflag:s28] =	ssyncset.done $0x0  }
0x5b: {  	s20 =	simm.s32 $0x5000;
	[sflag:s28] =	ssyncadd.s32 $0xFFFFE000  }
0x5c: {  	[spmem:s3] =	stream.indirect.scatter.add.f32 [tilespmem:s23], [sflag:$0x5], $0x40, s20, s17, $0xb8;
	[tilespmem:$0x1BD00] =	vst v63  }
0x5d: {  	_ =	swait.ge [sflag:s13], $0x2000  }
0x5e: {  	[sflag:s13] =	ssyncset.done $0x0  }
0x5f: {  	s2 =	simm.s32 $0x800;
	s14 =	simm.s32 $0x380;
	[sflag:s13] =	ssyncadd.s32 $0xFFFFE000  }
.LBB2_6:
0x60: {  	[tilespmem:s23], [sflag:$0x4] =	stream.indirect.gather [hbm4b:s6+s17], $0x40, s14, s17, $0xb8;
	[tilespmem:$0x1BD00] =	vst v63  }
0x61: {  	s14 =	smov.u32 s2  }
0x62: {  	p3 =	sne.s32 s2, $0x12800;
	s2 =	sadd.s32 $0x800, s2;
	_ =	swait.ge [sflag:s24], $0x2000  }
0x63: {  	s14 =	sshra.s32 s14, $0x2;
	[sflag:s24] =	ssyncset.done $0x0  }
0x64: {  	s20 =	sadd.s32 $0x4E80, s14;
	[sflag:s24] =	ssyncadd.s32 $0xFFFFE000  }
0x65: {  	[spmem:s3] =	stream.indirect.scatter.add.f32 [tilespmem:s18], [sflag:$0x5], $0x40, s20, s17, $0xb8;
	[tilespmem:$0x1BD00] =	vst v63  }
0x66: {  	_ =	swait.ge [sflag:s13], $0x2000  }
0x67: {  	[sflag:s13] =	ssyncset.done $0x0  }
0x68: {  	s20 =	sadd.s32 $0x200, s14;
	[sflag:s13] =	ssyncadd.s32 $0xFFFFE000  }
0x69: {  	[tilespmem:s18], [sflag:$0x1] =	stream.indirect.gather [hbm4b:s6+s17], $0x40, s20, s17, $0xb8;
	[tilespmem:$0x1BD00] =	vst v63  }
0x6a: {  	_ =	swait.ge [sflag:s25], $0x2000  }
0x6b: {  	[sflag:s25] =	ssyncset.done $0x0  }
0x6c: {  	s20 =	sadd.s32 $0x4F00, s14;
	[sflag:s25] =	ssyncadd.s32 $0xFFFFE000  }
0x6d: {  	[spmem:s3] =	stream.indirect.scatter.add.f32 [tilespmem:s19], [sflag:$0x5], $0x40, s20, s17, $0xb8;
	[tilespmem:$0x1BD00] =	vst v63  }
0x6e: {  	_ =	swait.ge [sflag:s13], $0x2000  }
0x6f: {  	[sflag:s13] =	ssyncset.done $0x0  }
0x70: {  	s20 =	sadd.s32 $0x280, s14;
	[sflag:s13] =	ssyncadd.s32 $0xFFFFE000  }
0x71: {  	[tilespmem:s19], [sflag:$0x2] =	stream.indirect.gather [hbm4b:s6+s17], $0x40, s20, s17, $0xb8;
	[tilespmem:$0x1BD00] =	vst v63  }
0x72: {  	_ =	swait.ge [sflag:s26], $0x2000  }
0x73: {  	[sflag:s26] =	ssyncset.done $0x0  }
0x74: {  	s20 =	sadd.s32 $0x4F80, s14;
	[sflag:s26] =	ssyncadd.s32 $0xFFFFE000  }
0x75: {  	[spmem:s3] =	stream.indirect.scatter.add.f32 [tilespmem:s21], [sflag:$0x5], $0x40, s20, s17, $0xb8;
	[tilespmem:$0x1BD00] =	vst v63  }
0x76: {  	_ =	swait.ge [sflag:s13], $0x2000  }
0x77: {  	[sflag:s13] =	ssyncset.done $0x0  }
0x78: {  	s20 =	sadd.s32 $0x300, s14;
	[sflag:s13] =	ssyncadd.s32 $0xFFFFE000  }
0x79: {  	[tilespmem:s21], [sflag:$0x3] =	stream.indirect.gather [hbm4b:s6+s17], $0x40, s20, s17, $0xb8;
	[tilespmem:$0x1BD00] =	vst v63  }
0x7a: {  	_ =	swait.ge [sflag:s28], $0x2000  }
0x7b: {  	[sflag:s28] =	ssyncset.done $0x0  }
.Ltmp3:
0x7c: {  	s20 =	sadd.s32 $0x5000, s14;
	[sflag:s28] =	ssyncadd.s32 $0xFFFFE000;
	(pc) =	sbr.rel @p3 .LBB2_6-.Ltmp3, $4  }
0x7d: {  	[spmem:s3] =	stream.indirect.scatter.add.f32 [tilespmem:s23], [sflag:$0x5], $0x40, s20, s17, $0xb8;
	[tilespmem:$0x1BD00] =	vst v63  }
0x7e: {  	_ =	swait.ge [sflag:s13], $0x2000  }
0x7f: {  	[sflag:s13] =	ssyncset.done $0x0  }
0x80: {  	s14 =	sadd.s32 $0x380, s14;
	[sflag:s13] =	ssyncadd.s32 $0xFFFFE000  }
0x81: {  	[tilespmem:s23], [sflag:$0x4] =	stream.indirect.gather [hbm4b:s6+s17], $0x40, s14, s17, $0xb8;
	[tilespmem:$0x1BD00] =	vst v63  }
0x82: {  	_ =	swait.ge [sflag:s24], $0x2000  }
0x83: {  	[sflag:s24] =	ssyncset.done $0x0  }
0x84: {  	[sflag:s24] =	ssyncadd.s32 $0xFFFFE000  }
0x85: {  	[spmem:s3] =	stream.indirect.scatter.add.f32 [tilespmem:s18], [sflag:$0x5], $0x40, s29, s17, $0xb8;
	[tilespmem:$0x1BD00] =	vst v63  }
0x86: {  	_ =	swait.ge [sflag:s13], $0x2000  }
0x87: {  	s2 =	simm.s32 @!p1 $0x80;
	[sflag:s13] =	ssyncset.done $0x0  }
0x88: {  	s14 =	simm.s32 @!p1 $0x4E00;
	s20 =	simm.s32 @!p1 $0x9D00;
	[sflag:s13] =	ssyncadd.s32 $0xFFFFE000  }
0x89: {  	[tilespmem:s20], [sflag:$0x1] =	stream.indirect.gather @!p1 [hbm4b:s6+s2], $0x40, s14, s2, $0xb8;
	[tilespmem:$0x1BD00] =	vst v63  }
0x8a: {  	_ =	swait.ge [sflag:s25], $0x2000  }
0x8b: {  	[sflag:s25] =	ssyncset.done $0x0  }
0x8c: {  	[sflag:s25] =	ssyncadd.s32 $0xFFFFE000  }
0x8d: {  	[spmem:s3] =	stream.indirect.scatter.add.f32 [tilespmem:s19], [sflag:$0x5], $0x40, s30, s17, $0xb8;
	[tilespmem:$0x1BD00] =	vst v63  }
0x8e: {  	_ =	swait.ge [sflag:s13], $0x2000  }
0x8f: {  	[sflag:s13] =	ssyncset.done $0x0  }
0x90: {  	[sflag:s13] =	ssyncadd.s32 $0xFFFFE000  }
0x91: {  	_ =	swait.ge [sflag:s26], $0x2000  }
0x92: {  	[sflag:s26] =	ssyncset.done $0x0  }
0x93: {  	[sflag:s26] =	ssyncadd.s32 $0xFFFFE000  }
0x94: {  	[spmem:s3] =	stream.indirect.scatter.add.f32 [tilespmem:s21], [sflag:$0x5], $0x40, s31, s17, $0xb8;
	[tilespmem:$0x1BD00] =	vst v63  }
0x95: {  	_ =	swait.ge [sflag:s13], $0x2000  }
0x96: {  	[sflag:s13] =	ssyncset.done $0x0  }
0x97: {  	[sflag:s13] =	ssyncadd.s32 $0xFFFFE000  }
0x98: {  	_ =	swait.ge [sflag:s28], $0x2000  }
0x99: {  	[sflag:s28] =	ssyncset.done $0x0  }
0x9a: {  	[sflag:s28] =	ssyncadd.s32 $0xFFFFE000  }
0x9b: {  	[spmem:s3] =	stream.indirect.scatter.add.f32 [tilespmem:s23], [sflag:$0x5], $0x40, s0, s17, $0xb8;
	[tilespmem:$0x1BD00] =	vst v63  }
.Ltmp4:
0x9c: {  	_ = 	snop;
	(pc) =	sbr.rel @p1 .LBB2_9-.Ltmp4, $4  }
.Ltmp5:
0x9d: {  	_ = 	snop;
	(pc) =	sbr.rel @!p1 .LBB2_8-.Ltmp5, $4  }
0x9e: {  	_ =	swait.ge [sflag:s13], $0x2000  }
0x9f: {  	[sflag:s13] =	ssyncset.done $0x0  }
0xa0: {  	[sflag:s13] =	ssyncadd.s32 $0xFFFFE000  }
0xa1: {  	_ = 	snop  }
.LBB2_2:
0xa2: {  	[tilespmem:s18], [sflag:$0x1] =	stream.indirect.gather [hbm4b:s5+s17], $0x40, s2, s17, $0xb8;
	[tilespmem:$0x1BD00] =	vst v63  }
0xa3: {  	_ = 	snop  }
0xa4: {  	[tilespmem:s19], [sflag:$0x2] =	stream.indirect.gather [hbm4b:s5+s17], $0x40, s17, s17, $0xb8;
	[tilespmem:$0x1BD00] =	vst v63  }
0xa5: {  	s14 =	simm.s32 $0x100  }
0xa6: {  	[tilespmem:s21], [sflag:$0x3] =	stream.indirect.gather [hbm4b:s5+s17], $0x40, s14, s17, $0xb8;
	[tilespmem:$0x1BD00] =	vst v63  }
0xa7: {  	_ = 	snop  }
0xa8: {  	[tilespmem:s23], [sflag:$0x4] =	stream.indirect.gather [hbm4b:s5+s17], $0x40, s22, s17, $0xb8;
	[tilespmem:$0x1BD00] =	vst v63  }
0xa9: {  	_ =	swait.ge [sflag:s24], $0x2000  }
0xaa: {  	[sflag:s24] =	ssyncset.done $0x0  }
0xab: {  	s20 =	simm.s32 $0x4E80;
	[sflag:s24] =	ssyncadd.s32 $0xFFFFE000  }
0xac: {  	[spmem:s3] =	stream.indirect.scatter.add.f32 [tilespmem:s18], [sflag:$0x5], $0x40, s20, s17, $0xb8;
	[tilespmem:$0x1BD00] =	vst v63  }
0xad: {  	_ =	swait.ge [sflag:s13], $0x2000  }
0xae: {  	[sflag:s13] =	ssyncset.done $0x0  }
0xaf: {  	s14 =	simm.s32 $0x200;
	[sflag:s13] =	ssyncadd.s32 $0xFFFFE000  }
0xb0: {  	[tilespmem:s18], [sflag:$0x1] =	stream.indirect.gather [hbm4b:s5+s17], $0x40, s14, s17, $0xb8;
	[tilespmem:$0x1BD00] =	vst v63  }
0xb1: {  	_ =	swait.ge [sflag:s25], $0x2000  }
0xb2: {  	[sflag:s25] =	ssyncset.done $0x0  }
0xb3: {  	s20 =	simm.s32 $0x4F00;
	[sflag:s25] =	ssyncadd.s32 $0xFFFFE000  }
0xb4: {  	[spmem:s3] =	stream.indirect.scatter.add.f32 [tilespmem:s19], [sflag:$0x5], $0x40, s20, s17, $0xb8;
	[tilespmem:$0x1BD00] =	vst v63  }
0xb5: {  	_ =	swait.ge [sflag:s13], $0x2000  }
0xb6: {  	[sflag:s13] =	ssyncset.done $0x0  }
0xb7: {  	s14 =	simm.s32 $0x280;
	[sflag:s13] =	ssyncadd.s32 $0xFFFFE000  }
0xb8: {  	[tilespmem:s19], [sflag:$0x2] =	stream.indirect.gather [hbm4b:s5+s17], $0x40, s14, s17, $0xb8;
	[tilespmem:$0x1BD00] =	vst v63  }
0xb9: {  	_ =	swait.ge [sflag:s26], $0x2000  }
0xba: {  	[sflag:s26] =	ssyncset.done $0x0  }
0xbb: {  	s20 =	simm.s32 $0x4F80;
	[sflag:s26] =	ssyncadd.s32 $0xFFFFE000  }
0xbc: {  	[spmem:s3] =	stream.indirect.scatter.add.f32 [tilespmem:s21], [sflag:$0x5], $0x40, s20, s17, $0xb8;
	[tilespmem:$0x1BD00] =	vst v63  }
0xbd: {  	_ =	swait.ge [sflag:s13], $0x2000  }
0xbe: {  	[sflag:s13] =	ssyncset.done $0x0  }
0xbf: {  	s14 =	simm.s32 $0x300;
	[sflag:s13] =	ssyncadd.s32 $0xFFFFE000  }
0xc0: {  	[tilespmem:s21], [sflag:$0x3] =	stream.indirect.gather [hbm4b:s5+s17], $0x40, s14, s17, $0xb8;
	[tilespmem:$0x1BD00] =	vst v63  }
0xc1: {  	_ =	swait.ge [sflag:s28], $0x2000  }
0xc2: {  	[sflag:s28] =	ssyncset.done $0x0  }
0xc3: {  	s20 =	simm.s32 $0x5000;
	[sflag:s28] =	ssyncadd.s32 $0xFFFFE000  }
0xc4: {  	[spmem:s3] =	stream.indirect.scatter.add.f32 [tilespmem:s23], [sflag:$0x5], $0x40, s20, s17, $0xb8;
	[tilespmem:$0x1BD00] =	vst v63  }
0xc5: {  	_ =	swait.ge [sflag:s13], $0x2000  }
0xc6: {  	[sflag:s13] =	ssyncset.done $0x0  }
0xc7: {  	s2 =	simm.s32 $0x800;
	s14 =	simm.s32 $0x380;
	[sflag:s13] =	ssyncadd.s32 $0xFFFFE000  }
.LBB2_3:
0xc8: {  	[tilespmem:s23], [sflag:$0x4] =	stream.indirect.gather [hbm4b:s5+s17], $0x40, s14, s17, $0xb8;
	[tilespmem:$0x1BD00] =	vst v63  }
0xc9: {  	s14 =	smov.u32 s2  }
0xca: {  	p3 =	sne.s32 s2, $0x12800;
	s2 =	sadd.s32 $0x800, s2;
	_ =	swait.ge [sflag:s24], $0x2000  }
0xcb: {  	s14 =	sshra.s32 s14, $0x2;
	[sflag:s24] =	ssyncset.done $0x0  }
0xcc: {  	s20 =	sadd.s32 $0x4E80, s14;
	[sflag:s24] =	ssyncadd.s32 $0xFFFFE000  }
0xcd: {  	[spmem:s3] =	stream.indirect.scatter.add.f32 [tilespmem:s18], [sflag:$0x5], $0x40, s20, s17, $0xb8;
	[tilespmem:$0x1BD00] =	vst v63  }
0xce: {  	_ =	swait.ge [sflag:s13], $0x2000  }
0xcf: {  	[sflag:s13] =	ssyncset.done $0x0  }
0xd0: {  	s20 =	sadd.s32 $0x200, s14;
	[sflag:s13] =	ssyncadd.s32 $0xFFFFE000  }
0xd1: {  	[tilespmem:s18], [sflag:$0x1] =	stream.indirect.gather [hbm4b:s5+s17], $0x40, s20, s17, $0xb8;
	[tilespmem:$0x1BD00] =	vst v63  }
0xd2: {  	_ =	swait.ge [sflag:s25], $0x2000  }
0xd3: {  	[sflag:s25] =	ssyncset.done $0x0  }
0xd4: {  	s20 =	sadd.s32 $0x4F00, s14;
	[sflag:s25] =	ssyncadd.s32 $0xFFFFE000  }
0xd5: {  	[spmem:s3] =	stream.indirect.scatter.add.f32 [tilespmem:s19], [sflag:$0x5], $0x40, s20, s17, $0xb8;
	[tilespmem:$0x1BD00] =	vst v63  }
0xd6: {  	_ =	swait.ge [sflag:s13], $0x2000  }
0xd7: {  	[sflag:s13] =	ssyncset.done $0x0  }
0xd8: {  	s20 =	sadd.s32 $0x280, s14;
	[sflag:s13] =	ssyncadd.s32 $0xFFFFE000  }
0xd9: {  	[tilespmem:s19], [sflag:$0x2] =	stream.indirect.gather [hbm4b:s5+s17], $0x40, s20, s17, $0xb8;
	[tilespmem:$0x1BD00] =	vst v63  }
0xda: {  	_ =	swait.ge [sflag:s26], $0x2000  }
0xdb: {  	[sflag:s26] =	ssyncset.done $0x0  }
0xdc: {  	s20 =	sadd.s32 $0x4F80, s14;
	[sflag:s26] =	ssyncadd.s32 $0xFFFFE000  }
0xdd: {  	[spmem:s3] =	stream.indirect.scatter.add.f32 [tilespmem:s21], [sflag:$0x5], $0x40, s20, s17, $0xb8;
	[tilespmem:$0x1BD00] =	vst v63  }
0xde: {  	_ =	swait.ge [sflag:s13], $0x2000  }
0xdf: {  	[sflag:s13] =	ssyncset.done $0x0  }
0xe0: {  	s20 =	sadd.s32 $0x300, s14;
	[sflag:s13] =	ssyncadd.s32 $0xFFFFE000  }
0xe1: {  	[tilespmem:s21], [sflag:$0x3] =	stream.indirect.gather [hbm4b:s5+s17], $0x40, s20, s17, $0xb8;
	[tilespmem:$0x1BD00] =	vst v63  }
0xe2: {  	_ =	swait.ge [sflag:s28], $0x2000  }
0xe3: {  	[sflag:s28] =	ssyncset.done $0x0  }
.Ltmp6:
0xe4: {  	s20 =	sadd.s32 $0x5000, s14;
	[sflag:s28] =	ssyncadd.s32 $0xFFFFE000;
	(pc) =	sbr.rel @p3 .LBB2_3-.Ltmp6, $4  }
0xe5: {  	[spmem:s3] =	stream.indirect.scatter.add.f32 [tilespmem:s23], [sflag:$0x5], $0x40, s20, s17, $0xb8;
	[tilespmem:$0x1BD00] =	vst v63  }
0xe6: {  	_ =	swait.ge [sflag:s13], $0x2000  }
0xe7: {  	[sflag:s13] =	ssyncset.done $0x0  }
0xe8: {  	s14 =	sadd.s32 $0x380, s14;
	[sflag:s13] =	ssyncadd.s32 $0xFFFFE000  }
0xe9: {  	[tilespmem:s23], [sflag:$0x4] =	stream.indirect.gather [hbm4b:s5+s17], $0x40, s14, s17, $0xb8;
	[tilespmem:$0x1BD00] =	vst v63  }
0xea: {  	_ =	swait.ge [sflag:s24], $0x2000  }
0xeb: {  	[sflag:s24] =	ssyncset.done $0x0  }
0xec: {  	[sflag:s24] =	ssyncadd.s32 $0xFFFFE000  }
0xed: {  	[spmem:s3] =	stream.indirect.scatter.add.f32 [tilespmem:s18], [sflag:$0x5], $0x40, s29, s17, $0xb8;
	[tilespmem:$0x1BD00] =	vst v63  }
0xee: {  	_ =	swait.ge [sflag:s13], $0x2000  }
0xef: {  	s2 =	simm.s32 @!p1 $0x80;
	[sflag:s13] =	ssyncset.done $0x0  }
0xf0: {  	s14 =	simm.s32 @!p1 $0x4E00;
	s20 =	simm.s32 @!p1 $0x9D00;
	[sflag:s13] =	ssyncadd.s32 $0xFFFFE000  }
0xf1: {  	[tilespmem:s20], [sflag:$0x1] =	stream.indirect.gather @!p1 [hbm4b:s5+s2], $0x40, s14, s2, $0xb8;
	[tilespmem:$0x1BD00] =	vst v63  }
0xf2: {  	_ =	swait.ge [sflag:s25], $0x2000  }
0xf3: {  	[sflag:s25] =	ssyncset.done $0x0  }
0xf4: {  	[sflag:s25] =	ssyncadd.s32 $0xFFFFE000  }
0xf5: {  	[spmem:s3] =	stream.indirect.scatter.add.f32 [tilespmem:s19], [sflag:$0x5], $0x40, s30, s17, $0xb8;
	[tilespmem:$0x1BD00] =	vst v63  }
0xf6: {  	_ =	swait.ge [sflag:s13], $0x2000  }
0xf7: {  	[sflag:s13] =	ssyncset.done $0x0  }
0xf8: {  	[sflag:s13] =	ssyncadd.s32 $0xFFFFE000  }
0xf9: {  	_ =	swait.ge [sflag:s26], $0x2000  }
0xfa: {  	[sflag:s26] =	ssyncset.done $0x0  }
0xfb: {  	[sflag:s26] =	ssyncadd.s32 $0xFFFFE000  }
0xfc: {  	[spmem:s3] =	stream.indirect.scatter.add.f32 [tilespmem:s21], [sflag:$0x5], $0x40, s31, s17, $0xb8;
	[tilespmem:$0x1BD00] =	vst v63  }
0xfd: {  	_ =	swait.ge [sflag:s13], $0x2000  }
0xfe: {  	[sflag:s13] =	ssyncset.done $0x0  }
0xff: {  	[sflag:s13] =	ssyncadd.s32 $0xFFFFE000  }
0x100: {  	_ =	swait.ge [sflag:s28], $0x2000  }
0x101: {  	[sflag:s28] =	ssyncset.done $0x0  }
0x102: {  	[sflag:s28] =	ssyncadd.s32 $0xFFFFE000  }
0x103: {  	[spmem:s3] =	stream.indirect.scatter.add.f32 [tilespmem:s23], [sflag:$0x5], $0x40, s0, s17, $0xb8;
	[tilespmem:$0x1BD00] =	vst v63  }
.Ltmp7:
0x104: {  	_ = 	snop;
	(pc) =	sbr.rel @p2 .LBB2_8-.Ltmp7, $4  }
.Ltmp8:
0x105: {  	_ = 	snop;
	(pc) =	sbr.rel @!p2 .LBB2_9-.Ltmp8, $4  }
0x106: {  	_ =	swait.ge [sflag:s13], $0x2000  }
0x107: {  	[sflag:s13] =	ssyncset.done $0x0  }
0x108: {  	[sflag:s13] =	ssyncadd.s32 $0xFFFFE000  }
0x109: {  	_ = 	snop  }
.LBB2_10:
0x10a: {  	_ =	sfence.sel $0x180000  }
0x10b: {  	[bflag:$0x0] =	sbarrier.arrive $0xFFFF  }
0x10c: {  	_ =	strace $0x9000004D  }
0x10d: {  	s0 =	stileid.u32;
	[bflag:$0x2] =	sbarrier.arrive $0xFFFF  }
0x10e: {  	p0 =	sne.s32 s0, $0x0;
	s0 =	rddreg [dreg:$0x3]  }
0x10f: {  	s0 =	sadd.s32 @!p0 $0x100000, s0  }
0x110: {  	[sflag:s0] =	ssyncadd.tile.s32 @!p0 $0x1;
	_ =	shalt  }
.Lfunc_end2:
_tile_overlayer_lowered:
.L_overlay_start_2:
0x111: {  	(tag) =	ssettag $0x2  }
0x112: {  	s0 =	rddreg [dreg:$0x0];
	s2 =	stileid.u32  }
0x113: {  	s1 =	rddreg [dreg:$0x1];
	p0 =	sne.s32 s2, $0x0  }
0x114: {  	s3 =	rddreg [dreg:$0x2];
	[bflag:$0x3] =	sbarrier.arrive $0xFFFF;
	s2 =	simm.s32 @!p0 $0x1C05  }
0x115: {  	[timem:s3], [sflag:s2] =	dma.local @!p0 [hbm:s0], s1  }
0x116: {  	s0 =	simm.s32 @!p0 $0x5  }
0x117: {  	_ =	swait.ge @!p0 [sflag:s0], s1  }
0x118: {  	s1 =	ssub.s32 @!p0 $0x0, s1;
	[sflag:s0] =	ssyncset.done @!p0 $0x0  }
0x119: {  	[sflag:s0] =	ssyncadd.s32 @!p0 s1  }
0x11a: {  	[bflag:$0x3] =	sbarrier.arrive $0xFFFF  }
0x11b: {  	_ =	shalt  }

// kernel: kernel.9.cloned.1.call-start
scs
__scs_entry_jumppad:
0x0: {  	(pc) =	sbr.rel $0x88, $3  }
0x1: {  	(tag) =	ssettag $0x0;
	lr =	simm.s32 $0x1  }
0x2: {  	[smem:$0x3F99] =	sst lr;
	_ =	strace $0xD0000000  }
0x3: {  	_ = 	snop  }
0x4: {  	_ = 	snop  }
0x5: {  	_ = 	snop  }
0x6: {  	_ = 	snop  }
0x7: {  	_ = 	snop  }
__scs_overlays_trampoline_lowered:
0x8: {  	[smem:$0x3FA8] =	sst s0  }
0x9: {  	[smem:$0x3FA9] =	sst s1  }
0xa: {  	[smem:$0x3FAA] =	sst s2  }
0xb: {  	[smem:$0x3FAB] =	sst s3  }
0xc: {  	[smem:$0x3FAC] =	sst s4  }
0xd: {  	[smem:$0x3FAD] =	sst s5  }
0xe: {  	[smem:$0x3FAE] =	sst s6  }
0xf: {  	[smem:$0x3FAF] =	sst s7  }
0x10: {  	[smem:$0x3FB0] =	sst s8  }
0x11: {  	[smem:$0x3FB1] =	sst s9;
	s0 =	simm.s32 @!p0 $0x0  }
0x12: {  	s1 =	sld [smem:$0x3F97];
	s0 =	simm.s32 @p0 $0x1  }
0x13: {  	[smem:$0x3FB2] =	sst s0;
	s0 =	simm.s32 @!p1 $0x0  }
0x14: {  	s2 =	sld [smem:$0x3F96];
	s0 =	simm.s32 @p1 $0x1  }
0x15: {  	[smem:$0x3FB3] =	sst s0;
	s0 =	simm.s32 @!p2 $0x0  }
0x16: {  	s3 =	sld [smem:$0x3FDB];
	s0 =	simm.s32 @p2 $0x1  }
0x17: {  	s4 =	simm.s32 $0x1BF5;
	[smem:$0x3FB5] =	sst s0  }
0x18: {  	s0 =	sld [smem:$0x3F98];
	_ =	swait.ge [sflag:s4], $0x0  }
0x19: {  	s7 =	sld [smem:$0x3F99]  }
0x1a: {  	s8 =	sadd.s32 $0xFFFFE003, lr  }
0x1b: {  	s9 =	sadd.s32 $0xFFFFFEF7, lr;
	s5 =	simm.s32 $0xFFFFFFFF;
	p2 =	slt.u32 s8, $0xFFFFF086  }
0x1c: {  	p1 =	slt.u32 s9, $0xF7A;
	s5 =	simm.s32 @!p2 $0x0  }
0x1d: {  	s5 =	simm.s32 @p1 $0x1;
	p0 =	seq.s32 s7, s2  }
0x1e: {  	s7 =	smul.u32 @!p0 $0xF7A, s2;
	p2 =	seq.s32 @!p0 s5, $0x0  }
0x1f: {  	s9 =	smul.u32 $0xF7A, s1;
	s8 =	simm.s32 @!p0 $0x1BF5;
	p2 =	por !p2, p0  }
0x20: {  	[sflag:s8] =	ssyncset.s32 @!p0 $0xFFFFF086;
	s6 =	sadd.s32 @!p0 s3, s7;
	s7 =	simm.s32 @!p0 $0x108  }
0x21: {  	s3 =	sadd.s32 s3, s9;
	s6 =	sadd.s32 @!p0 $0x88, s6;
	s7 =	simm.s32 @p2 $0x1082  }
0x22: {  	[simem:s7], [sflag:s8] =	dma.local @!p0 [hbm:s6], $0xF7A  }
0x23: {  	s9 =	sor.u32 $0xD0000000, s2;
	s6 =	simm.s32 $0x108;
	_ =	swait.ge @!p0 [sflag:s8], $0x0  }
0x24: {  	s3 =	sadd.s32 $0x88, s3;
	s6 =	simm.s32 @!p1 $0x1082;
	[sflag:s4] =	ssyncset.s32 $0xFFFFF086  }
0x25: {  	[simem:s6], [sflag:s4] =	dma.local [hbm:s3], $0xF7A  }
0x26: {  	[smem:$0x3F99] =	sst s1;
	(tag) =	ssettag s2;
	_ =	strace s9  }
0x27: {  	s1 =	sld [smem:$0x3FA9]  }
0x28: {  	s2 =	sld [smem:$0x3FAA]  }
0x29: {  	s4 =	sld [smem:$0x3FAC]  }
0x2a: {  	p0 =	seq.s32 s5, $0x0;
	s5 =	sld [smem:$0x3FAD]  }
0x2b: {  	s6 =	sld [smem:$0x3FAE]  }
0x2c: {  	s7 =	sld [smem:$0x3FAF]  }
0x2d: {  	s3 =	simm.s32 $0x108;
	s8 =	sld [smem:$0x3FB0]  }
0x2e: {  	s3 =	simm.s32 @!p0 $0x1082;
	s9 =	sld [smem:$0x3FB1]  }
0x2f: {  	lr =	sadd.s32 s0, s3;
	s0 =	sld [smem:$0x3FA8]  }
0x30: {  	s3 =	sld [smem:$0x3FAB]  }
0x31: {  	[smem:$0x3FB4] =	sst s10  }
0x32: {  	s10 =	sld [smem:$0x3FB2];
	_ =	sdelay $0x3  }
0x33: {  	p0 =	seq.s32 s10, $0x1;
	s10 =	sld [smem:$0x3FB4];
	_ =	sdelay $0x3  }
0x34: {  	[smem:$0x3FB4] =	sst s10  }
0x35: {  	s10 =	sld [smem:$0x3FB3];
	_ =	sdelay $0x3  }
0x36: {  	p1 =	seq.s32 s10, $0x1;
	s10 =	sld [smem:$0x3FB4];
	_ =	sdelay $0x3  }
0x37: {  	[smem:$0x3FB4] =	sst s10  }
0x38: {  	s10 =	sld [smem:$0x3FB5]  }
0x39: {  	_ = 	snop;
	(pc) =	sbr.ind lr, $3  }
0x3a: {  	_ = 	snop  }
0x3b: {  	_ = 	snop  }
0x3c: {  	p2 =	seq.s32 s10, $0x1;
	s10 =	sld [smem:$0x3FB4]  }
0x3d: {  	_ =	shalt  }
0x3e: {  	_ =	shalt  }
0x3f: {  	_ =	shalt  }
0x40: {  	_ =	shalt  }
0x41: {  	_ =	shalt  }
0x42: {  	_ =	shalt  }
0x43: {  	_ =	shalt  }
0x44: {  	_ =	shalt  }
0x45: {  	_ =	shalt  }
0x46: {  	_ =	shalt  }
0x47: {  	_ =	shalt  }
0x48: {  	_ =	shalt  }
0x49: {  	_ =	shalt  }
0x4a: {  	_ =	shalt  }
0x4b: {  	_ =	shalt  }
0x4c: {  	_ =	shalt  }
0x4d: {  	_ =	shalt  }
0x4e: {  	_ =	shalt  }
0x4f: {  	_ =	shalt  }
0x50: {  	_ =	shalt  }
0x51: {  	_ =	shalt  }
0x52: {  	_ =	shalt  }
0x53: {  	_ =	shalt  }
0x54: {  	_ =	shalt  }
0x55: {  	_ =	shalt  }
0x56: {  	_ =	shalt  }
0x57: {  	_ =	shalt  }
0x58: {  	_ =	shalt  }
0x59: {  	_ =	shalt  }
0x5a: {  	_ =	shalt  }
0x5b: {  	_ =	shalt  }
0x5c: {  	_ =	shalt  }
0x5d: {  	_ =	shalt  }
0x5e: {  	_ =	shalt  }
0x5f: {  	_ =	shalt  }
0x60: {  	_ =	shalt  }
0x61: {  	_ =	shalt  }
0x62: {  	_ =	shalt  }
0x63: {  	_ =	shalt  }
0x64: {  	_ =	shalt  }
0x65: {  	_ =	shalt  }
0x66: {  	_ =	shalt  }
0x67: {  	_ =	shalt  }
0x68: {  	_ =	shalt  }
0x69: {  	_ =	shalt  }
0x6a: {  	_ =	shalt  }
0x6b: {  	_ =	shalt  }
0x6c: {  	_ =	shalt  }
0x6d: {  	_ =	shalt  }
0x6e: {  	_ =	shalt  }
0x6f: {  	_ =	shalt  }
0x70: {  	_ =	shalt  }
0x71: {  	_ =	shalt  }
0x72: {  	_ =	shalt  }
0x73: {  	_ =	shalt  }
0x74: {  	_ =	shalt  }
0x75: {  	_ =	shalt  }
0x76: {  	_ =	shalt  }
0x77: {  	_ =	shalt  }
0x78: {  	_ =	shalt  }
0x79: {  	_ =	shalt  }
0x7a: {  	_ =	shalt  }
0x7b: {  	_ =	shalt  }
0x7c: {  	_ =	shalt  }
0x7d: {  	_ =	shalt  }
0x7e: {  	_ =	shalt  }
0x7f: {  	_ =	shalt  }
0x80: {  	_ =	shalt  }
0x81: {  	_ =	shalt  }
0x82: {  	_ =	shalt  }
0x83: {  	_ =	shalt  }
0x84: {  	_ =	shalt  }
0x85: {  	_ =	shalt  }
0x86: {  	_ =	shalt  }
0x87: {  	_ =	shalt  }
.Lfunc_end0:
.L_simem_size_0:
called_computation_lowered:
.L_overlay_start_0:
0x88: {  	s2 =	sld [smem:$0x3FD9]  }
0x89: {  	s3 =	sld [smem:$0x3FFE];
	_ =	sdelay $0x1  }
0x8a: {  	s1 =	srdreg.scid  }
0x8b: {  	s0 =	sand.u32 $0x1, s1  }
0x8c: {  	s17 =	sshll.u32 s0, $0xA;
	s2 =	sadd.s32 s3, s2  }
0x8d: {  	s2 =	sadd.s32 s2, s17  }
0x8e: {  	[smem:$0x3FC0] =	sst s2  }
0x8f: {  	_ = 	snop  }
0x90: {  	s2 =	sld [smem:$0x3FD0];
	(tm) =	ssettm $0x1  }
0x91: {  	s18 =	sld [smem:$0x3FFB];
	_ =	sdelay $0x3  }
0x92: {  	_ =	strace s18  }
0x93: {  	s3 =	sld [smem:$0x3FFC];
	_ =	sdelay $0x3  }
0x94: {  	_ =	strace s3  }
0x95: {  	s3 =	sld [smem:$0x3FFD];
	_ =	sdelay $0x3  }
0x96: {  	_ =	strace s3  }
0x97: {  	_ =	strace $0x8FFFFFFF  }
0x98: {  	s19 =	sld [smem:$0x3FDB];
	_ =	sdelay $0x1  }
0x99: {  	s4 =	simm.s32 $_scs_section_size  }
0x9a: {  	s5 =	simm.s32 $_size__tile_overlayer_lowered;
	s6 =	simm.s32 $_tile_overlayer_lowered  }
0x9b: {  	s22 =	simm.s32 $0x1BFF;
	s21 =	sshll.u32 s6, $0x1;
	s3 =	sadd.s32 s4, s19  }
0x9c: {  	s7 =	simm.s32 $0x0;
	s20 =	sshll.u32 s5, $0x1;
	s5 =	sadd.s32 s21, s3  }
0x9d: {  	[timem:s7], [sflag:s22] =	dma.local [hbm:s5], s20  }
0x9e: {  	_ =	swait.ge [sflag:s22], s20  }
0x9f: {  	s4 =	ssub.s32 $0x0, s20;
	[sflag:s22] =	ssyncset.done $0x0  }
0xa0: {  	[sflag:s22] =	ssyncadd.s32 s4;
	_ =	sdelay $0x1  }
0xa1: {  	s23 =	simm.s32 $0x1B8B  }
0xa2: {  	_ =	swait.ge [sflag:s23], $0x1  }
0xa3: {  	[sflag:s23] =	ssyncset.done $0x0  }
0xa4: {  	s25 =	simm.s32 $0x1B8E;
	s24 =	sld [smem:$0x3FFE];
	[sflag:s23] =	ssyncadd.s32 $0xFFFFFFFF  }
0xa5: {  	s26 =	simm.s32 $execute0_lowered;
	[smem:$0x3FD2] =	sst s25  }
0xa6: {  	s5 =	sshll.u32 s26, $0x1;
	_ =	strace $0x80000046;
	[dreg:$0x1] =	wrdreg $0xFFFFFFFF  }
0xa7: {  	s28 =	simm.s32 $_size_execute0_lowered;
	s3 =	sadd.s32 s3, s5;
	[dreg:$0x0] =	wrdreg $0x0  }
0xa8: {  	s5 =	sshll.u32 s28, $0x1;
	[dreg:$0x2] =	wrdreg s3  }
0xa9: {  	[dreg:$0x3] =	wrdreg s5  }
0xaa: {  	[dreg:$0x4] =	wrdreg $0xC0  }
0xab: {  	_ =	task [dreg:s7], $0x5FFFF  }
0xac: {  	[dreg:$0x1] =	wrdreg $0xFFFFFFFF  }
0xad: {  	[dreg:$0x0] =	wrdreg $0x60  }
0xae: {  	[dreg:$0x2] =	wrdreg s24  }
0xaf: {  	[dreg:$0x3] =	wrdreg s2  }
0xb0: {  	[dreg:$0x4] =	wrdreg $0x2F800  }
0xb1: {  	[dreg:$0x5] =	wrdreg $0x9  }
0xb2: {  	_ =	task.clear_ibuf [dreg:s7], $0x6FFFF;
	_ =	strace $0x90000046  }
0xb3: {  	s29 =	simm.s32 $0x9;
	_ =	strace $0x80000048  }
0xb4: {  	_ =	swait.ge [sflag:s29], $0x1  }
0xb5: {  	[sflag:s29] =	ssyncadd.s32 $0xFFFFFFFF  }
0xb6: {  	_ =	strace $0x90000048  }
0xb7: {  	_ =	sfence  }
0xb8: {  	s30 =	sld [smem:$0x0];
	_ =	sdelay $0x2  }
0xb9: {  	s31 =	sshll.u32 s1, $0xD;
	s1 =	sshrl.u32 s1, $0x2  }
0xba: {  	s3 =	sand.u32 $0x4000, s31;
	s1 =	sadd.s32 s1, s30  }
0xbb: {  	s0 =	sor.u32 s3, s0;
	s1 =	sshll.u32 s1, $0x11  }
0xbc: {  	s0 =	sor.u32 s1, s0  }
0xbd: {  	s0 =	sadd.s32 $0x8F2B, s0  }
0xbe: {  	[sflag:s0] =	ssyncadd.remote.s32 $0x1  }
0xbf: {  	_ =	sfence.sel $0xFFFF  }
0xc0: {  	[dreg:$0x0] =	wrdreg $0xFFFFFFFF;
	(pc) =	sbr.abs _section_cstart, $3  }
0xc1: {  	[dreg:$0x1] =	wrdreg $0xFFFFFFFF  }
0xc2: {  	_ =	task.clear_ibuf [dreg:s7], $0x2FFFF;
	_ =	strace $0x9FFFFFFF  }
0xc3: {  	(tm) =	ssettm $0x7FFFFFFF  }
tec
execute0_lowered:
.L_overlay_start_1:
0x0: {  	(tag) =	ssettag $0x1  }
0x1: {  	s0 =	stileid.u32;
	s9 =	rddreg [dreg:$0x0]  }
0x2: {  	s6 =	simm.s32 $0x9D;
	s1 =	srdreg.scid;
	s3 =	rddreg [dreg:$0x2]  }
0x3: {  	s15 =	simm.s32 $0x80;
	s16 =	simm.s32 $0x0;
	p0 =	slt.u32 s0, $0x4  }
0x4: {  	s7 =	sand.u32 $0x1, s1;
	s26 =	smul.u32 $0x9C, s0;
	s4 =	smin.u32 s0, $0x4  }
0x5: {  	s10 =	smul.u32 $0x2800, s0;
	s1 =	rddreg [dreg:$0x3];
	s31 =	sshll.u32 s0, $0x6  }
0x6: {  	s6 =	simm.s32 @!p0 $0x9C;
	s12 =	smul.u32 $0x28000, s7;
	s30 =	ssub.s32 $0x2, s7  }
0x7: {  	p0 =	seq.s32 s7, $0x0;
	s2 =	sadd.s32 $0x1, s6;
	s11 =	sadd.s32 s4, s26  }
0x8: {  	s4 =	simm.s32 $0x0;
	s13 =	sshrl.u32 s30, $0x1;
	s8 =	sshrl.u32 s2, $0x1  }
0x9: {  	s14 =	sadd.s32 s10, s3;
	s2 =	rddreg [dreg:$0x1];
	s5 =	smul.u32 s7, s8  }
0xa: {  	[smem:$0x7FF] =	sst s4;
	s28 =	sadd.s32 s10, s12;
	s12 =	simm.s32 $0x2780  }
0xb: {  	s14 =	sshrl.u32 s14, $0x3;
	s6 =	ssub.s32 s6, s8;
	s5 =	sadd.s32 s5, s11  }
0xc: {  	_ =	strace $0x80000047;
	s6 =	smov.u32 @p0 s8;
	s5 =	sshll.u32 s5, $0x4  }
0xd: {  	s11 =	sshrl.u32 s28, $0x3;
	p0 =	sne.s32 s6, $0x4F;
	s29 =	sadd.s32 s5, s9  }
0xe: {  	s5 =	sadd.s32 $0x15E00, s9;
	s9 =	sadd.s32 s11, s9;
	s11 =	ssub.s32 s30, s13  }
0xf: {  	s13 =	sor.u32 $0x1C01, s31;
	s7 =	sadd.s32 $0xC040, s29;
	s8 =	sadd.s32 $0xC520, s29  }
0x10: {  	s9 =	sadd.s32 $0x16000, s9;
	s10 =	smax.u32 s11, $0x1;
	s11 =	simm.s32 $0x1  }
.LBB2_1:
0x11: {  	[tilespmem:s4], [sflag:$0x1] =	stream.linear.gather [hbm4b:s7+s4], $0x2700, $0x38;
	[tilespmem:$0x5780] =	vst v63  }
0x12: {  	_ =	swait.ge [sflag:s11], $0x2700  }
0x13: {  	[sflag:s11] =	ssyncset.done $0x0  }
0x14: {  	[sflag:s11] =	ssyncadd.s32 $0xFFFFD900  }
0x15: {  	[tilespmem:s12], [sflag:$0x1] =	stream.linear.gather [hbm4b:s5+s4], $0x800, $0x38;
	[tilespmem:$0x5780] =	vst v63  }
0x16: {  	_ =	swait.ge [sflag:s11], $0x800  }
0x17: {  	[sflag:s11] =	ssyncset.done $0x0  }
0x18: {  	[sflag:s11] =	ssyncadd.s32 $0xFFFFF800  }
0x19: {  	[spmem:s14], [sflag:s13] =	dma.local [hbm:s2], $0x500  }
0x1a: {  	_ =	swait.ge [sflag:s11], $0x500  }
0x1b: {  	[sflag:s11] =	ssyncset.done $0x0  }
0x1c: {  	s17 =	simm.s32 @!p0 $0x0;
	s18 =	simm.s32 @!p0 $0x2700;
	[sflag:s11] =	ssyncadd.s32 $0xFFFFFB00  }
0x1d: {  	[tilespmem:s18], [sflag:$0x1] =	stream.linear.gather @!p0 [hbm4b:s8+s17], $0x80, $0x38;
	[tilespmem:$0x5780] =	vst v63  }
0x1e: {  	s17 =	simm.s32 @!p0 $0x1  }
0x1f: {  	_ =	swait.ge @!p0 [sflag:s17], $0x80  }
0x20: {  	p1 =	sne.s32 s6, $0x1;
	[sflag:s17] =	ssyncset.done @!p0 $0x0  }
.Ltmp0:
0x21: {  	[sflag:s17] =	ssyncadd.s32 @!p0 $0xFFFFFF80;
	(pc) =	sbr.rel @!p1 .LBB2_3-.Ltmp0, $4  }
0x22: {  	[bflag:$0x0] =	sbarrier.arrive $0xFFFF  }
0x23: {  	[spmem:s3] =	stream.indirect.scatter.add.f32 [tilespmem:s12], [sflag:$0x1], $0x10, s4, s15, $0xb8;
	[tilespmem:$0x5780] =	vst v63  }
0x24: {  	_ =	swait.ge [sflag:s11], $0x800  }
0x25: {  	s18 =	simm.s32 $0x0;
	s17 =	sadd.s32 $0xFFFFFFFF, s6;
	[sflag:s11] =	ssyncset.done $0x0  }
.LBB2_2:
0x26: {  	p1 =	sne.s32 s17, $0x1;
	[sflag:s11] =	ssyncadd.s32 $0xFFFFF800;
	s18 =	sadd.s32 $0x80, s18  }
.Ltmp1:
0x27: {  	s17 =	sadd.s32 $0xFFFFFFFF, s17;
	(pc) =	sbr.rel @p1 .LBB2_2-.Ltmp1, $4  }
0x28: {  	_ = 	snop  }
0x29: {  	[spmem:s3] =	stream.indirect.scatter.add.f32 [tilespmem:s12], [sflag:$0x1], $0x10, s18, s15, $0xb8;
	[tilespmem:$0x5780] =	vst v63  }
0x2a: {  	_ =	swait.ge [sflag:s11], $0x800  }
0x2b: {  	[sflag:s11] =	ssyncset.done $0x0  }
.LBB2_3:
0x2c: {  	s16 =	sadd.s32 $0x1, s16  }
0x2d: {  	[sflag:s11] =	ssyncadd.s32 $0xFFFFF800;
	p1 =	sne.s32 s16, s10  }
.Ltmp2:
0x2e: {  	[bflag:$0x0] =	sbarrier.arrive $0xFFFF;
	(pc) =	sbr.rel @p1 .LBB2_1-.Ltmp2, $4  }
0x2f: {  	[hbm:s9], [sflag:s13] =	dma.local [spmem:s14], $0x500  }
0x30: {  	_ =	swait.ge [sflag:s11], $0x500  }
0x31: {  	[sflag:s11] =	ssyncset.done $0x0  }
0x32: {  	[sflag:s11] =	ssyncadd.s32 $0xFFFFFB00  }
0x33: {  	_ =	sfence.sel $0x180000  }
0x34: {  	[bflag:$0x0] =	sbarrier.arrive $0xFFFF  }
0x35: {  	p0 =	sne.s32 s0, $0x0;
	_ =	strace $0x90000047  }
0x36: {  	s0 =	sadd.s32 @!p0 $0x100000, s1;
	[bflag:$0x2] =	sbarrier.arrive $0xFFFF  }
0x37: {  	[sflag:s0] =	ssyncadd.tile.s32 @!p0 $0x1;
	_ =	shalt  }
.Lfunc_end2:
_tile_overlayer_lowered:
.L_overlay_start_2:
0x38: {  	(tag) =	ssettag $0x2  }
0x39: {  	s0 =	rddreg [dreg:$0x0];
	s2 =	stileid.u32  }
0x3a: {  	s1 =	rddreg [dreg:$0x1];
	p0 =	sne.s32 s2, $0x0  }
0x3b: {  	s3 =	rddreg [dreg:$0x2];
	[bflag:$0x3] =	sbarrier.arrive $0xFFFF;
	s2 =	simm.s32 @!p0 $0x1C01  }
0x3c: {  	[timem:s3], [sflag:s2] =	dma.local @!p0 [hbm:s0], s1  }
0x3d: {  	s0 =	simm.s32 @!p0 $0x1  }
0x3e: {  	_ =	swait.ge @!p0 [sflag:s0], s1  }
0x3f: {  	s1 =	ssub.s32 @!p0 $0x0, s1;
	[sflag:s0] =	ssyncset.done @!p0 $0x0  }
0x40: {  	[sflag:s0] =	ssyncadd.s32 @!p0 s1  }
0x41: {  	[bflag:$0x3] =	sbarrier.arrive $0xFFFF  }
0x42: {  	_ =	shalt  }

</sc_bundles>
